<compile_context>
chip_gen: v7x
topology: tpu7x:2x2x1
jax: 0.10.2.dev20260603
libtpu: 0.0.44.dev20260713+nightly
codegen_flags: <defaults>
</compile_context>

<pallas_src>
import functools

import numpy as np
import jax
import jax.numpy as jnp
from jax import lax
from jax.experimental import pallas as pl
from jax.experimental.pallas import tpu as pltpu
from jax.experimental.pallas import tpu_sc as plsc

_BINS = np.array([-10, -2.15387469, -1.86273187, -1.67593972, -1.53412054,
                  -1.41779714, -1.3180109, -1.22985876, -1.15034938,
                  -1.07751557, -1.00999017, -0.94678176, -0.88714656,
                  -0.83051088, -0.77642176, -0.72451438, -0.67448975,
                  -0.62609901, -0.57913216, -0.53340971, -0.48877641,
                  -0.44509652, -0.40225007, -0.36012989, -0.31863936,
                  -0.27769044, -0.23720211, -0.19709908, -0.15731068,
                  -0.11776987, -0.07841241, -0.03917609, 0.0, 0.03917609,
                  0.07841241, 0.11776987, 0.15731068, 0.19709908, 0.23720211,
                  0.27769044, 0.31863936, 0.36012989, 0.40225007, 0.44509652,
                  0.48877641, 0.53340971, 0.57913216, 0.62609901, 0.67448975,
                  0.72451438, 0.77642176, 0.83051088, 0.88714656, 0.94678176,
                  1.00999017, 1.07751557, 1.15034938, 1.22985876, 1.3180109,
                  1.41779714, 1.53412054, 1.67593972, 1.86273187, 2.15387469,
                  10], dtype=np.float32)

_GLO = np.float32(-2.2)
_GHI = np.float32(2.2)
_NCELLS = 256
_INVH = np.float32(_NCELLS / (_GHI - _GLO))
_EDGES_HI = _BINS[1:65]
_cell_starts = _GLO + np.arange(_NCELLS, dtype=np.float32) / _INVH
_GUESS = np.searchsorted(_EDGES_HI, _cell_starts, side="left").astype(np.int32)
assert int(_GUESS.max()) <= 63

_CONST_F = np.stack([
    _BINS[1:65],
    _BINS[0:64],
    (1.0 / (_BINS[1:65] - _BINS[0:64] + 1e-8)).astype(np.float32),
]).astype(np.float32)

_L = 16
_NTILES = 32


def kernel(x, W, b):
    B, N = x.shape
    D = W.shape[1]
    ROWS = B // _NTILES
    NG = ROWS // _L

    xf = x.reshape(B * N)
    Wf = W.reshape(N, D * 64)
    constf = jnp.asarray(_CONST_F)
    guess = jnp.asarray(_GUESS)

    mesh = plsc.VectorSubcoreMesh(core_axis_name="c", subcore_axis_name="s")

    @functools.partial(
        pl.kernel,
        mesh=mesh,
        compiler_params=pltpu.CompilerParams(
            use_tc_tiling_on_sc=False, needs_layout_passes=False),
        out_type=jax.ShapeDtypeStruct((N, D // 8, B // 128, 8, 128),
                                      jnp.float32),
        scratch_types=[
            pltpu.VMEM((ROWS * N,), jnp.float32),
            pltpu.VMEM((D * 64,), jnp.float32),
            pltpu.VMEM((D * 64,), jnp.float32),
            pltpu.VMEM((D,), jnp.float32),
            pltpu.VMEM((D,), jnp.float32),
            pltpu.VMEM((64,), jnp.float32),
            pltpu.VMEM((64,), jnp.float32),
            pltpu.VMEM((64,), jnp.float32),
            pltpu.VMEM((_NCELLS,), jnp.int32),
            pltpu.VMEM((64 * D,), jnp.float32),
            pltpu.VMEM((64 * D,), jnp.float32),
            pltpu.VMEM((D // 8, ROWS // 128, 8, 128), jnp.float32),
            pltpu.VMEM((D // 8, ROWS // 128, 8, 128), jnp.float32),
            pltpu.SemaphoreType.DMA,
            pltpu.SemaphoreType.DMA,
            pltpu.SemaphoreType.DMA,
            pltpu.SemaphoreType.DMA,
            pltpu.SemaphoreType.DMA,
        ],
    )
    def run(x_h, W_h, b_h, cf_h, g_h, out_h,
            xblk, wb0, wb1, bb0, bb1, hi_e, lo_e, iw_e, gbuf, t0, t1,
            ob0, ob1, xsem, wsem0, wsem1, osem0, osem1):
        wid = lax.axis_index("c") * 16 + lax.axis_index("s")
        row0 = wid * ROWS
        bt0 = wid * (ROWS // 128)
        NBT = ROWS // 128
        pltpu.async_copy(x_h.at[pl.ds(row0 * N, ROWS * N)], xblk, xsem)
        pltpu.sync_copy(cf_h.at[0], hi_e)
        pltpu.sync_copy(cf_h.at[1], lo_e)
        pltpu.sync_copy(cf_h.at[2], iw_e)
        pltpu.sync_copy(g_h, gbuf)
        pltpu.async_copy(W_h.at[0], wb0, wsem0)
        pltpu.async_copy(b_h.at[0], bb0, wsem0)
        pltpu.async_copy(W_h.at[1], wb1, wsem1)
        pltpu.async_copy(b_h.at[1], bb1, wsem1)
        iota = lax.iota(jnp.int32, _L)
        iota64 = iota * 64
        iotaN = iota * N
        dt_vec = lax.shift_right_logical(iota, 3)
        rr_vec = lax.bitwise_and(iota, 7)
        pltpu.make_async_copy(x_h.at[pl.ds(row0 * N, ROWS * N)], xblk,
                              xsem).wait()

        def one_field(n, i2, wb, bb, wsem, ob, osem):
            pltpu.make_async_copy(W_h.at[0], wb, wsem).wait()
            pltpu.make_async_copy(b_h.at[0], bb, wsem).wait()

            def build(j, acc):
                wrow = plsc.load_gather(wb, [iota64 + j])
                base = j * D + iota
                plsc.store_scatter(t1, [base], wrow)
                plsc.store_scatter(t0, [base], acc)
                return acc + wrow

            lax.fori_loop(0, 64, build, bb[...])

            nn = jnp.minimum(n + 2, N - 1)
            pltpu.async_copy(W_h.at[nn], wb, wsem)
            pltpu.async_copy(b_h.at[nn], bb, wsem)

            @pl.when(i2 >= 1)
            def _():
                pltpu.make_async_copy(
                    ob, out_h.at[0, :, pl.ds(bt0, NBT)], osem).wait()

            xoff = iotaN + n

            def group(g, c2):
                xv = plsc.load_gather(xblk, [g * (_L * N) + xoff])
                q = (jnp.clip(xv, _GLO, _GHI) - _GLO) * _INVH
                q = jnp.minimum(q.astype(jnp.int32), _NCELLS - 1)
                p0 = plsc.load_gather(gbuf, [q])
                edge = plsc.load_gather(hi_e, [p0])
                pos = jnp.minimum(p0 + jnp.where(edge < xv, 1, 0), 63)
                nv = (xv - plsc.load_gather(lo_e, [pos])) \
                    * plsc.load_gather(iw_e, [pos])
                pv = pos * D
                btv = jnp.full((_L,), lax.shift_right_logical(g, 3),
                               jnp.int32)
                cbase = jnp.full((_L,), lax.bitwise_and(g, 7) * _L,
                                 jnp.int32)
                for k in range(_L):
                    off = pv[k]
                    nm = nv[k]
                    r0 = t0[pl.ds(off, _L)]
                    r1 = t1[pl.ds(off, _L)]
                    plsc.store_scatter(ob, [dt_vec, btv, rr_vec, cbase + k],
                                       jnp.maximum(r0 + nm * r1, 0.0))
                return c2

            lax.fori_loop(0, NG, group, 0, unroll=2)
            pltpu.async_copy(ob, out_h.at[n, :, pl.ds(bt0, NBT)], osem)

        def pair(i2, carry):
            one_field(2 * i2, i2, wb0, bb0, wsem0, ob0, osem0)
            one_field(2 * i2 + 1, i2, wb1, bb1, wsem1, ob1, osem1)
            return carry

        lax.fori_loop(0, N // 2, pair, 0)
        pltpu.make_async_copy(ob0, out_h.at[0, :, pl.ds(bt0, NBT)],
                              osem0).wait()
        pltpu.make_async_copy(ob1, out_h.at[0, :, pl.ds(bt0, NBT)],
                              osem1).wait()
        pltpu.make_async_copy(W_h.at[0], wb0, wsem0).wait()
        pltpu.make_async_copy(b_h.at[0], bb0, wsem0).wait()
        pltpu.make_async_copy(W_h.at[0], wb1, wsem1).wait()
        pltpu.make_async_copy(b_h.at[0], bb1, wsem1).wait()

    res5 = run(xf, Wf, b, constf, guess)
    return jnp.transpose(res5, (2, 4, 0, 1, 3)).reshape(B, N, D)

# --- scband reference (transcript-rebuilt; emitter-appended) ---
"""Pipeline reference for scband-numerical-embedder-62491774157445 (READ-ONLY COPY).

The authoritative reference and input builder live on the scoring server;
editing this copy changes nothing except your own understanding.
"""

import jax, jax.numpy as jnp
import numpy as np

BINS = np.array([-10, -2.15387469, -1.86273187, -1.67593972, -1.53412054, -1.41779714, -1.3180109, -1.22985876, -1.15034938, -1.07751557, -1.00999017, -0.94678176, -0.88714656, -0.83051088, -0.77642176, -0.72451438, -0.67448975, -0.62609901, -0.57913216, -0.53340971, -0.48877641, -0.44509652, -0.40225007, -0.36012989, -0.31863936, -0.27769044, -0.23720211, -0.19709908, -0.15731068, -0.11776987, -0.07841241, -0.03917609, 0.0, 0.03917609, 0.07841241, 0.11776987, 0.15731068, 0.19709908, 0.23720211, 0.27769044, 0.31863936, 0.36012989, 0.40225007, 0.44509652, 0.48877641, 0.53340971, 0.57913216, 0.62609901, 0.67448975, 0.72451438, 0.77642176, 0.83051088, 0.88714656, 0.94678176, 1.00999017, 1.07751557, 1.15034938, 1.22985876, 1.3180109, 1.41779714, 1.53412054, 1.67593972, 1.86273187, 2.15387469, 10], dtype=np.float32)

BATCH = 16384
N_FIELDS = 100
DIM = 16
N_COLS = len(BINS) - 1  # 64


def setup_inputs(seed: int = 0) -> dict:
    key = jax.random.key(seed)
    k1, k2, k3 = jax.random.split(key, 3)
    x = jax.random.normal(k1, (BATCH, N_FIELDS), dtype=jnp.float32)
    # per-field Linear(64 -> dim): weights [n, dim, 64], biases [n, dim]
    bound = 1.0 / np.sqrt(N_COLS)
    W = jax.random.uniform(k2, (N_FIELDS, DIM, N_COLS), dtype=jnp.float32, minval=-bound, maxval=bound)
    b = jax.random.uniform(k3, (N_FIELDS, DIM), dtype=jnp.float32, minval=-bound, maxval=bound)
    return {"x": x, "W": W, "b": b}


def expand_to_cols(value):
    # value: [b, n] float. Mirrors expand_to_10_columns from the torch module.
    bins = jnp.asarray(BINS)
    n_cols = bins.shape[0] - 1
    # torch.bucketize(value, bins) with right=False == searchsorted side='left'
    indices = jnp.searchsorted(bins, value, side='left') - 1
    indices = jnp.clip(indices, 0, n_cols - 1)
    min_vals = bins[indices]
    max_vals = bins[indices + 1]
    normalized = (value - min_vals) / (max_vals - min_vals + 1e-08)
    col = jnp.arange(n_cols)
    # result[mask] = 1.0 where col < index
    result = jnp.where(col[None, None, :] < indices[..., None], 1.0, 0.0)
    # scatter_(2, indices, normalized) -> overwrite at the bucket index
    result = jnp.where(col[None, None, :] == indices[..., None], normalized[..., None], result)
    return result


def reference(x, W, b):
    feats = expand_to_cols(x)  # [B, N, 64]
    # per-field linear: outputs[i] = feats[:, i, :] @ W[i].T + b[i]
    out = jnp.einsum('bnf,ndf->bnd', feats, W) + b[None, :, :]
    return jax.nn.relu(out)

if __name__ == "__main__":
    import jax
    _d = setup_inputs()
    print(jax.jit(kernel)(*tuple(_d.values())))

</pallas_src>

<mosaic_0001>
#map = affine_map<(d0, d1) -> (0)>
#map1 = affine_map<(d0, d1) -> (0, 0)>
#map2 = affine_map<(d0, d1) -> (0, 0, 0, 0, 0)>
module attributes {stable_mosaic.version = 14 : i64} {
  func.func @run(%arg0: i32, %arg1: i32, %arg2: memref<1638400xf32, #tpu.memory_space<hbm>>, %arg3: memref<100x1024xf32, #tpu.memory_space<hbm>>, %arg4: memref<100x16xf32, #tpu.memory_space<hbm>>, %arg5: memref<3x64xf32, #tpu.memory_space<hbm>>, %arg6: memref<256xi32, #tpu.memory_space<hbm>>, %arg7: memref<100x2x128x8x128xf32, #tpu.memory_space<hbm>>, %arg8: memref<51200xf32, #tpu.memory_space<vmem>>, %arg9: memref<1024xf32, #tpu.memory_space<vmem>>, %arg10: memref<1024xf32, #tpu.memory_space<vmem>>, %arg11: memref<16xf32, #tpu.memory_space<vmem>>, %arg12: memref<16xf32, #tpu.memory_space<vmem>>, %arg13: memref<64xf32, #tpu.memory_space<vmem>>, %arg14: memref<64xf32, #tpu.memory_space<vmem>>, %arg15: memref<64xf32, #tpu.memory_space<vmem>>, %arg16: memref<256xi32, #tpu.memory_space<vmem>>, %arg17: memref<1024xf32, #tpu.memory_space<vmem>>, %arg18: memref<1024xf32, #tpu.memory_space<vmem>>, %arg19: memref<2x4x8x128xf32, #tpu.memory_space<vmem>>, %arg20: memref<2x4x8x128xf32, #tpu.memory_space<vmem>>, %arg21: memref<!tpu.dma_semaphore, #tpu.memory_space<semaphore_mem>>, %arg22: memref<!tpu.dma_semaphore, #tpu.memory_space<semaphore_mem>>, %arg23: memref<!tpu.dma_semaphore, #tpu.memory_space<semaphore_mem>>, %arg24: memref<!tpu.dma_semaphore, #tpu.memory_space<semaphore_mem>>, %arg25: memref<!tpu.dma_semaphore, #tpu.memory_space<semaphore_mem>>) attributes {dimension_semantics = [#tpu.dimension_semantics<core_parallel>, #tpu.dimension_semantics<subcore_parallel>], iteration_bounds = array<i64: 2, 16>, scalar_prefetch = 0 : i64, scratch_operands = 18 : i64, tpu.core_type = #tpu.core_type<sc_vector_subcore>, window_params = [{transform_indices = #map}, {transform_indices = #map1}, {transform_indices = #map1}, {transform_indices = #map1}, {transform_indices = #map}, {transform_indices = #map2}]} {
    %mul3A = arith.constant 16 : i32
    %mul3A_0 = arith.muli %arg0, %mul3A : i32
    %add3A = arith.addi %mul3A_0, %arg1 : i32
    %mul3A_1 = arith.constant 512 : i32
    %mul3A_2 = arith.muli %add3A, %mul3A_1 : i32
    %mul3A_3 = arith.constant 4 : i32
    %mul3A_4 = arith.muli %add3A, %mul3A_3 : i32
    %mul3A_5 = arith.constant 100 : i32
    %mul3A_6 = arith.muli %mul3A_2, %mul3A_5 : i32
    %dma_start3A = tpu.memref_slice %arg2[%mul3A_6] : memref<1638400xf32, #tpu.memory_space<hbm>> -> memref<51200xf32, #tpu.memory_space<hbm>>
    %dma_start3A_7 = tpu.memref_slice %arg2[%mul3A_6] : memref<1638400xf32, #tpu.memory_space<hbm>> -> memref<51200xf32, #tpu.memory_space<hbm>>
    tpu.enqueue_dma source(%dma_start3A_7 : memref<51200xf32, #tpu.memory_space<hbm>>) target(%arg8 : memref<51200xf32, #tpu.memory_space<vmem>>) target_semaphore(%arg21 : memref<!tpu.dma_semaphore, #tpu.memory_space<semaphore_mem>>)
    %run_scoped3A = arith.constant 0 : i32
    "tpu.region"() ({
      %run_scoped3A_106 = tpu.sem_alloc : memref<!tpu.dma_semaphore, #tpu.memory_space<semaphore_mem>>
      %dma_start3A_107 = arith.constant 0 : i32
      %dma_start3A_108 = tpu.memref_slice %arg5[%run_scoped3A, %dma_start3A_107] : memref<3x64xf32, #tpu.memory_space<hbm>> -> memref<1x64xf32, #tpu.memory_space<hbm>>
      %dma_start3A_109 = tpu.memref_squeeze %dma_start3A_108 : memref<1x64xf32, #tpu.memory_space<hbm>> -> memref<64xf32, #tpu.memory_space<hbm>>
      %dma_start3A_110 = arith.constant 0 : i32
      %dma_start3A_111 = tpu.memref_slice %arg5[%run_scoped3A, %dma_start3A_110] : memref<3x64xf32, #tpu.memory_space<hbm>> -> memref<1x64xf32, #tpu.memory_space<hbm>>
      %dma_start3A_112 = tpu.memref_squeeze %dma_start3A_111 : memref<1x64xf32, #tpu.memory_space<hbm>> -> memref<64xf32, #tpu.memory_space<hbm>>
      tpu.enqueue_dma source(%dma_start3A_112 : memref<64xf32, #tpu.memory_space<hbm>>) target(%arg13 : memref<64xf32, #tpu.memory_space<vmem>>) target_semaphore(%run_scoped3A_106 : memref<!tpu.dma_semaphore, #tpu.memory_space<semaphore_mem>>)
      %dma_wait3A_113 = arith.constant 0 : i32
      %dma_wait3A_114 = tpu.memref_slice %arg5[%run_scoped3A, %dma_wait3A_113] : memref<3x64xf32, #tpu.memory_space<hbm>> -> memref<1x64xf32, #tpu.memory_space<hbm>>
      %dma_wait3A_115 = tpu.memref_squeeze %dma_wait3A_114 : memref<1x64xf32, #tpu.memory_space<hbm>> -> memref<64xf32, #tpu.memory_space<hbm>>
      %dma_wait3A_116 = arith.constant 0 : i32
      %dma_wait3A_117 = tpu.memref_slice %arg5[%run_scoped3A, %dma_wait3A_116] : memref<3x64xf32, #tpu.memory_space<hbm>> -> memref<1x64xf32, #tpu.memory_space<hbm>>
      %dma_wait3A_118 = tpu.memref_squeeze %dma_wait3A_117 : memref<1x64xf32, #tpu.memory_space<hbm>> -> memref<64xf32, #tpu.memory_space<hbm>>
      tpu.wait_dma2 semaphore(%run_scoped3A_106 : memref<!tpu.dma_semaphore, #tpu.memory_space<semaphore_mem>>) src(%dma_wait3A_118 : memref<64xf32, #tpu.memory_space<hbm>>) dst(%arg13 : memref<64xf32, #tpu.memory_space<vmem>>)
      tpu.yield
    }) : () -> ()
    %run_scoped3A_8 = arith.constant 1 : i32
    "tpu.region"() ({
      %run_scoped3A_106 = tpu.sem_alloc : memref<!tpu.dma_semaphore, #tpu.memory_space<semaphore_mem>>
      %dma_start3A_107 = arith.constant 0 : i32
      %dma_start3A_108 = tpu.memref_slice %arg5[%run_scoped3A_8, %dma_start3A_107] : memref<3x64xf32, #tpu.memory_space<hbm>> -> memref<1x64xf32, #tpu.memory_space<hbm>>
      %dma_start3A_109 = tpu.memref_squeeze %dma_start3A_108 : memref<1x64xf32, #tpu.memory_space<hbm>> -> memref<64xf32, #tpu.memory_space<hbm>>
      %dma_start3A_110 = arith.constant 0 : i32
      %dma_start3A_111 = tpu.memref_slice %arg5[%run_scoped3A_8, %dma_start3A_110] : memref<3x64xf32, #tpu.memory_space<hbm>> -> memref<1x64xf32, #tpu.memory_space<hbm>>
      %dma_start3A_112 = tpu.memref_squeeze %dma_start3A_111 : memref<1x64xf32, #tpu.memory_space<hbm>> -> memref<64xf32, #tpu.memory_space<hbm>>
      tpu.enqueue_dma source(%dma_start3A_112 : memref<64xf32, #tpu.memory_space<hbm>>) target(%arg14 : memref<64xf32, #tpu.memory_space<vmem>>) target_semaphore(%run_scoped3A_106 : memref<!tpu.dma_semaphore, #tpu.memory_space<semaphore_mem>>)
      %dma_wait3A_113 = arith.constant 0 : i32
      %dma_wait3A_114 = tpu.memref_slice %arg5[%run_scoped3A_8, %dma_wait3A_113] : memref<3x64xf32, #tpu.memory_space<hbm>> -> memref<1x64xf32, #tpu.memory_space<hbm>>
      %dma_wait3A_115 = tpu.memref_squeeze %dma_wait3A_114 : memref<1x64xf32, #tpu.memory_space<hbm>> -> memref<64xf32, #tpu.memory_space<hbm>>
      %dma_wait3A_116 = arith.constant 0 : i32
      %dma_wait3A_117 = tpu.memref_slice %arg5[%run_scoped3A_8, %dma_wait3A_116] : memref<3x64xf32, #tpu.memory_space<hbm>> -> memref<1x64xf32, #tpu.memory_space<hbm>>
      %dma_wait3A_118 = tpu.memref_squeeze %dma_wait3A_117 : memref<1x64xf32, #tpu.memory_space<hbm>> -> memref<64xf32, #tpu.memory_space<hbm>>
      tpu.wait_dma2 semaphore(%run_scoped3A_106 : memref<!tpu.dma_semaphore, #tpu.memory_space<semaphore_mem>>) src(%dma_wait3A_118 : memref<64xf32, #tpu.memory_space<hbm>>) dst(%arg14 : memref<64xf32, #tpu.memory_space<vmem>>)
      tpu.yield
    }) : () -> ()
    %run_scoped3A_9 = arith.constant 2 : i32
    "tpu.region"() ({
      %run_scoped3A_106 = tpu.sem_alloc : memref<!tpu.dma_semaphore, #tpu.memory_space<semaphore_mem>>
      %dma_start3A_107 = arith.constant 0 : i32
      %dma_start3A_108 = tpu.memref_slice %arg5[%run_scoped3A_9, %dma_start3A_107] : memref<3x64xf32, #tpu.memory_space<hbm>> -> memref<1x64xf32, #tpu.memory_space<hbm>>
      %dma_start3A_109 = tpu.memref_squeeze %dma_start3A_108 : memref<1x64xf32, #tpu.memory_space<hbm>> -> memref<64xf32, #tpu.memory_space<hbm>>
      %dma_start3A_110 = arith.constant 0 : i32
      %dma_start3A_111 = tpu.memref_slice %arg5[%run_scoped3A_9, %dma_start3A_110] : memref<3x64xf32, #tpu.memory_space<hbm>> -> memref<1x64xf32, #tpu.memory_space<hbm>>
      %dma_start3A_112 = tpu.memref_squeeze %dma_start3A_111 : memref<1x64xf32, #tpu.memory_space<hbm>> -> memref<64xf32, #tpu.memory_space<hbm>>
      tpu.enqueue_dma source(%dma_start3A_112 : memref<64xf32, #tpu.memory_space<hbm>>) target(%arg15 : memref<64xf32, #tpu.memory_space<vmem>>) target_semaphore(%run_scoped3A_106 : memref<!tpu.dma_semaphore, #tpu.memory_space<semaphore_mem>>)
      %dma_wait3A_113 = arith.constant 0 : i32
      %dma_wait3A_114 = tpu.memref_slice %arg5[%run_scoped3A_9, %dma_wait3A_113] : memref<3x64xf32, #tpu.memory_space<hbm>> -> memref<1x64xf32, #tpu.memory_space<hbm>>
      %dma_wait3A_115 = tpu.memref_squeeze %dma_wait3A_114 : memref<1x64xf32, #tpu.memory_space<hbm>> -> memref<64xf32, #tpu.memory_space<hbm>>
      %dma_wait3A_116 = arith.constant 0 : i32
      %dma_wait3A_117 = tpu.memref_slice %arg5[%run_scoped3A_9, %dma_wait3A_116] : memref<3x64xf32, #tpu.memory_space<hbm>> -> memref<1x64xf32, #tpu.memory_space<hbm>>
      %dma_wait3A_118 = tpu.memref_squeeze %dma_wait3A_117 : memref<1x64xf32, #tpu.memory_space<hbm>> -> memref<64xf32, #tpu.memory_space<hbm>>
      tpu.wait_dma2 semaphore(%run_scoped3A_106 : memref<!tpu.dma_semaphore, #tpu.memory_space<semaphore_mem>>) src(%dma_wait3A_118 : memref<64xf32, #tpu.memory_space<hbm>>) dst(%arg15 : memref<64xf32, #tpu.memory_space<vmem>>)
      tpu.yield
    }) : () -> ()
    "tpu.region"() ({
      %run_scoped3A_106 = tpu.sem_alloc : memref<!tpu.dma_semaphore, #tpu.memory_space<semaphore_mem>>
      tpu.enqueue_dma source(%arg6 : memref<256xi32, #tpu.memory_space<hbm>>) target(%arg16 : memref<256xi32, #tpu.memory_space<vmem>>) target_semaphore(%run_scoped3A_106 : memref<!tpu.dma_semaphore, #tpu.memory_space<semaphore_mem>>)
      tpu.wait_dma2 semaphore(%run_scoped3A_106 : memref<!tpu.dma_semaphore, #tpu.memory_space<semaphore_mem>>) src(%arg6 : memref<256xi32, #tpu.memory_space<hbm>>) dst(%arg16 : memref<256xi32, #tpu.memory_space<vmem>>)
      tpu.yield
    }) : () -> ()
    %dma_start3A_10 = arith.constant 0 : i32
    %dma_start3A_11 = arith.constant 0 : i32
    %dma_start3A_12 = tpu.memref_slice %arg3[%dma_start3A_10, %dma_start3A_11] : memref<100x1024xf32, #tpu.memory_space<hbm>> -> memref<1x1024xf32, #tpu.memory_space<hbm>>
    %dma_start3A_13 = tpu.memref_squeeze %dma_start3A_12 : memref<1x1024xf32, #tpu.memory_space<hbm>> -> memref<1024xf32, #tpu.memory_space<hbm>>
    %dma_start3A_14 = arith.constant 0 : i32
    %dma_start3A_15 = tpu.memref_slice %arg3[%dma_start3A_10, %dma_start3A_14] : memref<100x1024xf32, #tpu.memory_space<hbm>> -> memref<1x1024xf32, #tpu.memory_space<hbm>>
    %dma_start3A_16 = tpu.memref_squeeze %dma_start3A_15 : memref<1x1024xf32, #tpu.memory_space<hbm>> -> memref<1024xf32, #tpu.memory_space<hbm>>
    tpu.enqueue_dma source(%dma_start3A_16 : memref<1024xf32, #tpu.memory_space<hbm>>) target(%arg9 : memref<1024xf32, #tpu.memory_space<vmem>>) target_semaphore(%arg22 : memref<!tpu.dma_semaphore, #tpu.memory_space<semaphore_mem>>)
    %dma_start3A_17 = arith.constant 0 : i32
    %dma_start3A_18 = arith.constant 0 : i32
    %dma_start3A_19 = tpu.memref_slice %arg4[%dma_start3A_17, %dma_start3A_18] : memref<100x16xf32, #tpu.memory_space<hbm>> -> memref<1x16xf32, #tpu.memory_space<hbm>>
    %dma_start3A_20 = tpu.memref_squeeze %dma_start3A_19 : memref<1x16xf32, #tpu.memory_space<hbm>> -> memref<16xf32, #tpu.memory_space<hbm>>
    %dma_start3A_21 = arith.constant 0 : i32
    %dma_start3A_22 = tpu.memref_slice %arg4[%dma_start3A_17, %dma_start3A_21] : memref<100x16xf32, #tpu.memory_space<hbm>> -> memref<1x16xf32, #tpu.memory_space<hbm>>
    %dma_start3A_23 = tpu.memref_squeeze %dma_start3A_22 : memref<1x16xf32, #tpu.memory_space<hbm>> -> memref<16xf32, #tpu.memory_space<hbm>>
    tpu.enqueue_dma source(%dma_start3A_23 : memref<16xf32, #tpu.memory_space<hbm>>) target(%arg11 : memref<16xf32, #tpu.memory_space<vmem>>) target_semaphore(%arg22 : memref<!tpu.dma_semaphore, #tpu.memory_space<semaphore_mem>>)
    %dma_start3A_24 = arith.constant 1 : i32
    %dma_start3A_25 = arith.constant 0 : i32
    %dma_start3A_26 = tpu.memref_slice %arg3[%dma_start3A_24, %dma_start3A_25] : memref<100x1024xf32, #tpu.memory_space<hbm>> -> memref<1x1024xf32, #tpu.memory_space<hbm>>
    %dma_start3A_27 = tpu.memref_squeeze %dma_start3A_26 : memref<1x1024xf32, #tpu.memory_space<hbm>> -> memref<1024xf32, #tpu.memory_space<hbm>>
    %dma_start3A_28 = arith.constant 0 : i32
    %dma_start3A_29 = tpu.memref_slice %arg3[%dma_start3A_24, %dma_start3A_28] : memref<100x1024xf32, #tpu.memory_space<hbm>> -> memref<1x1024xf32, #tpu.memory_space<hbm>>
    %dma_start3A_30 = tpu.memref_squeeze %dma_start3A_29 : memref<1x1024xf32, #tpu.memory_space<hbm>> -> memref<1024xf32, #tpu.memory_space<hbm>>
    tpu.enqueue_dma source(%dma_start3A_30 : memref<1024xf32, #tpu.memory_space<hbm>>) target(%arg10 : memref<1024xf32, #tpu.memory_space<vmem>>) target_semaphore(%arg23 : memref<!tpu.dma_semaphore, #tpu.memory_space<semaphore_mem>>)
    %dma_start3A_31 = arith.constant 1 : i32
    %dma_start3A_32 = arith.constant 0 : i32
    %dma_start3A_33 = tpu.memref_slice %arg4[%dma_start3A_31, %dma_start3A_32] : memref<100x16xf32, #tpu.memory_space<hbm>> -> memref<1x16xf32, #tpu.memory_space<hbm>>
    %dma_start3A_34 = tpu.memref_squeeze %dma_start3A_33 : memref<1x16xf32, #tpu.memory_space<hbm>> -> memref<16xf32, #tpu.memory_space<hbm>>
    %dma_start3A_35 = arith.constant 0 : i32
    %dma_start3A_36 = tpu.memref_slice %arg4[%dma_start3A_31, %dma_start3A_35] : memref<100x16xf32, #tpu.memory_space<hbm>> -> memref<1x16xf32, #tpu.memory_space<hbm>>
    %dma_start3A_37 = tpu.memref_squeeze %dma_start3A_36 : memref<1x16xf32, #tpu.memory_space<hbm>> -> memref<16xf32, #tpu.memory_space<hbm>>
    tpu.enqueue_dma source(%dma_start3A_37 : memref<16xf32, #tpu.memory_space<hbm>>) target(%arg12 : memref<16xf32, #tpu.memory_space<vmem>>) target_semaphore(%arg23 : memref<!tpu.dma_semaphore, #tpu.memory_space<semaphore_mem>>)
    %iota3A = tpu.iota {dimensions = array<i32: 0>} : vector<16xi32>
    %mul3A_38 = arith.constant 64 : i32
    %mul3A_39 = vector.broadcast %mul3A_38 : i32 to vector<16xi32>
    %mul3A_40 = arith.muli %iota3A, %mul3A_39 : vector<16xi32>
    %mul3A_41 = arith.constant 100 : i32
    %mul3A_42 = vector.broadcast %mul3A_41 : i32 to vector<16xi32>
    %mul3A_43 = arith.muli %iota3A, %mul3A_42 : vector<16xi32>
    %shift_right_logical3A = arith.constant 3 : i32
    %shift_right_logical3A_44 = vector.broadcast %shift_right_logical3A : i32 to vector<16xi32>
    %shift_right_logical3A_45 = arith.shrui %iota3A, %shift_right_logical3A_44 : vector<16xi32>
    %and3A = arith.constant 7 : i32
    %and3A_46 = vector.broadcast %and3A : i32 to vector<16xi32>
    %and3A_47 = arith.andi %iota3A, %and3A_46 : vector<16xi32>
    %mul3A_48 = arith.constant 100 : i32
    %mul3A_49 = arith.muli %mul3A_2, %mul3A_48 : i32
    %dma_wait3A = tpu.memref_slice %arg2[%mul3A_49] : memref<1638400xf32, #tpu.memory_space<hbm>> -> memref<51200xf32, #tpu.memory_space<hbm>>
    %dma_wait3A_50 = tpu.memref_slice %arg2[%mul3A_49] : memref<1638400xf32, #tpu.memory_space<hbm>> -> memref<51200xf32, #tpu.memory_space<hbm>>
    tpu.wait_dma2 semaphore(%arg21 : memref<!tpu.dma_semaphore, #tpu.memory_space<semaphore_mem>>) src(%dma_wait3A_50 : memref<51200xf32, #tpu.memory_space<hbm>>) dst(%arg8 : memref<51200xf32, #tpu.memory_space<vmem>>)
    %scan3A = arith.constant 0 : i32
    %scan3A_51 = arith.constant 0 : i32
    %scan3A_52 = arith.constant 50 : i32
    %scan3A_53 = arith.addi %scan3A_51, %scan3A_52 : i32
    %scan3A_54 = arith.constant 1 : i32
    scf.for %scan3A_106 = %scan3A_51 to %scan3A_53 step %scan3A_54  : i32 {
      %mul3A_107 = arith.constant 2 : i32
      %mul3A_108 = arith.muli %mul3A_107, %scan3A_106 : i32
      %dma_wait3A_109 = arith.constant 0 : i32
      %dma_wait3A_110 = arith.constant 0 : i32
      %dma_wait3A_111 = tpu.memref_slice %arg3[%dma_wait3A_109, %dma_wait3A_110] : memref<100x1024xf32, #tpu.memory_space<hbm>> -> memref<1x1024xf32, #tpu.memory_space<hbm>>
      %dma_wait3A_112 = tpu.memref_squeeze %dma_wait3A_111 : memref<1x1024xf32, #tpu.memory_space<hbm>> -> memref<1024xf32, #tpu.memory_space<hbm>>
      %dma_wait3A_113 = arith.constant 0 : i32
      %dma_wait3A_114 = tpu.memref_slice %arg3[%dma_wait3A_109, %dma_wait3A_113] : memref<100x1024xf32, #tpu.memory_space<hbm>> -> memref<1x1024xf32, #tpu.memory_space<hbm>>
      %dma_wait3A_115 = tpu.memref_squeeze %dma_wait3A_114 : memref<1x1024xf32, #tpu.memory_space<hbm>> -> memref<1024xf32, #tpu.memory_space<hbm>>
      tpu.wait_dma2 semaphore(%arg22 : memref<!tpu.dma_semaphore, #tpu.memory_space<semaphore_mem>>) src(%dma_wait3A_115 : memref<1024xf32, #tpu.memory_space<hbm>>) dst(%arg9 : memref<1024xf32, #tpu.memory_space<vmem>>)
      %dma_wait3A_116 = arith.constant 0 : i32
      %dma_wait3A_117 = arith.constant 0 : i32
      %dma_wait3A_118 = tpu.memref_slice %arg4[%dma_wait3A_116, %dma_wait3A_117] : memref<100x16xf32, #tpu.memory_space<hbm>> -> memref<1x16xf32, #tpu.memory_space<hbm>>
      %dma_wait3A_119 = tpu.memref_squeeze %dma_wait3A_118 : memref<1x16xf32, #tpu.memory_space<hbm>> -> memref<16xf32, #tpu.memory_space<hbm>>
      %dma_wait3A_120 = arith.constant 0 : i32
      %dma_wait3A_121 = tpu.memref_slice %arg4[%dma_wait3A_116, %dma_wait3A_120] : memref<100x16xf32, #tpu.memory_space<hbm>> -> memref<1x16xf32, #tpu.memory_space<hbm>>
      %dma_wait3A_122 = tpu.memref_squeeze %dma_wait3A_121 : memref<1x16xf32, #tpu.memory_space<hbm>> -> memref<16xf32, #tpu.memory_space<hbm>>
      tpu.wait_dma2 semaphore(%arg22 : memref<!tpu.dma_semaphore, #tpu.memory_space<semaphore_mem>>) src(%dma_wait3A_122 : memref<16xf32, #tpu.memory_space<hbm>>) dst(%arg11 : memref<16xf32, #tpu.memory_space<vmem>>)
      %get3A = arith.constant 0 : index
      %get3A_123 = tpu.vector_load %arg11[%get3A] {strides = array<i32>} : memref<16xf32, #tpu.memory_space<vmem>>, vector<16xf32>,
      %scan3A_124 = arith.constant 0 : i32
      %scan3A_125 = arith.constant 64 : i32
      %scan3A_126 = arith.addi %scan3A_124, %scan3A_125 : i32
      %scan3A_127 = arith.constant 1 : i32
      %scan3A_128 = scf.for %scan3A_230 = %scan3A_124 to %scan3A_126 step %scan3A_127 iter_args(%scan3A_231 = %get3A_123) -> (vector<16xf32>)  : i32 {
        %add3A_232 = vector.broadcast %scan3A_230 : i32 to vector<16xi32>
        %add3A_233 = arith.addi %mul3A_40, %add3A_232 : vector<16xi32>
        %gather3A = tpu.vector_load_idx %arg9[%add3A_233] : memref<1024xf32, #tpu.memory_space<vmem>>[vector<16xi32>], vector<16xf32>,
        %mul3A_234 = arith.constant 16 : i32
        %mul3A_235 = arith.muli %scan3A_230, %mul3A_234 : i32
        %add3A_236 = vector.broadcast %mul3A_235 : i32 to vector<16xi32>
        %add3A_237 = arith.addi %add3A_236, %iota3A : vector<16xi32>
        tpu.vector_store_idx %arg18[%add3A_237], %gather3A : memref<1024xf32, #tpu.memory_space<vmem>>[vector<16xi32>], vector<16xf32>,
        tpu.vector_store_idx %arg17[%add3A_237], %scan3A_231 : memref<1024xf32, #tpu.memory_space<vmem>>[vector<16xi32>], vector<16xf32>,
        %add3A_238 = arith.addf %scan3A_231, %gather3A : vector<16xf32>
        scf.yield %add3A_238 : vector<16xf32>
      }
      %scan3A_129 = arith.constant 64 : i32
      %add3A_130 = arith.constant 2 : i32
      %add3A_131 = arith.addi %mul3A_108, %add3A_130 : i32
      %min3A = arith.constant 99 : i32
      %min3A_132 = arith.minsi %add3A_131, %min3A : i32
      %dma_start3A_133 = arith.constant 0 : i32
      %dma_start3A_134 = tpu.memref_slice %arg3[%min3A_132, %dma_start3A_133] : memref<100x1024xf32, #tpu.memory_space<hbm>> -> memref<1x1024xf32, #tpu.memory_space<hbm>>
      %dma_start3A_135 = tpu.memref_squeeze %dma_start3A_134 : memref<1x1024xf32, #tpu.memory_space<hbm>> -> memref<1024xf32, #tpu.memory_space<hbm>>
      %dma_start3A_136 = arith.constant 0 : i32
      %dma_start3A_137 = tpu.memref_slice %arg3[%min3A_132, %dma_start3A_136] : memref<100x1024xf32, #tpu.memory_space<hbm>> -> memref<1x1024xf32, #tpu.memory_space<hbm>>
      %dma_start3A_138 = tpu.memref_squeeze %dma_start3A_137 : memref<1x1024xf32, #tpu.memory_space<hbm>> -> memref<1024xf32, #tpu.memory_space<hbm>>
      tpu.enqueue_dma source(%dma_start3A_138 : memref<1024xf32, #tpu.memory_space<hbm>>) target(%arg9 : memref<1024xf32, #tpu.memory_space<vmem>>) target_semaphore(%arg22 : memref<!tpu.dma_semaphore, #tpu.memory_space<semaphore_mem>>)
      %dma_start3A_139 = arith.constant 0 : i32
      %dma_start3A_140 = tpu.memref_slice %arg4[%min3A_132, %dma_start3A_139] : memref<100x16xf32, #tpu.memory_space<hbm>> -> memref<1x16xf32, #tpu.memory_space<hbm>>
      %dma_start3A_141 = tpu.memref_squeeze %dma_start3A_140 : memref<1x16xf32, #tpu.memory_space<hbm>> -> memref<16xf32, #tpu.memory_space<hbm>>
      %dma_start3A_142 = arith.constant 0 : i32
      %dma_start3A_143 = tpu.memref_slice %arg4[%min3A_132, %dma_start3A_142] : memref<100x16xf32, #tpu.memory_space<hbm>> -> memref<1x16xf32, #tpu.memory_space<hbm>>
      %dma_start3A_144 = tpu.memref_squeeze %dma_start3A_143 : memref<1x16xf32, #tpu.memory_space<hbm>> -> memref<16xf32, #tpu.memory_space<hbm>>
      tpu.enqueue_dma source(%dma_start3A_144 : memref<16xf32, #tpu.memory_space<hbm>>) target(%arg11 : memref<16xf32, #tpu.memory_space<vmem>>) target_semaphore(%arg22 : memref<!tpu.dma_semaphore, #tpu.memory_space<semaphore_mem>>)
      %ge3A = arith.constant 1 : i32
      %ge3A_145 = arith.cmpi sge, %scan3A_106, %ge3A : i32
      %convert_element_type3A = arith.extui %ge3A_145 : i1 to i32
      %cond3A = arith.constant 0 : i32
      %cond3A_146 = arith.cmpi ne, %convert_element_type3A, %cond3A : i32
      scf.if %cond3A_146 {
        %dma_wait3A_230 = arith.constant 0 : i32
        %dma_wait3A_231 = arith.constant 0 : i32
        %dma_wait3A_232 = arith.constant 0 : i32
        %dma_wait3A_233 = arith.constant 0 : i32
        %dma_wait3A_234 = tpu.memref_slice %arg7[%dma_wait3A_230, %dma_wait3A_231, %mul3A_4, %dma_wait3A_232, %dma_wait3A_233] : memref<100x2x128x8x128xf32, #tpu.memory_space<hbm>> -> memref<1x2x4x8x128xf32, #tpu.memory_space<hbm>>
        %dma_wait3A_235 = tpu.memref_squeeze %dma_wait3A_234 : memref<1x2x4x8x128xf32, #tpu.memory_space<hbm>> -> memref<2x4x8x128xf32, #tpu.memory_space<hbm>>
        %dma_wait3A_236 = arith.constant 0 : i32
        %dma_wait3A_237 = arith.constant 0 : i32
        %dma_wait3A_238 = arith.constant 0 : i32
        %dma_wait3A_239 = tpu.memref_slice %arg7[%dma_wait3A_230, %dma_wait3A_236, %mul3A_4, %dma_wait3A_237, %dma_wait3A_238] : memref<100x2x128x8x128xf32, #tpu.memory_space<hbm>> -> memref<1x2x4x8x128xf32, #tpu.memory_space<hbm>>
        %dma_wait3A_240 = tpu.memref_squeeze %dma_wait3A_239 : memref<1x2x4x8x128xf32, #tpu.memory_space<hbm>> -> memref<2x4x8x128xf32, #tpu.memory_space<hbm>>
        tpu.wait_dma2 semaphore(%arg24 : memref<!tpu.dma_semaphore, #tpu.memory_space<semaphore_mem>>) src(%arg19 : memref<2x4x8x128xf32, #tpu.memory_space<vmem>>) dst(%dma_wait3A_240 : memref<2x4x8x128xf32, #tpu.memory_space<hbm>>)
      } else {
      }
      %add3A_147 = vector.broadcast %mul3A_108 : i32 to vector<16xi32>
      %add3A_148 = arith.addi %mul3A_43, %add3A_147 : vector<16xi32>
      %scan3A_149 = arith.constant 0 : i32
      %scan3A_150 = arith.constant 0 : i32
      %scan3A_151 = arith.constant 32 : i32
      %scan3A_152 = arith.addi %scan3A_150, %scan3A_151 : i32
      %scan3A_153 = arith.constant 2 : i32
      scf.for %scan3A_230 = %scan3A_150 to %scan3A_152 step %scan3A_153  : i32 {
        %mul3A_231 = arith.constant 1600 : i32
        %mul3A_232 = arith.muli %scan3A_230, %mul3A_231 : i32
        %add3A_233 = vector.broadcast %mul3A_232 : i32 to vector<16xi32>
        %add3A_234 = arith.addi %add3A_233, %add3A_148 : vector<16xi32>
        %gather3A = tpu.vector_load_idx %arg8[%add3A_234] : memref<51200xf32, #tpu.memory_space<vmem>>[vector<16xi32>], vector<16xf32>,
        %jit3A = arith.constant -2.200000e+00 : f32
        %jit3A_235 = arith.constant 2.200000e+00 : f32
        %max3A = vector.broadcast %jit3A : f32 to vector<16xf32>
        %max3A_236 = arith.maximumf %max3A, %gather3A : vector<16xf32>
        %min3A_237 = vector.broadcast %jit3A_235 : f32 to vector<16xf32>
        %min3A_238 = arith.minimumf %min3A_237, %max3A_236 : vector<16xf32>
        %sub3A = arith.constant -2.200000e+00 : f32
        %sub3A_239 = vector.broadcast %sub3A : f32 to vector<16xf32>
        %sub3A_240 = arith.subf %min3A_238, %sub3A_239 : vector<16xf32>
        %mul3A_241 = arith.constant 58.1818161 : f32
        %mul3A_242 = vector.broadcast %mul3A_241 : f32 to vector<16xf32>
        %mul3A_243 = arith.mulf %sub3A_240, %mul3A_242 : vector<16xf32>
        %convert_element_type3A_244 = arith.fptosi %mul3A_243 : vector<16xf32> to vector<16xi32>
        %min3A_245 = arith.constant 255 : i32
        %min3A_246 = vector.broadcast %min3A_245 : i32 to vector<16xi32>
        %min3A_247 = arith.minsi %convert_element_type3A_244, %min3A_246 : vector<16xi32>
        %gather3A_248 = tpu.vector_load_idx %arg16[%min3A_247] : memref<256xi32, #tpu.memory_space<vmem>>[vector<16xi32>], vector<16xi32>,
        %gather3A_249 = tpu.vector_load_idx %arg13[%gather3A_248] : memref<64xf32, #tpu.memory_space<vmem>>[vector<16xi32>], vector<16xf32>,
        %lt3A = arith.cmpf olt, %gather3A_249, %gather3A : vector<16xf32>
        %jit3A_250 = arith.constant 1 : i32
        %jit3A_251 = arith.constant 0 : i32
        %broadcast_in_dim3A = vector.broadcast %jit3A_250 : i32 to vector<16xi32>
        %broadcast_in_dim3A_252 = vector.broadcast %jit3A_251 : i32 to vector<16xi32>
        %select_n3A = arith.select %lt3A, %broadcast_in_dim3A, %broadcast_in_dim3A_252 : vector<16xi1>, vector<16xi32>
        %add3A_253 = arith.addi %gather3A_248, %select_n3A : vector<16xi32>
        %min3A_254 = arith.constant 63 : i32
        %min3A_255 = vector.broadcast %min3A_254 : i32 to vector<16xi32>
        %min3A_256 = arith.minsi %add3A_253, %min3A_255 : vector<16xi32>
        %gather3A_257 = tpu.vector_load_idx %arg14[%min3A_256] : memref<64xf32, #tpu.memory_space<vmem>>[vector<16xi32>], vector<16xf32>,
        %sub3A_258 = arith.subf %gather3A, %gather3A_257 : vector<16xf32>
        %gather3A_259 = tpu.vector_load_idx %arg15[%min3A_256] : memref<64xf32, #tpu.memory_space<vmem>>[vector<16xi32>], vector<16xf32>,
        %mul3A_260 = arith.mulf %sub3A_258, %gather3A_259 : vector<16xf32>
        %mul3A_261 = arith.constant 16 : i32
        %mul3A_262 = vector.broadcast %mul3A_261 : i32 to vector<16xi32>
        %mul3A_263 = arith.muli %min3A_256, %mul3A_262 : vector<16xi32>
        %shift_right_logical3A_264 = arith.constant 3 : i32
        %shift_right_logical3A_265 = arith.shrui %scan3A_230, %shift_right_logical3A_264 : i32
        %broadcast_in_dim3A_266 = vector.broadcast %shift_right_logical3A_265 : i32 to vector<16xi32>
        %and3A_267 = arith.constant 7 : i32
        %and3A_268 = arith.andi %scan3A_230, %and3A_267 : i32
        %mul3A_269 = arith.constant 16 : i32
        %mul3A_270 = arith.muli %and3A_268, %mul3A_269 : i32
        %broadcast_in_dim3A_271 = vector.broadcast %mul3A_270 : i32 to vector<16xi32>
        %slice3A = vector.extract_strided_slice %mul3A_263 {offsets = [0], sizes = [1], strides = [1]} : vector<16xi32> to vector<1xi32>
        %squeeze3A = vector.extract %slice3A[0] : i32 from vector<1xi32>
        %slice3A_272 = vector.extract_strided_slice %mul3A_260 {offsets = [0], sizes = [1], strides = [1]} : vector<16xf32> to vector<1xf32>
        %squeeze3A_273 = vector.extract %slice3A_272[0] : f32 from vector<1xf32>
        %get3A_274 = arith.index_cast %squeeze3A : i32 to index
        %get3A_275 = tpu.vector_load %arg17[%get3A_274] {strides = array<i32>} : memref<1024xf32, #tpu.memory_space<vmem>>, vector<16xf32>,
        %get3A_276 = arith.index_cast %squeeze3A : i32 to index
        %get3A_277 = tpu.vector_load %arg18[%get3A_276] {strides = array<i32>} : memref<1024xf32, #tpu.memory_space<vmem>>, vector<16xf32>,
        %add3A_278 = arith.constant 0 : i32
        %add3A_279 = vector.broadcast %add3A_278 : i32 to vector<16xi32>
        %add3A_280 = arith.addi %broadcast_in_dim3A_271, %add3A_279 : vector<16xi32>
        %mul3A_281 = vector.broadcast %squeeze3A_273 : f32 to vector<16xf32>
        %mul3A_282 = arith.mulf %mul3A_281, %get3A_277 : vector<16xf32>
        %add3A_283 = arith.addf %get3A_275, %mul3A_282 : vector<16xf32>
        %max3A_284 = arith.constant 0.000000e+00 : f32
        %max3A_285 = vector.broadcast %max3A_284 : f32 to vector<16xf32>
        %max3A_286 = arith.maximumf %add3A_283, %max3A_285 : vector<16xf32>
        tpu.vector_store_idx %arg19[%shift_right_logical3A_45, %broadcast_in_dim3A_266, %and3A_47, %add3A_280], %max3A_286 : memref<2x4x8x128xf32, #tpu.memory_space<vmem>>[vector<16xi32>, vector<16xi32>, vector<16xi32>, vector<16xi32>], vector<16xf32>,
        %slice3A_287 = vector.extract_strided_slice %mul3A_263 {offsets = [1], sizes = [1], strides = [1]} : vector<16xi32> to vector<1xi32>
        %squeeze3A_288 = vector.extract %slice3A_287[0] : i32 from vector<1xi32>
        %slice3A_289 = vector.extract_strided_slice %mul3A_260 {offsets = [1], sizes = [1], strides = [1]} : vector<16xf32> to vector<1xf32>
        %squeeze3A_290 = vector.extract %slice3A_289[0] : f32 from vector<1xf32>
        %get3A_291 = arith.index_cast %squeeze3A_288 : i32 to index
        %get3A_292 = tpu.vector_load %arg17[%get3A_291] {strides = array<i32>} : memref<1024xf32, #tpu.memory_space<vmem>>, vector<16xf32>,
        %get3A_293 = arith.index_cast %squeeze3A_288 : i32 to index
        %get3A_294 = tpu.vector_load %arg18[%get3A_293] {strides = array<i32>} : memref<1024xf32, #tpu.memory_space<vmem>>, vector<16xf32>,
        %add3A_295 = arith.constant 1 : i32
        %add3A_296 = vector.broadcast %add3A_295 : i32 to vector<16xi32>
        %add3A_297 = arith.addi %broadcast_in_dim3A_271, %add3A_296 : vector<16xi32>
        %mul3A_298 = vector.broadcast %squeeze3A_290 : f32 to vector<16xf32>
        %mul3A_299 = arith.mulf %mul3A_298, %get3A_294 : vector<16xf32>
        %add3A_300 = arith.addf %get3A_292, %mul3A_299 : vector<16xf32>
        %max3A_301 = arith.constant 0.000000e+00 : f32
        %max3A_302 = vector.broadcast %max3A_301 : f32 to vector<16xf32>
        %max3A_303 = arith.maximumf %add3A_300, %max3A_302 : vector<16xf32>
        tpu.vector_store_idx %arg19[%shift_right_logical3A_45, %broadcast_in_dim3A_266, %and3A_47, %add3A_297], %max3A_303 : memref<2x4x8x128xf32, #tpu.memory_space<vmem>>[vector<16xi32>, vector<16xi32>, vector<16xi32>, vector<16xi32>], vector<16xf32>,
        %slice3A_304 = vector.extract_strided_slice %mul3A_263 {offsets = [2], sizes = [1], strides = [1]} : vector<16xi32> to vector<1xi32>
        %squeeze3A_305 = vector.extract %slice3A_304[0] : i32 from vector<1xi32>
        %slice3A_306 = vector.extract_strided_slice %mul3A_260 {offsets = [2], sizes = [1], strides = [1]} : vector<16xf32> to vector<1xf32>
        %squeeze3A_307 = vector.extract %slice3A_306[0] : f32 from vector<1xf32>
        %get3A_308 = arith.index_cast %squeeze3A_305 : i32 to index
        %get3A_309 = tpu.vector_load %arg17[%get3A_308] {strides = array<i32>} : memref<1024xf32, #tpu.memory_space<vmem>>, vector<16xf32>,
        %get3A_310 = arith.index_cast %squeeze3A_305 : i32 to index
        %get3A_311 = tpu.vector_load %arg18[%get3A_310] {strides = array<i32>} : memref<1024xf32, #tpu.memory_space<vmem>>, vector<16xf32>,
        %add3A_312 = arith.constant 2 : i32
        %add3A_313 = vector.broadcast %add3A_312 : i32 to vector<16xi32>
        %add3A_314 = arith.addi %broadcast_in_dim3A_271, %add3A_313 : vector<16xi32>
        %mul3A_315 = vector.broadcast %squeeze3A_307 : f32 to vector<16xf32>
        %mul3A_316 = arith.mulf %mul3A_315, %get3A_311 : vector<16xf32>
        %add3A_317 = arith.addf %get3A_309, %mul3A_316 : vector<16xf32>
        %max3A_318 = arith.constant 0.000000e+00 : f32
        %max3A_319 = vector.broadcast %max3A_318 : f32 to vector<16xf32>
        %max3A_320 = arith.maximumf %add3A_317, %max3A_319 : vector<16xf32>
        tpu.vector_store_idx %arg19[%shift_right_logical3A_45, %broadcast_in_dim3A_266, %and3A_47, %add3A_314], %max3A_320 : memref<2x4x8x128xf32, #tpu.memory_space<vmem>>[vector<16xi32>, vector<16xi32>, vector<16xi32>, vector<16xi32>], vector<16xf32>,
        %slice3A_321 = vector.extract_strided_slice %mul3A_263 {offsets = [3], sizes = [1], strides = [1]} : vector<16xi32> to vector<1xi32>
        %squeeze3A_322 = vector.extract %slice3A_321[0] : i32 from vector<1xi32>
        %slice3A_323 = vector.extract_strided_slice %mul3A_260 {offsets = [3], sizes = [1], strides = [1]} : vector<16xf32> to vector<1xf32>
        %squeeze3A_324 = vector.extract %slice3A_323[0] : f32 from vector<1xf32>
        %get3A_325 = arith.index_cast %squeeze3A_322 : i32 to index
        %get3A_326 = tpu.vector_load %arg17[%get3A_325] {strides = array<i32>} : memref<1024xf32, #tpu.memory_space<vmem>>, vector<16xf32>,
        %get3A_327 = arith.index_cast %squeeze3A_322 : i32 to index
        %get3A_328 = tpu.vector_load %arg18[%get3A_327] {strides = array<i32>} : memref<1024xf32, #tpu.memory_space<vmem>>, vector<16xf32>,
        %add3A_329 = arith.constant 3 : i32
        %add3A_330 = vector.broadcast %add3A_329 : i32 to vector<16xi32>
        %add3A_331 = arith.addi %broadcast_in_dim3A_271, %add3A_330 : vector<16xi32>
        %mul3A_332 = vector.broadcast %squeeze3A_324 : f32 to vector<16xf32>
        %mul3A_333 = arith.mulf %mul3A_332, %get3A_328 : vector<16xf32>
        %add3A_334 = arith.addf %get3A_326, %mul3A_333 : vector<16xf32>
        %max3A_335 = arith.constant 0.000000e+00 : f32
        %max3A_336 = vector.broadcast %max3A_335 : f32 to vector<16xf32>
        %max3A_337 = arith.maximumf %add3A_334, %max3A_336 : vector<16xf32>
        tpu.vector_store_idx %arg19[%shift_right_logical3A_45, %broadcast_in_dim3A_266, %and3A_47, %add3A_331], %max3A_337 : memref<2x4x8x128xf32, #tpu.memory_space<vmem>>[vector<16xi32>, vector<16xi32>, vector<16xi32>, vector<16xi32>], vector<16xf32>,
        %slice3A_338 = vector.extract_strided_slice %mul3A_263 {offsets = [4], sizes = [1], strides = [1]} : vector<16xi32> to vector<1xi32>
        %squeeze3A_339 = vector.extract %slice3A_338[0] : i32 from vector<1xi32>
        %slice3A_340 = vector.extract_strided_slice %mul3A_260 {offsets = [4], sizes = [1], strides = [1]} : vector<16xf32> to vector<1xf32>
        %squeeze3A_341 = vector.extract %slice3A_340[0] : f32 from vector<1xf32>
        %get3A_342 = arith.index_cast %squeeze3A_339 : i32 to index
        %get3A_343 = tpu.vector_load %arg17[%get3A_342] {strides = array<i32>} : memref<1024xf32, #tpu.memory_space<vmem>>, vector<16xf32>,
        %get3A_344 = arith.index_cast %squeeze3A_339 : i32 to index
        %get3A_345 = tpu.vector_load %arg18[%get3A_344] {strides = array<i32>} : memref<1024xf32, #tpu.memory_space<vmem>>, vector<16xf32>,
        %add3A_346 = arith.constant 4 : i32
        %add3A_347 = vector.broadcast %add3A_346 : i32 to vector<16xi32>
        %add3A_348 = arith.addi %broadcast_in_dim3A_271, %add3A_347 : vector<16xi32>
        %mul3A_349 = vector.broadcast %squeeze3A_341 : f32 to vector<16xf32>
        %mul3A_350 = arith.mulf %mul3A_349, %get3A_345 : vector<16xf32>
        %add3A_351 = arith.addf %get3A_343, %mul3A_350 : vector<16xf32>
        %max3A_352 = arith.constant 0.000000e+00 : f32
        %max3A_353 = vector.broadcast %max3A_352 : f32 to vector<16xf32>
        %max3A_354 = arith.maximumf %add3A_351, %max3A_353 : vector<16xf32>
        tpu.vector_store_idx %arg19[%shift_right_logical3A_45, %broadcast_in_dim3A_266, %and3A_47, %add3A_348], %max3A_354 : memref<2x4x8x128xf32, #tpu.memory_space<vmem>>[vector<16xi32>, vector<16xi32>, vector<16xi32>, vector<16xi32>], vector<16xf32>,
        %slice3A_355 = vector.extract_strided_slice %mul3A_263 {offsets = [5], sizes = [1], strides = [1]} : vector<16xi32> to vector<1xi32>
        %squeeze3A_356 = vector.extract %slice3A_355[0] : i32 from vector<1xi32>
        %slice3A_357 = vector.extract_strided_slice %mul3A_260 {offsets = [5], sizes = [1], strides = [1]} : vector<16xf32> to vector<1xf32>
        %squeeze3A_358 = vector.extract %slice3A_357[0] : f32 from vector<1xf32>
        %get3A_359 = arith.index_cast %squeeze3A_356 : i32 to index
        %get3A_360 = tpu.vector_load %arg17[%get3A_359] {strides = array<i32>} : memref<1024xf32, #tpu.memory_space<vmem>>, vector<16xf32>,
        %get3A_361 = arith.index_cast %squeeze3A_356 : i32 to index
        %get3A_362 = tpu.vector_load %arg18[%get3A_361] {strides = array<i32>} : memref<1024xf32, #tpu.memory_space<vmem>>, vector<16xf32>,
        %add3A_363 = arith.constant 5 : i32
        %add3A_364 = vector.broadcast %add3A_363 : i32 to vector<16xi32>
        %add3A_365 = arith.addi %broadcast_in_dim3A_271, %add3A_364 : vector<16xi32>
        %mul3A_366 = vector.broadcast %squeeze3A_358 : f32 to vector<16xf32>
        %mul3A_367 = arith.mulf %mul3A_366, %get3A_362 : vector<16xf32>
        %add3A_368 = arith.addf %get3A_360, %mul3A_367 : vector<16xf32>
        %max3A_369 = arith.constant 0.000000e+00 : f32
        %max3A_370 = vector.broadcast %max3A_369 : f32 to vector<16xf32>
        %max3A_371 = arith.maximumf %add3A_368, %max3A_370 : vector<16xf32>
        tpu.vector_store_idx %arg19[%shift_right_logical3A_45, %broadcast_in_dim3A_266, %and3A_47, %add3A_365], %max3A_371 : memref<2x4x8x128xf32, #tpu.memory_space<vmem>>[vector<16xi32>, vector<16xi32>, vector<16xi32>, vector<16xi32>], vector<16xf32>,
        %slice3A_372 = vector.extract_strided_slice %mul3A_263 {offsets = [6], sizes = [1], strides = [1]} : vector<16xi32> to vector<1xi32>
        %squeeze3A_373 = vector.extract %slice3A_372[0] : i32 from vector<1xi32>
        %slice3A_374 = vector.extract_strided_slice %mul3A_260 {offsets = [6], sizes = [1], strides = [1]} : vector<16xf32> to vector<1xf32>
        %squeeze3A_375 = vector.extract %slice3A_374[0] : f32 from vector<1xf32>
        %get3A_376 = arith.index_cast %squeeze3A_373 : i32 to index
        %get3A_377 = tpu.vector_load %arg17[%get3A_376] {strides = array<i32>} : memref<1024xf32, #tpu.memory_space<vmem>>, vector<16xf32>,
        %get3A_378 = arith.index_cast %squeeze3A_373 : i32 to index
        %get3A_379 = tpu.vector_load %arg18[%get3A_378] {strides = array<i32>} : memref<1024xf32, #tpu.memory_space<vmem>>, vector<16xf32>,
        %add3A_380 = arith.constant 6 : i32
        %add3A_381 = vector.broadcast %add3A_380 : i32 to vector<16xi32>
        %add3A_382 = arith.addi %broadcast_in_dim3A_271, %add3A_381 : vector<16xi32>
        %mul3A_383 = vector.broadcast %squeeze3A_375 : f32 to vector<16xf32>
        %mul3A_384 = arith.mulf %mul3A_383, %get3A_379 : vector<16xf32>
        %add3A_385 = arith.addf %get3A_377, %mul3A_384 : vector<16xf32>
        %max3A_386 = arith.constant 0.000000e+00 : f32
        %max3A_387 = vector.broadcast %max3A_386 : f32 to vector<16xf32>
        %max3A_388 = arith.maximumf %add3A_385, %max3A_387 : vector<16xf32>
        tpu.vector_store_idx %arg19[%shift_right_logical3A_45, %broadcast_in_dim3A_266, %and3A_47, %add3A_382], %max3A_388 : memref<2x4x8x128xf32, #tpu.memory_space<vmem>>[vector<16xi32>, vector<16xi32>, vector<16xi32>, vector<16xi32>], vector<16xf32>,
        %slice3A_389 = vector.extract_strided_slice %mul3A_263 {offsets = [7], sizes = [1], strides = [1]} : vector<16xi32> to vector<1xi32>
        %squeeze3A_390 = vector.extract %slice3A_389[0] : i32 from vector<1xi32>
        %slice3A_391 = vector.extract_strided_slice %mul3A_260 {offsets = [7], sizes = [1], strides = [1]} : vector<16xf32> to vector<1xf32>
        %squeeze3A_392 = vector.extract %slice3A_391[0] : f32 from vector<1xf32>
        %get3A_393 = arith.index_cast %squeeze3A_390 : i32 to index
        %get3A_394 = tpu.vector_load %arg17[%get3A_393] {strides = array<i32>} : memref<1024xf32, #tpu.memory_space<vmem>>, vector<16xf32>,
        %get3A_395 = arith.index_cast %squeeze3A_390 : i32 to index
        %get3A_396 = tpu.vector_load %arg18[%get3A_395] {strides = array<i32>} : memref<1024xf32, #tpu.memory_space<vmem>>, vector<16xf32>,
        %add3A_397 = arith.constant 7 : i32
        %add3A_398 = vector.broadcast %add3A_397 : i32 to vector<16xi32>
        %add3A_399 = arith.addi %broadcast_in_dim3A_271, %add3A_398 : vector<16xi32>
        %mul3A_400 = vector.broadcast %squeeze3A_392 : f32 to vector<16xf32>
        %mul3A_401 = arith.mulf %mul3A_400, %get3A_396 : vector<16xf32>
        %add3A_402 = arith.addf %get3A_394, %mul3A_401 : vector<16xf32>
        %max3A_403 = arith.constant 0.000000e+00 : f32
        %max3A_404 = vector.broadcast %max3A_403 : f32 to vector<16xf32>
        %max3A_405 = arith.maximumf %add3A_402, %max3A_404 : vector<16xf32>
        tpu.vector_store_idx %arg19[%shift_right_logical3A_45, %broadcast_in_dim3A_266, %and3A_47, %add3A_399], %max3A_405 : memref<2x4x8x128xf32, #tpu.memory_space<vmem>>[vector<16xi32>, vector<16xi32>, vector<16xi32>, vector<16xi32>], vector<16xf32>,
        %slice3A_406 = vector.extract_strided_slice %mul3A_263 {offsets = [8], sizes = [1], strides = [1]} : vector<16xi32> to vector<1xi32>
        %squeeze3A_407 = vector.extract %slice3A_406[0] : i32 from vector<1xi32>
        %slice3A_408 = vector.extract_strided_slice %mul3A_260 {offsets = [8], sizes = [1], strides = [1]} : vector<16xf32> to vector<1xf32>
        %squeeze3A_409 = vector.extract %slice3A_408[0] : f32 from vector<1xf32>
        %get3A_410 = arith.index_cast %squeeze3A_407 : i32 to index
        %get3A_411 = tpu.vector_load %arg17[%get3A_410] {strides = array<i32>} : memref<1024xf32, #tpu.memory_space<vmem>>, vector<16xf32>,
        %get3A_412 = arith.index_cast %squeeze3A_407 : i32 to index
        %get3A_413 = tpu.vector_load %arg18[%get3A_412] {strides = array<i32>} : memref<1024xf32, #tpu.memory_space<vmem>>, vector<16xf32>,
        %add3A_414 = arith.constant 8 : i32
        %add3A_415 = vector.broadcast %add3A_414 : i32 to vector<16xi32>
        %add3A_416 = arith.addi %broadcast_in_dim3A_271, %add3A_415 : vector<16xi32>
        %mul3A_417 = vector.broadcast %squeeze3A_409 : f32 to vector<16xf32>
        %mul3A_418 = arith.mulf %mul3A_417, %get3A_413 : vector<16xf32>
        %add3A_419 = arith.addf %get3A_411, %mul3A_418 : vector<16xf32>
        %max3A_420 = arith.constant 0.000000e+00 : f32
        %max3A_421 = vector.broadcast %max3A_420 : f32 to vector<16xf32>
        %max3A_422 = arith.maximumf %add3A_419, %max3A_421 : vector<16xf32>
        tpu.vector_store_idx %arg19[%shift_right_logical3A_45, %broadcast_in_dim3A_266, %and3A_47, %add3A_416], %max3A_422 : memref<2x4x8x128xf32, #tpu.memory_space<vmem>>[vector<16xi32>, vector<16xi32>, vector<16xi32>, vector<16xi32>], vector<16xf32>,
        %slice3A_423 = vector.extract_strided_slice %mul3A_263 {offsets = [9], sizes = [1], strides = [1]} : vector<16xi32> to vector<1xi32>
        %squeeze3A_424 = vector.extract %slice3A_423[0] : i32 from vector<1xi32>
        %slice3A_425 = vector.extract_strided_slice %mul3A_260 {offsets = [9], sizes = [1], strides = [1]} : vector<16xf32> to vector<1xf32>
        %squeeze3A_426 = vector.extract %slice3A_425[0] : f32 from vector<1xf32>
        %get3A_427 = arith.index_cast %squeeze3A_424 : i32 to index
        %get3A_428 = tpu.vector_load %arg17[%get3A_427] {strides = array<i32>} : memref<1024xf32, #tpu.memory_space<vmem>>, vector<16xf32>,
        %get3A_429 = arith.index_cast %squeeze3A_424 : i32 to index
        %get3A_430 = tpu.vector_load %arg18[%get3A_429] {strides = array<i32>} : memref<1024xf32, #tpu.memory_space<vmem>>, vector<16xf32>,
        %add3A_431 = arith.constant 9 : i32
        %add3A_432 = vector.broadcast %add3A_431 : i32 to vector<16xi32>
        %add3A_433 = arith.addi %broadcast_in_dim3A_271, %add3A_432 : vector<16xi32>
        %mul3A_434 = vector.broadcast %squeeze3A_426 : f32 to vector<16xf32>
        %mul3A_435 = arith.mulf %mul3A_434, %get3A_430 : vector<16xf32>
        %add3A_436 = arith.addf %get3A_428, %mul3A_435 : vector<16xf32>
        %max3A_437 = arith.constant 0.000000e+00 : f32
        %max3A_438 = vector.broadcast %max3A_437 : f32 to vector<16xf32>
        %max3A_439 = arith.maximumf %add3A_436, %max3A_438 : vector<16xf32>
        tpu.vector_store_idx %arg19[%shift_right_logical3A_45, %broadcast_in_dim3A_266, %and3A_47, %add3A_433], %max3A_439 : memref<2x4x8x128xf32, #tpu.memory_space<vmem>>[vector<16xi32>, vector<16xi32>, vector<16xi32>, vector<16xi32>], vector<16xf32>,
        %slice3A_440 = vector.extract_strided_slice %mul3A_263 {offsets = [10], sizes = [1], strides = [1]} : vector<16xi32> to vector<1xi32>
        %squeeze3A_441 = vector.extract %slice3A_440[0] : i32 from vector<1xi32>
        %slice3A_442 = vector.extract_strided_slice %mul3A_260 {offsets = [10], sizes = [1], strides = [1]} : vector<16xf32> to vector<1xf32>
        %squeeze3A_443 = vector.extract %slice3A_442[0] : f32 from vector<1xf32>
        %get3A_444 = arith.index_cast %squeeze3A_441 : i32 to index
        %get3A_445 = tpu.vector_load %arg17[%get3A_444] {strides = array<i32>} : memref<1024xf32, #tpu.memory_space<vmem>>, vector<16xf32>,
        %get3A_446 = arith.index_cast %squeeze3A_441 : i32 to index
        %get3A_447 = tpu.vector_load %arg18[%get3A_446] {strides = array<i32>} : memref<1024xf32, #tpu.memory_space<vmem>>, vector<16xf32>,
        %add3A_448 = arith.constant 10 : i32
        %add3A_449 = vector.broadcast %add3A_448 : i32 to vector<16xi32>
        %add3A_450 = arith.addi %broadcast_in_dim3A_271, %add3A_449 : vector<16xi32>
        %mul3A_451 = vector.broadcast %squeeze3A_443 : f32 to vector<16xf32>
        %mul3A_452 = arith.mulf %mul3A_451, %get3A_447 : vector<16xf32>
        %add3A_453 = arith.addf %get3A_445, %mul3A_452 : vector<16xf32>
        %max3A_454 = arith.constant 0.000000e+00 : f32
        %max3A_455 = vector.broadcast %max3A_454 : f32 to vector<16xf32>
        %max3A_456 = arith.maximumf %add3A_453, %max3A_455 : vector<16xf32>
        tpu.vector_store_idx %arg19[%shift_right_logical3A_45, %broadcast_in_dim3A_266, %and3A_47, %add3A_450], %max3A_456 : memref<2x4x8x128xf32, #tpu.memory_space<vmem>>[vector<16xi32>, vector<16xi32>, vector<16xi32>, vector<16xi32>], vector<16xf32>,
        %slice3A_457 = vector.extract_strided_slice %mul3A_263 {offsets = [11], sizes = [1], strides = [1]} : vector<16xi32> to vector<1xi32>
        %squeeze3A_458 = vector.extract %slice3A_457[0] : i32 from vector<1xi32>
        %slice3A_459 = vector.extract_strided_slice %mul3A_260 {offsets = [11], sizes = [1], strides = [1]} : vector<16xf32> to vector<1xf32>
        %squeeze3A_460 = vector.extract %slice3A_459[0] : f32 from vector<1xf32>
        %get3A_461 = arith.index_cast %squeeze3A_458 : i32 to index
        %get3A_462 = tpu.vector_load %arg17[%get3A_461] {strides = array<i32>} : memref<1024xf32, #tpu.memory_space<vmem>>, vector<16xf32>,
        %get3A_463 = arith.index_cast %squeeze3A_458 : i32 to index
        %get3A_464 = tpu.vector_load %arg18[%get3A_463] {strides = array<i32>} : memref<1024xf32, #tpu.memory_space<vmem>>, vector<16xf32>,
        %add3A_465 = arith.constant 11 : i32
        %add3A_466 = vector.broadcast %add3A_465 : i32 to vector<16xi32>
        %add3A_467 = arith.addi %broadcast_in_dim3A_271, %add3A_466 : vector<16xi32>
        %mul3A_468 = vector.broadcast %squeeze3A_460 : f32 to vector<16xf32>
        %mul3A_469 = arith.mulf %mul3A_468, %get3A_464 : vector<16xf32>
        %add3A_470 = arith.addf %get3A_462, %mul3A_469 : vector<16xf32>
        %max3A_471 = arith.constant 0.000000e+00 : f32
        %max3A_472 = vector.broadcast %max3A_471 : f32 to vector<16xf32>
        %max3A_473 = arith.maximumf %add3A_470, %max3A_472 : vector<16xf32>
        tpu.vector_store_idx %arg19[%shift_right_logical3A_45, %broadcast_in_dim3A_266, %and3A_47, %add3A_467], %max3A_473 : memref<2x4x8x128xf32, #tpu.memory_space<vmem>>[vector<16xi32>, vector<16xi32>, vector<16xi32>, vector<16xi32>], vector<16xf32>,
        %slice3A_474 = vector.extract_strided_slice %mul3A_263 {offsets = [12], sizes = [1], strides = [1]} : vector<16xi32> to vector<1xi32>
        %squeeze3A_475 = vector.extract %slice3A_474[0] : i32 from vector<1xi32>
        %slice3A_476 = vector.extract_strided_slice %mul3A_260 {offsets = [12], sizes = [1], strides = [1]} : vector<16xf32> to vector<1xf32>
        %squeeze3A_477 = vector.extract %slice3A_476[0] : f32 from vector<1xf32>
        %get3A_478 = arith.index_cast %squeeze3A_475 : i32 to index
        %get3A_479 = tpu.vector_load %arg17[%get3A_478] {strides = array<i32>} : memref<1024xf32, #tpu.memory_space<vmem>>, vector<16xf32>,
        %get3A_480 = arith.index_cast %squeeze3A_475 : i32 to index
        %get3A_481 = tpu.vector_load %arg18[%get3A_480] {strides = array<i32>} : memref<1024xf32, #tpu.memory_space<vmem>>, vector<16xf32>,
        %add3A_482 = arith.constant 12 : i32
        %add3A_483 = vector.broadcast %add3A_482 : i32 to vector<16xi32>
        %add3A_484 = arith.addi %broadcast_in_dim3A_271, %add3A_483 : vector<16xi32>
        %mul3A_485 = vector.broadcast %squeeze3A_477 : f32 to vector<16xf32>
        %mul3A_486 = arith.mulf %mul3A_485, %get3A_481 : vector<16xf32>
        %add3A_487 = arith.addf %get3A_479, %mul3A_486 : vector<16xf32>
        %max3A_488 = arith.constant 0.000000e+00 : f32
        %max3A_489 = vector.broadcast %max3A_488 : f32 to vector<16xf32>
        %max3A_490 = arith.maximumf %add3A_487, %max3A_489 : vector<16xf32>
        tpu.vector_store_idx %arg19[%shift_right_logical3A_45, %broadcast_in_dim3A_266, %and3A_47, %add3A_484], %max3A_490 : memref<2x4x8x128xf32, #tpu.memory_space<vmem>>[vector<16xi32>, vector<16xi32>, vector<16xi32>, vector<16xi32>], vector<16xf32>,
        %slice3A_491 = vector.extract_strided_slice %mul3A_263 {offsets = [13], sizes = [1], strides = [1]} : vector<16xi32> to vector<1xi32>
        %squeeze3A_492 = vector.extract %slice3A_491[0] : i32 from vector<1xi32>
        %slice3A_493 = vector.extract_strided_slice %mul3A_260 {offsets = [13], sizes = [1], strides = [1]} : vector<16xf32> to vector<1xf32>
        %squeeze3A_494 = vector.extract %slice3A_493[0] : f32 from vector<1xf32>
        %get3A_495 = arith.index_cast %squeeze3A_492 : i32 to index
        %get3A_496 = tpu.vector_load %arg17[%get3A_495] {strides = array<i32>} : memref<1024xf32, #tpu.memory_space<vmem>>, vector<16xf32>,
        %get3A_497 = arith.index_cast %squeeze3A_492 : i32 to index
        %get3A_498 = tpu.vector_load %arg18[%get3A_497] {strides = array<i32>} : memref<1024xf32, #tpu.memory_space<vmem>>, vector<16xf32>,
        %add3A_499 = arith.constant 13 : i32
        %add3A_500 = vector.broadcast %add3A_499 : i32 to vector<16xi32>
        %add3A_501 = arith.addi %broadcast_in_dim3A_271, %add3A_500 : vector<16xi32>
        %mul3A_502 = vector.broadcast %squeeze3A_494 : f32 to vector<16xf32>
        %mul3A_503 = arith.mulf %mul3A_502, %get3A_498 : vector<16xf32>
        %add3A_504 = arith.addf %get3A_496, %mul3A_503 : vector<16xf32>
        %max3A_505 = arith.constant 0.000000e+00 : f32
        %max3A_506 = vector.broadcast %max3A_505 : f32 to vector<16xf32>
        %max3A_507 = arith.maximumf %add3A_504, %max3A_506 : vector<16xf32>
        tpu.vector_store_idx %arg19[%shift_right_logical3A_45, %broadcast_in_dim3A_266, %and3A_47, %add3A_501], %max3A_507 : memref<2x4x8x128xf32, #tpu.memory_space<vmem>>[vector<16xi32>, vector<16xi32>, vector<16xi32>, vector<16xi32>], vector<16xf32>,
        %slice3A_508 = vector.extract_strided_slice %mul3A_263 {offsets = [14], sizes = [1], strides = [1]} : vector<16xi32> to vector<1xi32>
        %squeeze3A_509 = vector.extract %slice3A_508[0] : i32 from vector<1xi32>
        %slice3A_510 = vector.extract_strided_slice %mul3A_260 {offsets = [14], sizes = [1], strides = [1]} : vector<16xf32> to vector<1xf32>
        %squeeze3A_511 = vector.extract %slice3A_510[0] : f32 from vector<1xf32>
        %get3A_512 = arith.index_cast %squeeze3A_509 : i32 to index
        %get3A_513 = tpu.vector_load %arg17[%get3A_512] {strides = array<i32>} : memref<1024xf32, #tpu.memory_space<vmem>>, vector<16xf32>,
        %get3A_514 = arith.index_cast %squeeze3A_509 : i32 to index
        %get3A_515 = tpu.vector_load %arg18[%get3A_514] {strides = array<i32>} : memref<1024xf32, #tpu.memory_space<vmem>>, vector<16xf32>,
        %add3A_516 = arith.constant 14 : i32
        %add3A_517 = vector.broadcast %add3A_516 : i32 to vector<16xi32>
        %add3A_518 = arith.addi %broadcast_in_dim3A_271, %add3A_517 : vector<16xi32>
        %mul3A_519 = vector.broadcast %squeeze3A_511 : f32 to vector<16xf32>
        %mul3A_520 = arith.mulf %mul3A_519, %get3A_515 : vector<16xf32>
        %add3A_521 = arith.addf %get3A_513, %mul3A_520 : vector<16xf32>
        %max3A_522 = arith.constant 0.000000e+00 : f32
        %max3A_523 = vector.broadcast %max3A_522 : f32 to vector<16xf32>
        %max3A_524 = arith.maximumf %add3A_521, %max3A_523 : vector<16xf32>
        tpu.vector_store_idx %arg19[%shift_right_logical3A_45, %broadcast_in_dim3A_266, %and3A_47, %add3A_518], %max3A_524 : memref<2x4x8x128xf32, #tpu.memory_space<vmem>>[vector<16xi32>, vector<16xi32>, vector<16xi32>, vector<16xi32>], vector<16xf32>,
        %slice3A_525 = vector.extract_strided_slice %mul3A_263 {offsets = [15], sizes = [1], strides = [1]} : vector<16xi32> to vector<1xi32>
        %squeeze3A_526 = vector.extract %slice3A_525[0] : i32 from vector<1xi32>
        %slice3A_527 = vector.extract_strided_slice %mul3A_260 {offsets = [15], sizes = [1], strides = [1]} : vector<16xf32> to vector<1xf32>
        %squeeze3A_528 = vector.extract %slice3A_527[0] : f32 from vector<1xf32>
        %get3A_529 = arith.index_cast %squeeze3A_526 : i32 to index
        %get3A_530 = tpu.vector_load %arg17[%get3A_529] {strides = array<i32>} : memref<1024xf32, #tpu.memory_space<vmem>>, vector<16xf32>,
        %get3A_531 = arith.index_cast %squeeze3A_526 : i32 to index
        %get3A_532 = tpu.vector_load %arg18[%get3A_531] {strides = array<i32>} : memref<1024xf32, #tpu.memory_space<vmem>>, vector<16xf32>,
        %add3A_533 = arith.constant 15 : i32
        %add3A_534 = vector.broadcast %add3A_533 : i32 to vector<16xi32>
        %add3A_535 = arith.addi %broadcast_in_dim3A_271, %add3A_534 : vector<16xi32>
        %mul3A_536 = vector.broadcast %squeeze3A_528 : f32 to vector<16xf32>
        %mul3A_537 = arith.mulf %mul3A_536, %get3A_532 : vector<16xf32>
        %add3A_538 = arith.addf %get3A_530, %mul3A_537 : vector<16xf32>
        %max3A_539 = arith.constant 0.000000e+00 : f32
        %max3A_540 = vector.broadcast %max3A_539 : f32 to vector<16xf32>
        %max3A_541 = arith.maximumf %add3A_538, %max3A_540 : vector<16xf32>
        tpu.vector_store_idx %arg19[%shift_right_logical3A_45, %broadcast_in_dim3A_266, %and3A_47, %add3A_535], %max3A_541 : memref<2x4x8x128xf32, #tpu.memory_space<vmem>>[vector<16xi32>, vector<16xi32>, vector<16xi32>, vector<16xi32>], vector<16xf32>,
        %scan3A_542 = arith.constant 1 : i32
        %scan3A_543 = arith.addi %scan3A_230, %scan3A_542 : i32
        %mul3A_544 = arith.constant 1600 : i32
        %mul3A_545 = arith.muli %scan3A_543, %mul3A_544 : i32
        %add3A_546 = vector.broadcast %mul3A_545 : i32 to vector<16xi32>
        %add3A_547 = arith.addi %add3A_546, %add3A_148 : vector<16xi32>
        %gather3A_548 = tpu.vector_load_idx %arg8[%add3A_547] : memref<51200xf32, #tpu.memory_space<vmem>>[vector<16xi32>], vector<16xf32>,
        %jit3A_549 = arith.constant -2.200000e+00 : f32
        %jit3A_550 = arith.constant 2.200000e+00 : f32
        %max3A_551 = vector.broadcast %jit3A_549 : f32 to vector<16xf32>
        %max3A_552 = arith.maximumf %max3A_551, %gather3A_548 : vector<16xf32>
        %min3A_553 = vector.broadcast %jit3A_550 : f32 to vector<16xf32>
        %min3A_554 = arith.minimumf %min3A_553, %max3A_552 : vector<16xf32>
        %sub3A_555 = arith.constant -2.200000e+00 : f32
        %sub3A_556 = vector.broadcast %sub3A_555 : f32 to vector<16xf32>
        %sub3A_557 = arith.subf %min3A_554, %sub3A_556 : vector<16xf32>
        %mul3A_558 = arith.constant 58.1818161 : f32
        %mul3A_559 = vector.broadcast %mul3A_558 : f32 to vector<16xf32>
        %mul3A_560 = arith.mulf %sub3A_557, %mul3A_559 : vector<16xf32>
        %convert_element_type3A_561 = arith.fptosi %mul3A_560 : vector<16xf32> to vector<16xi32>
        %min3A_562 = arith.constant 255 : i32
        %min3A_563 = vector.broadcast %min3A_562 : i32 to vector<16xi32>
        %min3A_564 = arith.minsi %convert_element_type3A_561, %min3A_563 : vector<16xi32>
        %gather3A_565 = tpu.vector_load_idx %arg16[%min3A_564] : memref<256xi32, #tpu.memory_space<vmem>>[vector<16xi32>], vector<16xi32>,
        %gather3A_566 = tpu.vector_load_idx %arg13[%gather3A_565] : memref<64xf32, #tpu.memory_space<vmem>>[vector<16xi32>], vector<16xf32>,
        %lt3A_567 = arith.cmpf olt, %gather3A_566, %gather3A_548 : vector<16xf32>
        %jit3A_568 = arith.constant 1 : i32
        %jit3A_569 = arith.constant 0 : i32
        %broadcast_in_dim3A_570 = vector.broadcast %jit3A_568 : i32 to vector<16xi32>
        %broadcast_in_dim3A_571 = vector.broadcast %jit3A_569 : i32 to vector<16xi32>
        %select_n3A_572 = arith.select %lt3A_567, %broadcast_in_dim3A_570, %broadcast_in_dim3A_571 : vector<16xi1>, vector<16xi32>
        %add3A_573 = arith.addi %gather3A_565, %select_n3A_572 : vector<16xi32>
        %min3A_574 = arith.constant 63 : i32
        %min3A_575 = vector.broadcast %min3A_574 : i32 to vector<16xi32>
        %min3A_576 = arith.minsi %add3A_573, %min3A_575 : vector<16xi32>
        %gather3A_577 = tpu.vector_load_idx %arg14[%min3A_576] : memref<64xf32, #tpu.memory_space<vmem>>[vector<16xi32>], vector<16xf32>,
        %sub3A_578 = arith.subf %gather3A_548, %gather3A_577 : vector<16xf32>
        %gather3A_579 = tpu.vector_load_idx %arg15[%min3A_576] : memref<64xf32, #tpu.memory_space<vmem>>[vector<16xi32>], vector<16xf32>,
        %mul3A_580 = arith.mulf %sub3A_578, %gather3A_579 : vector<16xf32>
        %mul3A_581 = arith.constant 16 : i32
        %mul3A_582 = vector.broadcast %mul3A_581 : i32 to vector<16xi32>
        %mul3A_583 = arith.muli %min3A_576, %mul3A_582 : vector<16xi32>
        %shift_right_logical3A_584 = arith.constant 3 : i32
        %shift_right_logical3A_585 = arith.shrui %scan3A_543, %shift_right_logical3A_584 : i32
        %broadcast_in_dim3A_586 = vector.broadcast %shift_right_logical3A_585 : i32 to vector<16xi32>
        %and3A_587 = arith.constant 7 : i32
        %and3A_588 = arith.andi %scan3A_543, %and3A_587 : i32
        %mul3A_589 = arith.constant 16 : i32
        %mul3A_590 = arith.muli %and3A_588, %mul3A_589 : i32
        %broadcast_in_dim3A_591 = vector.broadcast %mul3A_590 : i32 to vector<16xi32>
        %slice3A_592 = vector.extract_strided_slice %mul3A_583 {offsets = [0], sizes = [1], strides = [1]} : vector<16xi32> to vector<1xi32>
        %squeeze3A_593 = vector.extract %slice3A_592[0] : i32 from vector<1xi32>
        %slice3A_594 = vector.extract_strided_slice %mul3A_580 {offsets = [0], sizes = [1], strides = [1]} : vector<16xf32> to vector<1xf32>
        %squeeze3A_595 = vector.extract %slice3A_594[0] : f32 from vector<1xf32>
        %get3A_596 = arith.index_cast %squeeze3A_593 : i32 to index
        %get3A_597 = tpu.vector_load %arg17[%get3A_596] {strides = array<i32>} : memref<1024xf32, #tpu.memory_space<vmem>>, vector<16xf32>,
        %get3A_598 = arith.index_cast %squeeze3A_593 : i32 to index
        %get3A_599 = tpu.vector_load %arg18[%get3A_598] {strides = array<i32>} : memref<1024xf32, #tpu.memory_space<vmem>>, vector<16xf32>,
        %add3A_600 = arith.constant 0 : i32
        %add3A_601 = vector.broadcast %add3A_600 : i32 to vector<16xi32>
        %add3A_602 = arith.addi %broadcast_in_dim3A_591, %add3A_601 : vector<16xi32>
        %mul3A_603 = vector.broadcast %squeeze3A_595 : f32 to vector<16xf32>
        %mul3A_604 = arith.mulf %mul3A_603, %get3A_599 : vector<16xf32>
        %add3A_605 = arith.addf %get3A_597, %mul3A_604 : vector<16xf32>
        %max3A_606 = arith.constant 0.000000e+00 : f32
        %max3A_607 = vector.broadcast %max3A_606 : f32 to vector<16xf32>
        %max3A_608 = arith.maximumf %add3A_605, %max3A_607 : vector<16xf32>
        tpu.vector_store_idx %arg19[%shift_right_logical3A_45, %broadcast_in_dim3A_586, %and3A_47, %add3A_602], %max3A_608 : memref<2x4x8x128xf32, #tpu.memory_space<vmem>>[vector<16xi32>, vector<16xi32>, vector<16xi32>, vector<16xi32>], vector<16xf32>,
        %slice3A_609 = vector.extract_strided_slice %mul3A_583 {offsets = [1], sizes = [1], strides = [1]} : vector<16xi32> to vector<1xi32>
        %squeeze3A_610 = vector.extract %slice3A_609[0] : i32 from vector<1xi32>
        %slice3A_611 = vector.extract_strided_slice %mul3A_580 {offsets = [1], sizes = [1], strides = [1]} : vector<16xf32> to vector<1xf32>
        %squeeze3A_612 = vector.extract %slice3A_611[0] : f32 from vector<1xf32>
        %get3A_613 = arith.index_cast %squeeze3A_610 : i32 to index
        %get3A_614 = tpu.vector_load %arg17[%get3A_613] {strides = array<i32>} : memref<1024xf32, #tpu.memory_space<vmem>>, vector<16xf32>,
        %get3A_615 = arith.index_cast %squeeze3A_610 : i32 to index
        %get3A_616 = tpu.vector_load %arg18[%get3A_615] {strides = array<i32>} : memref<1024xf32, #tpu.memory_space<vmem>>, vector<16xf32>,
        %add3A_617 = arith.constant 1 : i32
        %add3A_618 = vector.broadcast %add3A_617 : i32 to vector<16xi32>
        %add3A_619 = arith.addi %broadcast_in_dim3A_591, %add3A_618 : vector<16xi32>
        %mul3A_620 = vector.broadcast %squeeze3A_612 : f32 to vector<16xf32>
        %mul3A_621 = arith.mulf %mul3A_620, %get3A_616 : vector<16xf32>
        %add3A_622 = arith.addf %get3A_614, %mul3A_621 : vector<16xf32>
        %max3A_623 = arith.constant 0.000000e+00 : f32
        %max3A_624 = vector.broadcast %max3A_623 : f32 to vector<16xf32>
        %max3A_625 = arith.maximumf %add3A_622, %max3A_624 : vector<16xf32>
        tpu.vector_store_idx %arg19[%shift_right_logical3A_45, %broadcast_in_dim3A_586, %and3A_47, %add3A_619], %max3A_625 : memref<2x4x8x128xf32, #tpu.memory_space<vmem>>[vector<16xi32>, vector<16xi32>, vector<16xi32>, vector<16xi32>], vector<16xf32>,
        %slice3A_626 = vector.extract_strided_slice %mul3A_583 {offsets = [2], sizes = [1], strides = [1]} : vector<16xi32> to vector<1xi32>
        %squeeze3A_627 = vector.extract %slice3A_626[0] : i32 from vector<1xi32>
        %slice3A_628 = vector.extract_strided_slice %mul3A_580 {offsets = [2], sizes = [1], strides = [1]} : vector<16xf32> to vector<1xf32>
        %squeeze3A_629 = vector.extract %slice3A_628[0] : f32 from vector<1xf32>
        %get3A_630 = arith.index_cast %squeeze3A_627 : i32 to index
        %get3A_631 = tpu.vector_load %arg17[%get3A_630] {strides = array<i32>} : memref<1024xf32, #tpu.memory_space<vmem>>, vector<16xf32>,
        %get3A_632 = arith.index_cast %squeeze3A_627 : i32 to index
        %get3A_633 = tpu.vector_load %arg18[%get3A_632] {strides = array<i32>} : memref<1024xf32, #tpu.memory_space<vmem>>, vector<16xf32>,
        %add3A_634 = arith.constant 2 : i32
        %add3A_635 = vector.broadcast %add3A_634 : i32 to vector<16xi32>
        %add3A_636 = arith.addi %broadcast_in_dim3A_591, %add3A_635 : vector<16xi32>
        %mul3A_637 = vector.broadcast %squeeze3A_629 : f32 to vector<16xf32>
        %mul3A_638 = arith.mulf %mul3A_637, %get3A_633 : vector<16xf32>
        %add3A_639 = arith.addf %get3A_631, %mul3A_638 : vector<16xf32>
        %max3A_640 = arith.constant 0.000000e+00 : f32
        %max3A_641 = vector.broadcast %max3A_640 : f32 to vector<16xf32>
        %max3A_642 = arith.maximumf %add3A_639, %max3A_641 : vector<16xf32>
        tpu.vector_store_idx %arg19[%shift_right_logical3A_45, %broadcast_in_dim3A_586, %and3A_47, %add3A_636], %max3A_642 : memref<2x4x8x128xf32, #tpu.memory_space<vmem>>[vector<16xi32>, vector<16xi32>, vector<16xi32>, vector<16xi32>], vector<16xf32>,
        %slice3A_643 = vector.extract_strided_slice %mul3A_583 {offsets = [3], sizes = [1], strides = [1]} : vector<16xi32> to vector<1xi32>
        %squeeze3A_644 = vector.extract %slice3A_643[0] : i32 from vector<1xi32>
        %slice3A_645 = vector.extract_strided_slice %mul3A_580 {offsets = [3], sizes = [1], strides = [1]} : vector<16xf32> to vector<1xf32>
        %squeeze3A_646 = vector.extract %slice3A_645[0] : f32 from vector<1xf32>
        %get3A_647 = arith.index_cast %squeeze3A_644 : i32 to index
        %get3A_648 = tpu.vector_load %arg17[%get3A_647] {strides = array<i32>} : memref<1024xf32, #tpu.memory_space<vmem>>, vector<16xf32>,
        %get3A_649 = arith.index_cast %squeeze3A_644 : i32 to index
        %get3A_650 = tpu.vector_load %arg18[%get3A_649] {strides = array<i32>} : memref<1024xf32, #tpu.memory_space<vmem>>, vector<16xf32>,
        %add3A_651 = arith.constant 3 : i32
        %add3A_652 = vector.broadcast %add3A_651 : i32 to vector<16xi32>
        %add3A_653 = arith.addi %broadcast_in_dim3A_591, %add3A_652 : vector<16xi32>
        %mul3A_654 = vector.broadcast %squeeze3A_646 : f32 to vector<16xf32>
        %mul3A_655 = arith.mulf %mul3A_654, %get3A_650 : vector<16xf32>
        %add3A_656 = arith.addf %get3A_648, %mul3A_655 : vector<16xf32>
        %max3A_657 = arith.constant 0.000000e+00 : f32
        %max3A_658 = vector.broadcast %max3A_657 : f32 to vector<16xf32>
        %max3A_659 = arith.maximumf %add3A_656, %max3A_658 : vector<16xf32>
        tpu.vector_store_idx %arg19[%shift_right_logical3A_45, %broadcast_in_dim3A_586, %and3A_47, %add3A_653], %max3A_659 : memref<2x4x8x128xf32, #tpu.memory_space<vmem>>[vector<16xi32>, vector<16xi32>, vector<16xi32>, vector<16xi32>], vector<16xf32>,
        %slice3A_660 = vector.extract_strided_slice %mul3A_583 {offsets = [4], sizes = [1], strides = [1]} : vector<16xi32> to vector<1xi32>
        %squeeze3A_661 = vector.extract %slice3A_660[0] : i32 from vector<1xi32>
        %slice3A_662 = vector.extract_strided_slice %mul3A_580 {offsets = [4], sizes = [1], strides = [1]} : vector<16xf32> to vector<1xf32>
        %squeeze3A_663 = vector.extract %slice3A_662[0] : f32 from vector<1xf32>
        %get3A_664 = arith.index_cast %squeeze3A_661 : i32 to index
        %get3A_665 = tpu.vector_load %arg17[%get3A_664] {strides = array<i32>} : memref<1024xf32, #tpu.memory_space<vmem>>, vector<16xf32>,
        %get3A_666 = arith.index_cast %squeeze3A_661 : i32 to index
        %get3A_667 = tpu.vector_load %arg18[%get3A_666] {strides = array<i32>} : memref<1024xf32, #tpu.memory_space<vmem>>, vector<16xf32>,
        %add3A_668 = arith.constant 4 : i32
        %add3A_669 = vector.broadcast %add3A_668 : i32 to vector<16xi32>
        %add3A_670 = arith.addi %broadcast_in_dim3A_591, %add3A_669 : vector<16xi32>
        %mul3A_671 = vector.broadcast %squeeze3A_663 : f32 to vector<16xf32>
        %mul3A_672 = arith.mulf %mul3A_671, %get3A_667 : vector<16xf32>
        %add3A_673 = arith.addf %get3A_665, %mul3A_672 : vector<16xf32>
        %max3A_674 = arith.constant 0.000000e+00 : f32
        %max3A_675 = vector.broadcast %max3A_674 : f32 to vector<16xf32>
        %max3A_676 = arith.maximumf %add3A_673, %max3A_675 : vector<16xf32>
        tpu.vector_store_idx %arg19[%shift_right_logical3A_45, %broadcast_in_dim3A_586, %and3A_47, %add3A_670], %max3A_676 : memref<2x4x8x128xf32, #tpu.memory_space<vmem>>[vector<16xi32>, vector<16xi32>, vector<16xi32>, vector<16xi32>], vector<16xf32>,
        %slice3A_677 = vector.extract_strided_slice %mul3A_583 {offsets = [5], sizes = [1], strides = [1]} : vector<16xi32> to vector<1xi32>
        %squeeze3A_678 = vector.extract %slice3A_677[0] : i32 from vector<1xi32>
        %slice3A_679 = vector.extract_strided_slice %mul3A_580 {offsets = [5], sizes = [1], strides = [1]} : vector<16xf32> to vector<1xf32>
        %squeeze3A_680 = vector.extract %slice3A_679[0] : f32 from vector<1xf32>
        %get3A_681 = arith.index_cast %squeeze3A_678 : i32 to index
        %get3A_682 = tpu.vector_load %arg17[%get3A_681] {strides = array<i32>} : memref<1024xf32, #tpu.memory_space<vmem>>, vector<16xf32>,
        %get3A_683 = arith.index_cast %squeeze3A_678 : i32 to index
        %get3A_684 = tpu.vector_load %arg18[%get3A_683] {strides = array<i32>} : memref<1024xf32, #tpu.memory_space<vmem>>, vector<16xf32>,
        %add3A_685 = arith.constant 5 : i32
        %add3A_686 = vector.broadcast %add3A_685 : i32 to vector<16xi32>
        %add3A_687 = arith.addi %broadcast_in_dim3A_591, %add3A_686 : vector<16xi32>
        %mul3A_688 = vector.broadcast %squeeze3A_680 : f32 to vector<16xf32>
        %mul3A_689 = arith.mulf %mul3A_688, %get3A_684 : vector<16xf32>
        %add3A_690 = arith.addf %get3A_682, %mul3A_689 : vector<16xf32>
        %max3A_691 = arith.constant 0.000000e+00 : f32
        %max3A_692 = vector.broadcast %max3A_691 : f32 to vector<16xf32>
        %max3A_693 = arith.maximumf %add3A_690, %max3A_692 : vector<16xf32>
        tpu.vector_store_idx %arg19[%shift_right_logical3A_45, %broadcast_in_dim3A_586, %and3A_47, %add3A_687], %max3A_693 : memref<2x4x8x128xf32, #tpu.memory_space<vmem>>[vector<16xi32>, vector<16xi32>, vector<16xi32>, vector<16xi32>], vector<16xf32>,
        %slice3A_694 = vector.extract_strided_slice %mul3A_583 {offsets = [6], sizes = [1], strides = [1]} : vector<16xi32> to vector<1xi32>
        %squeeze3A_695 = vector.extract %slice3A_694[0] : i32 from vector<1xi32>
        %slice3A_696 = vector.extract_strided_slice %mul3A_580 {offsets = [6], sizes = [1], strides = [1]} : vector<16xf32> to vector<1xf32>
        %squeeze3A_697 = vector.extract %slice3A_696[0] : f32 from vector<1xf32>
        %get3A_698 = arith.index_cast %squeeze3A_695 : i32 to index
        %get3A_699 = tpu.vector_load %arg17[%get3A_698] {strides = array<i32>} : memref<1024xf32, #tpu.memory_space<vmem>>, vector<16xf32>,
        %get3A_700 = arith.index_cast %squeeze3A_695 : i32 to index
        %get3A_701 = tpu.vector_load %arg18[%get3A_700] {strides = array<i32>} : memref<1024xf32, #tpu.memory_space<vmem>>, vector<16xf32>,
        %add3A_702 = arith.constant 6 : i32
        %add3A_703 = vector.broadcast %add3A_702 : i32 to vector<16xi32>
        %add3A_704 = arith.addi %broadcast_in_dim3A_591, %add3A_703 : vector<16xi32>
        %mul3A_705 = vector.broadcast %squeeze3A_697 : f32 to vector<16xf32>
        %mul3A_706 = arith.mulf %mul3A_705, %get3A_701 : vector<16xf32>
        %add3A_707 = arith.addf %get3A_699, %mul3A_706 : vector<16xf32>
        %max3A_708 = arith.constant 0.000000e+00 : f32
        %max3A_709 = vector.broadcast %max3A_708 : f32 to vector<16xf32>
        %max3A_710 = arith.maximumf %add3A_707, %max3A_709 : vector<16xf32>
        tpu.vector_store_idx %arg19[%shift_right_logical3A_45, %broadcast_in_dim3A_586, %and3A_47, %add3A_704], %max3A_710 : memref<2x4x8x128xf32, #tpu.memory_space<vmem>>[vector<16xi32>, vector<16xi32>, vector<16xi32>, vector<16xi32>], vector<16xf32>,
        %slice3A_711 = vector.extract_strided_slice %mul3A_583 {offsets = [7], sizes = [1], strides = [1]} : vector<16xi32> to vector<1xi32>
        %squeeze3A_712 = vector.extract %slice3A_711[0] : i32 from vector<1xi32>
        %slice3A_713 = vector.extract_strided_slice %mul3A_580 {offsets = [7], sizes = [1], strides = [1]} : vector<16xf32> to vector<1xf32>
        %squeeze3A_714 = vector.extract %slice3A_713[0] : f32 from vector<1xf32>
        %get3A_715 = arith.index_cast %squeeze3A_712 : i32 to index
        %get3A_716 = tpu.vector_load %arg17[%get3A_715] {strides = array<i32>} : memref<1024xf32, #tpu.memory_space<vmem>>, vector<16xf32>,
        %get3A_717 = arith.index_cast %squeeze3A_712 : i32 to index
        %get3A_718 = tpu.vector_load %arg18[%get3A_717] {strides = array<i32>} : memref<1024xf32, #tpu.memory_space<vmem>>, vector<16xf32>,
        %add3A_719 = arith.constant 7 : i32
        %add3A_720 = vector.broadcast %add3A_719 : i32 to vector<16xi32>
        %add3A_721 = arith.addi %broadcast_in_dim3A_591, %add3A_720 : vector<16xi32>
        %mul3A_722 = vector.broadcast %squeeze3A_714 : f32 to vector<16xf32>
        %mul3A_723 = arith.mulf %mul3A_722, %get3A_718 : vector<16xf32>
        %add3A_724 = arith.addf %get3A_716, %mul3A_723 : vector<16xf32>
        %max3A_725 = arith.constant 0.000000e+00 : f32
        %max3A_726 = vector.broadcast %max3A_725 : f32 to vector<16xf32>
        %max3A_727 = arith.maximumf %add3A_724, %max3A_726 : vector<16xf32>
        tpu.vector_store_idx %arg19[%shift_right_logical3A_45, %broadcast_in_dim3A_586, %and3A_47, %add3A_721], %max3A_727 : memref<2x4x8x128xf32, #tpu.memory_space<vmem>>[vector<16xi32>, vector<16xi32>, vector<16xi32>, vector<16xi32>], vector<16xf32>,
        %slice3A_728 = vector.extract_strided_slice %mul3A_583 {offsets = [8], sizes = [1], strides = [1]} : vector<16xi32> to vector<1xi32>
        %squeeze3A_729 = vector.extract %slice3A_728[0] : i32 from vector<1xi32>
        %slice3A_730 = vector.extract_strided_slice %mul3A_580 {offsets = [8], sizes = [1], strides = [1]} : vector<16xf32> to vector<1xf32>
        %squeeze3A_731 = vector.extract %slice3A_730[0] : f32 from vector<1xf32>
        %get3A_732 = arith.index_cast %squeeze3A_729 : i32 to index
        %get3A_733 = tpu.vector_load %arg17[%get3A_732] {strides = array<i32>} : memref<1024xf32, #tpu.memory_space<vmem>>, vector<16xf32>,
        %get3A_734 = arith.index_cast %squeeze3A_729 : i32 to index
        %get3A_735 = tpu.vector_load %arg18[%get3A_734] {strides = array<i32>} : memref<1024xf32, #tpu.memory_space<vmem>>, vector<16xf32>,
        %add3A_736 = arith.constant 8 : i32
        %add3A_737 = vector.broadcast %add3A_736 : i32 to vector<16xi32>
        %add3A_738 = arith.addi %broadcast_in_dim3A_591, %add3A_737 : vector<16xi32>
        %mul3A_739 = vector.broadcast %squeeze3A_731 : f32 to vector<16xf32>
        %mul3A_740 = arith.mulf %mul3A_739, %get3A_735 : vector<16xf32>
        %add3A_741 = arith.addf %get3A_733, %mul3A_740 : vector<16xf32>
        %max3A_742 = arith.constant 0.000000e+00 : f32
        %max3A_743 = vector.broadcast %max3A_742 : f32 to vector<16xf32>
        %max3A_744 = arith.maximumf %add3A_741, %max3A_743 : vector<16xf32>
        tpu.vector_store_idx %arg19[%shift_right_logical3A_45, %broadcast_in_dim3A_586, %and3A_47, %add3A_738], %max3A_744 : memref<2x4x8x128xf32, #tpu.memory_space<vmem>>[vector<16xi32>, vector<16xi32>, vector<16xi32>, vector<16xi32>], vector<16xf32>,
        %slice3A_745 = vector.extract_strided_slice %mul3A_583 {offsets = [9], sizes = [1], strides = [1]} : vector<16xi32> to vector<1xi32>
        %squeeze3A_746 = vector.extract %slice3A_745[0] : i32 from vector<1xi32>
        %slice3A_747 = vector.extract_strided_slice %mul3A_580 {offsets = [9], sizes = [1], strides = [1]} : vector<16xf32> to vector<1xf32>
        %squeeze3A_748 = vector.extract %slice3A_747[0] : f32 from vector<1xf32>
        %get3A_749 = arith.index_cast %squeeze3A_746 : i32 to index
        %get3A_750 = tpu.vector_load %arg17[%get3A_749] {strides = array<i32>} : memref<1024xf32, #tpu.memory_space<vmem>>, vector<16xf32>,
        %get3A_751 = arith.index_cast %squeeze3A_746 : i32 to index
        %get3A_752 = tpu.vector_load %arg18[%get3A_751] {strides = array<i32>} : memref<1024xf32, #tpu.memory_space<vmem>>, vector<16xf32>,
        %add3A_753 = arith.constant 9 : i32
        %add3A_754 = vector.broadcast %add3A_753 : i32 to vector<16xi32>
        %add3A_755 = arith.addi %broadcast_in_dim3A_591, %add3A_754 : vector<16xi32>
        %mul3A_756 = vector.broadcast %squeeze3A_748 : f32 to vector<16xf32>
        %mul3A_757 = arith.mulf %mul3A_756, %get3A_752 : vector<16xf32>
        %add3A_758 = arith.addf %get3A_750, %mul3A_757 : vector<16xf32>
        %max3A_759 = arith.constant 0.000000e+00 : f32
        %max3A_760 = vector.broadcast %max3A_759 : f32 to vector<16xf32>
        %max3A_761 = arith.maximumf %add3A_758, %max3A_760 : vector<16xf32>
        tpu.vector_store_idx %arg19[%shift_right_logical3A_45, %broadcast_in_dim3A_586, %and3A_47, %add3A_755], %max3A_761 : memref<2x4x8x128xf32, #tpu.memory_space<vmem>>[vector<16xi32>, vector<16xi32>, vector<16xi32>, vector<16xi32>], vector<16xf32>,
        %slice3A_762 = vector.extract_strided_slice %mul3A_583 {offsets = [10], sizes = [1], strides = [1]} : vector<16xi32> to vector<1xi32>
        %squeeze3A_763 = vector.extract %slice3A_762[0] : i32 from vector<1xi32>
        %slice3A_764 = vector.extract_strided_slice %mul3A_580 {offsets = [10], sizes = [1], strides = [1]} : vector<16xf32> to vector<1xf32>
        %squeeze3A_765 = vector.extract %slice3A_764[0] : f32 from vector<1xf32>
        %get3A_766 = arith.index_cast %squeeze3A_763 : i32 to index
        %get3A_767 = tpu.vector_load %arg17[%get3A_766] {strides = array<i32>} : memref<1024xf32, #tpu.memory_space<vmem>>, vector<16xf32>,
        %get3A_768 = arith.index_cast %squeeze3A_763 : i32 to index
        %get3A_769 = tpu.vector_load %arg18[%get3A_768] {strides = array<i32>} : memref<1024xf32, #tpu.memory_space<vmem>>, vector<16xf32>,
        %add3A_770 = arith.constant 10 : i32
        %add3A_771 = vector.broadcast %add3A_770 : i32 to vector<16xi32>
        %add3A_772 = arith.addi %broadcast_in_dim3A_591, %add3A_771 : vector<16xi32>
        %mul3A_773 = vector.broadcast %squeeze3A_765 : f32 to vector<16xf32>
        %mul3A_774 = arith.mulf %mul3A_773, %get3A_769 : vector<16xf32>
        %add3A_775 = arith.addf %get3A_767, %mul3A_774 : vector<16xf32>
        %max3A_776 = arith.constant 0.000000e+00 : f32
        %max3A_777 = vector.broadcast %max3A_776 : f32 to vector<16xf32>
        %max3A_778 = arith.maximumf %add3A_775, %max3A_777 : vector<16xf32>
        tpu.vector_store_idx %arg19[%shift_right_logical3A_45, %broadcast_in_dim3A_586, %and3A_47, %add3A_772], %max3A_778 : memref<2x4x8x128xf32, #tpu.memory_space<vmem>>[vector<16xi32>, vector<16xi32>, vector<16xi32>, vector<16xi32>], vector<16xf32>,
        %slice3A_779 = vector.extract_strided_slice %mul3A_583 {offsets = [11], sizes = [1], strides = [1]} : vector<16xi32> to vector<1xi32>
        %squeeze3A_780 = vector.extract %slice3A_779[0] : i32 from vector<1xi32>
        %slice3A_781 = vector.extract_strided_slice %mul3A_580 {offsets = [11], sizes = [1], strides = [1]} : vector<16xf32> to vector<1xf32>
        %squeeze3A_782 = vector.extract %slice3A_781[0] : f32 from vector<1xf32>
        %get3A_783 = arith.index_cast %squeeze3A_780 : i32 to index
        %get3A_784 = tpu.vector_load %arg17[%get3A_783] {strides = array<i32>} : memref<1024xf32, #tpu.memory_space<vmem>>, vector<16xf32>,
        %get3A_785 = arith.index_cast %squeeze3A_780 : i32 to index
        %get3A_786 = tpu.vector_load %arg18[%get3A_785] {strides = array<i32>} : memref<1024xf32, #tpu.memory_space<vmem>>, vector<16xf32>,
        %add3A_787 = arith.constant 11 : i32
        %add3A_788 = vector.broadcast %add3A_787 : i32 to vector<16xi32>
        %add3A_789 = arith.addi %broadcast_in_dim3A_591, %add3A_788 : vector<16xi32>
        %mul3A_790 = vector.broadcast %squeeze3A_782 : f32 to vector<16xf32>
        %mul3A_791 = arith.mulf %mul3A_790, %get3A_786 : vector<16xf32>
        %add3A_792 = arith.addf %get3A_784, %mul3A_791 : vector<16xf32>
        %max3A_793 = arith.constant 0.000000e+00 : f32
        %max3A_794 = vector.broadcast %max3A_793 : f32 to vector<16xf32>
        %max3A_795 = arith.maximumf %add3A_792, %max3A_794 : vector<16xf32>
        tpu.vector_store_idx %arg19[%shift_right_logical3A_45, %broadcast_in_dim3A_586, %and3A_47, %add3A_789], %max3A_795 : memref<2x4x8x128xf32, #tpu.memory_space<vmem>>[vector<16xi32>, vector<16xi32>, vector<16xi32>, vector<16xi32>], vector<16xf32>,
        %slice3A_796 = vector.extract_strided_slice %mul3A_583 {offsets = [12], sizes = [1], strides = [1]} : vector<16xi32> to vector<1xi32>
        %squeeze3A_797 = vector.extract %slice3A_796[0] : i32 from vector<1xi32>
        %slice3A_798 = vector.extract_strided_slice %mul3A_580 {offsets = [12], sizes = [1], strides = [1]} : vector<16xf32> to vector<1xf32>
        %squeeze3A_799 = vector.extract %slice3A_798[0] : f32 from vector<1xf32>
        %get3A_800 = arith.index_cast %squeeze3A_797 : i32 to index
        %get3A_801 = tpu.vector_load %arg17[%get3A_800] {strides = array<i32>} : memref<1024xf32, #tpu.memory_space<vmem>>, vector<16xf32>,
        %get3A_802 = arith.index_cast %squeeze3A_797 : i32 to index
        %get3A_803 = tpu.vector_load %arg18[%get3A_802] {strides = array<i32>} : memref<1024xf32, #tpu.memory_space<vmem>>, vector<16xf32>,
        %add3A_804 = arith.constant 12 : i32
        %add3A_805 = vector.broadcast %add3A_804 : i32 to vector<16xi32>
        %add3A_806 = arith.addi %broadcast_in_dim3A_591, %add3A_805 : vector<16xi32>
        %mul3A_807 = vector.broadcast %squeeze3A_799 : f32 to vector<16xf32>
        %mul3A_808 = arith.mulf %mul3A_807, %get3A_803 : vector<16xf32>
        %add3A_809 = arith.addf %get3A_801, %mul3A_808 : vector<16xf32>
        %max3A_810 = arith.constant 0.000000e+00 : f32
        %max3A_811 = vector.broadcast %max3A_810 : f32 to vector<16xf32>
        %max3A_812 = arith.maximumf %add3A_809, %max3A_811 : vector<16xf32>
        tpu.vector_store_idx %arg19[%shift_right_logical3A_45, %broadcast_in_dim3A_586, %and3A_47, %add3A_806], %max3A_812 : memref<2x4x8x128xf32, #tpu.memory_space<vmem>>[vector<16xi32>, vector<16xi32>, vector<16xi32>, vector<16xi32>], vector<16xf32>,
        %slice3A_813 = vector.extract_strided_slice %mul3A_583 {offsets = [13], sizes = [1], strides = [1]} : vector<16xi32> to vector<1xi32>
        %squeeze3A_814 = vector.extract %slice3A_813[0] : i32 from vector<1xi32>
        %slice3A_815 = vector.extract_strided_slice %mul3A_580 {offsets = [13], sizes = [1], strides = [1]} : vector<16xf32> to vector<1xf32>
        %squeeze3A_816 = vector.extract %slice3A_815[0] : f32 from vector<1xf32>
        %get3A_817 = arith.index_cast %squeeze3A_814 : i32 to index
        %get3A_818 = tpu.vector_load %arg17[%get3A_817] {strides = array<i32>} : memref<1024xf32, #tpu.memory_space<vmem>>, vector<16xf32>,
        %get3A_819 = arith.index_cast %squeeze3A_814 : i32 to index
        %get3A_820 = tpu.vector_load %arg18[%get3A_819] {strides = array<i32>} : memref<1024xf32, #tpu.memory_space<vmem>>, vector<16xf32>,
        %add3A_821 = arith.constant 13 : i32
        %add3A_822 = vector.broadcast %add3A_821 : i32 to vector<16xi32>
        %add3A_823 = arith.addi %broadcast_in_dim3A_591, %add3A_822 : vector<16xi32>
        %mul3A_824 = vector.broadcast %squeeze3A_816 : f32 to vector<16xf32>
        %mul3A_825 = arith.mulf %mul3A_824, %get3A_820 : vector<16xf32>
        %add3A_826 = arith.addf %get3A_818, %mul3A_825 : vector<16xf32>
        %max3A_827 = arith.constant 0.000000e+00 : f32
        %max3A_828 = vector.broadcast %max3A_827 : f32 to vector<16xf32>
        %max3A_829 = arith.maximumf %add3A_826, %max3A_828 : vector<16xf32>
        tpu.vector_store_idx %arg19[%shift_right_logical3A_45, %broadcast_in_dim3A_586, %and3A_47, %add3A_823], %max3A_829 : memref<2x4x8x128xf32, #tpu.memory_space<vmem>>[vector<16xi32>, vector<16xi32>, vector<16xi32>, vector<16xi32>], vector<16xf32>,
        %slice3A_830 = vector.extract_strided_slice %mul3A_583 {offsets = [14], sizes = [1], strides = [1]} : vector<16xi32> to vector<1xi32>
        %squeeze3A_831 = vector.extract %slice3A_830[0] : i32 from vector<1xi32>
        %slice3A_832 = vector.extract_strided_slice %mul3A_580 {offsets = [14], sizes = [1], strides = [1]} : vector<16xf32> to vector<1xf32>
        %squeeze3A_833 = vector.extract %slice3A_832[0] : f32 from vector<1xf32>
        %get3A_834 = arith.index_cast %squeeze3A_831 : i32 to index
        %get3A_835 = tpu.vector_load %arg17[%get3A_834] {strides = array<i32>} : memref<1024xf32, #tpu.memory_space<vmem>>, vector<16xf32>,
        %get3A_836 = arith.index_cast %squeeze3A_831 : i32 to index
        %get3A_837 = tpu.vector_load %arg18[%get3A_836] {strides = array<i32>} : memref<1024xf32, #tpu.memory_space<vmem>>, vector<16xf32>,
        %add3A_838 = arith.constant 14 : i32
        %add3A_839 = vector.broadcast %add3A_838 : i32 to vector<16xi32>
        %add3A_840 = arith.addi %broadcast_in_dim3A_591, %add3A_839 : vector<16xi32>
        %mul3A_841 = vector.broadcast %squeeze3A_833 : f32 to vector<16xf32>
        %mul3A_842 = arith.mulf %mul3A_841, %get3A_837 : vector<16xf32>
        %add3A_843 = arith.addf %get3A_835, %mul3A_842 : vector<16xf32>
        %max3A_844 = arith.constant 0.000000e+00 : f32
        %max3A_845 = vector.broadcast %max3A_844 : f32 to vector<16xf32>
        %max3A_846 = arith.maximumf %add3A_843, %max3A_845 : vector<16xf32>
        tpu.vector_store_idx %arg19[%shift_right_logical3A_45, %broadcast_in_dim3A_586, %and3A_47, %add3A_840], %max3A_846 : memref<2x4x8x128xf32, #tpu.memory_space<vmem>>[vector<16xi32>, vector<16xi32>, vector<16xi32>, vector<16xi32>], vector<16xf32>,
        %slice3A_847 = vector.extract_strided_slice %mul3A_583 {offsets = [15], sizes = [1], strides = [1]} : vector<16xi32> to vector<1xi32>
        %squeeze3A_848 = vector.extract %slice3A_847[0] : i32 from vector<1xi32>
        %slice3A_849 = vector.extract_strided_slice %mul3A_580 {offsets = [15], sizes = [1], strides = [1]} : vector<16xf32> to vector<1xf32>
        %squeeze3A_850 = vector.extract %slice3A_849[0] : f32 from vector<1xf32>
        %get3A_851 = arith.index_cast %squeeze3A_848 : i32 to index
        %get3A_852 = tpu.vector_load %arg17[%get3A_851] {strides = array<i32>} : memref<1024xf32, #tpu.memory_space<vmem>>, vector<16xf32>,
        %get3A_853 = arith.index_cast %squeeze3A_848 : i32 to index
        %get3A_854 = tpu.vector_load %arg18[%get3A_853] {strides = array<i32>} : memref<1024xf32, #tpu.memory_space<vmem>>, vector<16xf32>,
        %add3A_855 = arith.constant 15 : i32
        %add3A_856 = vector.broadcast %add3A_855 : i32 to vector<16xi32>
        %add3A_857 = arith.addi %broadcast_in_dim3A_591, %add3A_856 : vector<16xi32>
        %mul3A_858 = vector.broadcast %squeeze3A_850 : f32 to vector<16xf32>
        %mul3A_859 = arith.mulf %mul3A_858, %get3A_854 : vector<16xf32>
        %add3A_860 = arith.addf %get3A_852, %mul3A_859 : vector<16xf32>
        %max3A_861 = arith.constant 0.000000e+00 : f32
        %max3A_862 = vector.broadcast %max3A_861 : f32 to vector<16xf32>
        %max3A_863 = arith.maximumf %add3A_860, %max3A_862 : vector<16xf32>
        tpu.vector_store_idx %arg19[%shift_right_logical3A_45, %broadcast_in_dim3A_586, %and3A_47, %add3A_857], %max3A_863 : memref<2x4x8x128xf32, #tpu.memory_space<vmem>>[vector<16xi32>, vector<16xi32>, vector<16xi32>, vector<16xi32>], vector<16xf32>,
      }
      %scan3A_154 = arith.constant 32 : i32
      %dma_start3A_155 = arith.constant 0 : i32
      %dma_start3A_156 = arith.constant 0 : i32
      %dma_start3A_157 = arith.constant 0 : i32
      %dma_start3A_158 = tpu.memref_slice %arg7[%mul3A_108, %dma_start3A_155, %mul3A_4, %dma_start3A_156, %dma_start3A_157] : memref<100x2x128x8x128xf32, #tpu.memory_space<hbm>> -> memref<1x2x4x8x128xf32, #tpu.memory_space<hbm>>
      %dma_start3A_159 = tpu.memref_squeeze %dma_start3A_158 : memref<1x2x4x8x128xf32, #tpu.memory_space<hbm>> -> memref<2x4x8x128xf32, #tpu.memory_space<hbm>>
      %dma_start3A_160 = arith.constant 0 : i32
      %dma_start3A_161 = arith.constant 0 : i32
      %dma_start3A_162 = arith.constant 0 : i32
      %dma_start3A_163 = tpu.memref_slice %arg7[%mul3A_108, %dma_start3A_160, %mul3A_4, %dma_start3A_161, %dma_start3A_162] : memref<100x2x128x8x128xf32, #tpu.memory_space<hbm>> -> memref<1x2x4x8x128xf32, #tpu.memory_space<hbm>>
      %dma_start3A_164 = tpu.memref_squeeze %dma_start3A_163 : memref<1x2x4x8x128xf32, #tpu.memory_space<hbm>> -> memref<2x4x8x128xf32, #tpu.memory_space<hbm>>
      tpu.enqueue_dma source(%arg19 : memref<2x4x8x128xf32, #tpu.memory_space<vmem>>) target(%dma_start3A_164 : memref<2x4x8x128xf32, #tpu.memory_space<hbm>>) target_semaphore(%arg24 : memref<!tpu.dma_semaphore, #tpu.memory_space<semaphore_mem>>)
      %mul3A_165 = arith.constant 2 : i32
      %mul3A_166 = arith.muli %mul3A_165, %scan3A_106 : i32
      %add3A_167 = arith.constant 1 : i32
      %add3A_168 = arith.addi %mul3A_166, %add3A_167 : i32
      %dma_wait3A_169 = arith.constant 0 : i32
      %dma_wait3A_170 = arith.constant 0 : i32
      %dma_wait3A_171 = tpu.memref_slice %arg3[%dma_wait3A_169, %dma_wait3A_170] : memref<100x1024xf32, #tpu.memory_space<hbm>> -> memref<1x1024xf32, #tpu.memory_space<hbm>>
      %dma_wait3A_172 = tpu.memref_squeeze %dma_wait3A_171 : memref<1x1024xf32, #tpu.memory_space<hbm>> -> memref<1024xf32, #tpu.memory_space<hbm>>
      %dma_wait3A_173 = arith.constant 0 : i32
      %dma_wait3A_174 = tpu.memref_slice %arg3[%dma_wait3A_169, %dma_wait3A_173] : memref<100x1024xf32, #tpu.memory_space<hbm>> -> memref<1x1024xf32, #tpu.memory_space<hbm>>
      %dma_wait3A_175 = tpu.memref_squeeze %dma_wait3A_174 : memref<1x1024xf32, #tpu.memory_space<hbm>> -> memref<1024xf32, #tpu.memory_space<hbm>>
      tpu.wait_dma2 semaphore(%arg23 : memref<!tpu.dma_semaphore, #tpu.memory_space<semaphore_mem>>) src(%dma_wait3A_175 : memref<1024xf32, #tpu.memory_space<hbm>>) dst(%arg10 : memref<1024xf32, #tpu.memory_space<vmem>>)
      %dma_wait3A_176 = arith.constant 0 : i32
      %dma_wait3A_177 = arith.constant 0 : i32
      %dma_wait3A_178 = tpu.memref_slice %arg4[%dma_wait3A_176, %dma_wait3A_177] : memref<100x16xf32, #tpu.memory_space<hbm>> -> memref<1x16xf32, #tpu.memory_space<hbm>>
      %dma_wait3A_179 = tpu.memref_squeeze %dma_wait3A_178 : memref<1x16xf32, #tpu.memory_space<hbm>> -> memref<16xf32, #tpu.memory_space<hbm>>
      %dma_wait3A_180 = arith.constant 0 : i32
      %dma_wait3A_181 = tpu.memref_slice %arg4[%dma_wait3A_176, %dma_wait3A_180] : memref<100x16xf32, #tpu.memory_space<hbm>> -> memref<1x16xf32, #tpu.memory_space<hbm>>
      %dma_wait3A_182 = tpu.memref_squeeze %dma_wait3A_181 : memref<1x16xf32, #tpu.memory_space<hbm>> -> memref<16xf32, #tpu.memory_space<hbm>>
      tpu.wait_dma2 semaphore(%arg23 : memref<!tpu.dma_semaphore, #tpu.memory_space<semaphore_mem>>) src(%dma_wait3A_182 : memref<16xf32, #tpu.memory_space<hbm>>) dst(%arg12 : memref<16xf32, #tpu.memory_space<vmem>>)
      %get3A_183 = arith.constant 0 : index
      %get3A_184 = tpu.vector_load %arg12[%get3A_183] {strides = array<i32>} : memref<16xf32, #tpu.memory_space<vmem>>, vector<16xf32>,
      %scan3A_185 = arith.constant 0 : i32
      %scan3A_186 = arith.constant 64 : i32
      %scan3A_187 = arith.addi %scan3A_185, %scan3A_186 : i32
      %scan3A_188 = arith.constant 1 : i32
      %scan3A_189 = scf.for %scan3A_230 = %scan3A_185 to %scan3A_187 step %scan3A_188 iter_args(%scan3A_231 = %get3A_184) -> (vector<16xf32>)  : i32 {
        %add3A_232 = vector.broadcast %scan3A_230 : i32 to vector<16xi32>
        %add3A_233 = arith.addi %mul3A_40, %add3A_232 : vector<16xi32>
        %gather3A = tpu.vector_load_idx %arg10[%add3A_233] : memref<1024xf32, #tpu.memory_space<vmem>>[vector<16xi32>], vector<16xf32>,
        %mul3A_234 = arith.constant 16 : i32
        %mul3A_235 = arith.muli %scan3A_230, %mul3A_234 : i32
        %add3A_236 = vector.broadcast %mul3A_235 : i32 to vector<16xi32>
        %add3A_237 = arith.addi %add3A_236, %iota3A : vector<16xi32>
        tpu.vector_store_idx %arg18[%add3A_237], %gather3A : memref<1024xf32, #tpu.memory_space<vmem>>[vector<16xi32>], vector<16xf32>,
        tpu.vector_store_idx %arg17[%add3A_237], %scan3A_231 : memref<1024xf32, #tpu.memory_space<vmem>>[vector<16xi32>], vector<16xf32>,
        %add3A_238 = arith.addf %scan3A_231, %gather3A : vector<16xf32>
        scf.yield %add3A_238 : vector<16xf32>
      }
      %scan3A_190 = arith.constant 64 : i32
      %add3A_191 = arith.constant 2 : i32
      %add3A_192 = arith.addi %add3A_168, %add3A_191 : i32
      %min3A_193 = arith.constant 99 : i32
      %min3A_194 = arith.minsi %add3A_192, %min3A_193 : i32
      %dma_start3A_195 = arith.constant 0 : i32
      %dma_start3A_196 = tpu.memref_slice %arg3[%min3A_194, %dma_start3A_195] : memref<100x1024xf32, #tpu.memory_space<hbm>> -> memref<1x1024xf32, #tpu.memory_space<hbm>>
      %dma_start3A_197 = tpu.memref_squeeze %dma_start3A_196 : memref<1x1024xf32, #tpu.memory_space<hbm>> -> memref<1024xf32, #tpu.memory_space<hbm>>
      %dma_start3A_198 = arith.constant 0 : i32
      %dma_start3A_199 = tpu.memref_slice %arg3[%min3A_194, %dma_start3A_198] : memref<100x1024xf32, #tpu.memory_space<hbm>> -> memref<1x1024xf32, #tpu.memory_space<hbm>>
      %dma_start3A_200 = tpu.memref_squeeze %dma_start3A_199 : memref<1x1024xf32, #tpu.memory_space<hbm>> -> memref<1024xf32, #tpu.memory_space<hbm>>
      tpu.enqueue_dma source(%dma_start3A_200 : memref<1024xf32, #tpu.memory_space<hbm>>) target(%arg10 : memref<1024xf32, #tpu.memory_space<vmem>>) target_semaphore(%arg23 : memref<!tpu.dma_semaphore, #tpu.memory_space<semaphore_mem>>)
      %dma_start3A_201 = arith.constant 0 : i32
      %dma_start3A_202 = tpu.memref_slice %arg4[%min3A_194, %dma_start3A_201] : memref<100x16xf32, #tpu.memory_space<hbm>> -> memref<1x16xf32, #tpu.memory_space<hbm>>
      %dma_start3A_203 = tpu.memref_squeeze %dma_start3A_202 : memref<1x16xf32, #tpu.memory_space<hbm>> -> memref<16xf32, #tpu.memory_space<hbm>>
      %dma_start3A_204 = arith.constant 0 : i32
      %dma_start3A_205 = tpu.memref_slice %arg4[%min3A_194, %dma_start3A_204] : memref<100x16xf32, #tpu.memory_space<hbm>> -> memref<1x16xf32, #tpu.memory_space<hbm>>
      %dma_start3A_206 = tpu.memref_squeeze %dma_start3A_205 : memref<1x16xf32, #tpu.memory_space<hbm>> -> memref<16xf32, #tpu.memory_space<hbm>>
      tpu.enqueue_dma source(%dma_start3A_206 : memref<16xf32, #tpu.memory_space<hbm>>) target(%arg12 : memref<16xf32, #tpu.memory_space<vmem>>) target_semaphore(%arg23 : memref<!tpu.dma_semaphore, #tpu.memory_space<semaphore_mem>>)
      %ge3A_207 = arith.constant 1 : i32
      %ge3A_208 = arith.cmpi sge, %scan3A_106, %ge3A_207 : i32
      %convert_element_type3A_209 = arith.extui %ge3A_208 : i1 to i32
      %cond3A_210 = arith.constant 0 : i32
      %cond3A_211 = arith.cmpi ne, %convert_element_type3A_209, %cond3A_210 : i32
      scf.if %cond3A_211 {
        %dma_wait3A_230 = arith.constant 0 : i32
        %dma_wait3A_231 = arith.constant 0 : i32
        %dma_wait3A_232 = arith.constant 0 : i32
        %dma_wait3A_233 = arith.constant 0 : i32
        %dma_wait3A_234 = tpu.memref_slice %arg7[%dma_wait3A_230, %dma_wait3A_231, %mul3A_4, %dma_wait3A_232, %dma_wait3A_233] : memref<100x2x128x8x128xf32, #tpu.memory_space<hbm>> -> memref<1x2x4x8x128xf32, #tpu.memory_space<hbm>>
        %dma_wait3A_235 = tpu.memref_squeeze %dma_wait3A_234 : memref<1x2x4x8x128xf32, #tpu.memory_space<hbm>> -> memref<2x4x8x128xf32, #tpu.memory_space<hbm>>
        %dma_wait3A_236 = arith.constant 0 : i32
        %dma_wait3A_237 = arith.constant 0 : i32
        %dma_wait3A_238 = arith.constant 0 : i32
        %dma_wait3A_239 = tpu.memref_slice %arg7[%dma_wait3A_230, %dma_wait3A_236, %mul3A_4, %dma_wait3A_237, %dma_wait3A_238] : memref<100x2x128x8x128xf32, #tpu.memory_space<hbm>> -> memref<1x2x4x8x128xf32, #tpu.memory_space<hbm>>
        %dma_wait3A_240 = tpu.memref_squeeze %dma_wait3A_239 : memref<1x2x4x8x128xf32, #tpu.memory_space<hbm>> -> memref<2x4x8x128xf32, #tpu.memory_space<hbm>>
        tpu.wait_dma2 semaphore(%arg25 : memref<!tpu.dma_semaphore, #tpu.memory_space<semaphore_mem>>) src(%arg20 : memref<2x4x8x128xf32, #tpu.memory_space<vmem>>) dst(%dma_wait3A_240 : memref<2x4x8x128xf32, #tpu.memory_space<hbm>>)
      } else {
      }
      %add3A_212 = vector.broadcast %add3A_168 : i32 to vector<16xi32>
      %add3A_213 = arith.addi %mul3A_43, %add3A_212 : vector<16xi32>
      %scan3A_214 = arith.constant 0 : i32
      %scan3A_215 = arith.constant 0 : i32
      %scan3A_216 = arith.constant 32 : i32
      %scan3A_217 = arith.addi %scan3A_215, %scan3A_216 : i32
      %scan3A_218 = arith.constant 2 : i32
      scf.for %scan3A_230 = %scan3A_215 to %scan3A_217 step %scan3A_218  : i32 {
        %mul3A_231 = arith.constant 1600 : i32
        %mul3A_232 = arith.muli %scan3A_230, %mul3A_231 : i32
        %add3A_233 = vector.broadcast %mul3A_232 : i32 to vector<16xi32>
        %add3A_234 = arith.addi %add3A_233, %add3A_213 : vector<16xi32>
        %gather3A = tpu.vector_load_idx %arg8[%add3A_234] : memref<51200xf32, #tpu.memory_space<vmem>>[vector<16xi32>], vector<16xf32>,
        %jit3A = arith.constant -2.200000e+00 : f32
        %jit3A_235 = arith.constant 2.200000e+00 : f32
        %max3A = vector.broadcast %jit3A : f32 to vector<16xf32>
        %max3A_236 = arith.maximumf %max3A, %gather3A : vector<16xf32>
        %min3A_237 = vector.broadcast %jit3A_235 : f32 to vector<16xf32>
        %min3A_238 = arith.minimumf %min3A_237, %max3A_236 : vector<16xf32>
        %sub3A = arith.constant -2.200000e+00 : f32
        %sub3A_239 = vector.broadcast %sub3A : f32 to vector<16xf32>
        %sub3A_240 = arith.subf %min3A_238, %sub3A_239 : vector<16xf32>
        %mul3A_241 = arith.constant 58.1818161 : f32
        %mul3A_242 = vector.broadcast %mul3A_241 : f32 to vector<16xf32>
        %mul3A_243 = arith.mulf %sub3A_240, %mul3A_242 : vector<16xf32>
        %convert_element_type3A_244 = arith.fptosi %mul3A_243 : vector<16xf32> to vector<16xi32>
        %min3A_245 = arith.constant 255 : i32
        %min3A_246 = vector.broadcast %min3A_245 : i32 to vector<16xi32>
        %min3A_247 = arith.minsi %convert_element_type3A_244, %min3A_246 : vector<16xi32>
        %gather3A_248 = tpu.vector_load_idx %arg16[%min3A_247] : memref<256xi32, #tpu.memory_space<vmem>>[vector<16xi32>], vector<16xi32>,
        %gather3A_249 = tpu.vector_load_idx %arg13[%gather3A_248] : memref<64xf32, #tpu.memory_space<vmem>>[vector<16xi32>], vector<16xf32>,
        %lt3A = arith.cmpf olt, %gather3A_249, %gather3A : vector<16xf32>
        %jit3A_250 = arith.constant 1 : i32
        %jit3A_251 = arith.constant 0 : i32
        %broadcast_in_dim3A = vector.broadcast %jit3A_250 : i32 to vector<16xi32>
        %broadcast_in_dim3A_252 = vector.broadcast %jit3A_251 : i32 to vector<16xi32>
        %select_n3A = arith.select %lt3A, %broadcast_in_dim3A, %broadcast_in_dim3A_252 : vector<16xi1>, vector<16xi32>
        %add3A_253 = arith.addi %gather3A_248, %select_n3A : vector<16xi32>
        %min3A_254 = arith.constant 63 : i32
        %min3A_255 = vector.broadcast %min3A_254 : i32 to vector<16xi32>
        %min3A_256 = arith.minsi %add3A_253, %min3A_255 : vector<16xi32>
        %gather3A_257 = tpu.vector_load_idx %arg14[%min3A_256] : memref<64xf32, #tpu.memory_space<vmem>>[vector<16xi32>], vector<16xf32>,
        %sub3A_258 = arith.subf %gather3A, %gather3A_257 : vector<16xf32>
        %gather3A_259 = tpu.vector_load_idx %arg15[%min3A_256] : memref<64xf32, #tpu.memory_space<vmem>>[vector<16xi32>], vector<16xf32>,
        %mul3A_260 = arith.mulf %sub3A_258, %gather3A_259 : vector<16xf32>
        %mul3A_261 = arith.constant 16 : i32
        %mul3A_262 = vector.broadcast %mul3A_261 : i32 to vector<16xi32>
        %mul3A_263 = arith.muli %min3A_256, %mul3A_262 : vector<16xi32>
        %shift_right_logical3A_264 = arith.constant 3 : i32
        %shift_right_logical3A_265 = arith.shrui %scan3A_230, %shift_right_logical3A_264 : i32
        %broadcast_in_dim3A_266 = vector.broadcast %shift_right_logical3A_265 : i32 to vector<16xi32>
        %and3A_267 = arith.constant 7 : i32
        %and3A_268 = arith.andi %scan3A_230, %and3A_267 : i32
        %mul3A_269 = arith.constant 16 : i32
        %mul3A_270 = arith.muli %and3A_268, %mul3A_269 : i32
        %broadcast_in_dim3A_271 = vector.broadcast %mul3A_270 : i32 to vector<16xi32>
        %slice3A = vector.extract_strided_slice %mul3A_263 {offsets = [0], sizes = [1], strides = [1]} : vector<16xi32> to vector<1xi32>
        %squeeze3A = vector.extract %slice3A[0] : i32 from vector<1xi32>
        %slice3A_272 = vector.extract_strided_slice %mul3A_260 {offsets = [0], sizes = [1], strides = [1]} : vector<16xf32> to vector<1xf32>
        %squeeze3A_273 = vector.extract %slice3A_272[0] : f32 from vector<1xf32>
        %get3A_274 = arith.index_cast %squeeze3A : i32 to index
        %get3A_275 = tpu.vector_load %arg17[%get3A_274] {strides = array<i32>} : memref<1024xf32, #tpu.memory_space<vmem>>, vector<16xf32>,
        %get3A_276 = arith.index_cast %squeeze3A : i32 to index
        %get3A_277 = tpu.vector_load %arg18[%get3A_276] {strides = array<i32>} : memref<1024xf32, #tpu.memory_space<vmem>>, vector<16xf32>,
        %add3A_278 = arith.constant 0 : i32
        %add3A_279 = vector.broadcast %add3A_278 : i32 to vector<16xi32>
        %add3A_280 = arith.addi %broadcast_in_dim3A_271, %add3A_279 : vector<16xi32>
        %mul3A_281 = vector.broadcast %squeeze3A_273 : f32 to vector<16xf32>
        %mul3A_282 = arith.mulf %mul3A_281, %get3A_277 : vector<16xf32>
        %add3A_283 = arith.addf %get3A_275, %mul3A_282 : vector<16xf32>
        %max3A_284 = arith.constant 0.000000e+00 : f32
        %max3A_285 = vector.broadcast %max3A_284 : f32 to vector<16xf32>
        %max3A_286 = arith.maximumf %add3A_283, %max3A_285 : vector<16xf32>
        tpu.vector_store_idx %arg20[%shift_right_logical3A_45, %broadcast_in_dim3A_266, %and3A_47, %add3A_280], %max3A_286 : memref<2x4x8x128xf32, #tpu.memory_space<vmem>>[vector<16xi32>, vector<16xi32>, vector<16xi32>, vector<16xi32>], vector<16xf32>,
        %slice3A_287 = vector.extract_strided_slice %mul3A_263 {offsets = [1], sizes = [1], strides = [1]} : vector<16xi32> to vector<1xi32>
        %squeeze3A_288 = vector.extract %slice3A_287[0] : i32 from vector<1xi32>
        %slice3A_289 = vector.extract_strided_slice %mul3A_260 {offsets = [1], sizes = [1], strides = [1]} : vector<16xf32> to vector<1xf32>
        %squeeze3A_290 = vector.extract %slice3A_289[0] : f32 from vector<1xf32>
        %get3A_291 = arith.index_cast %squeeze3A_288 : i32 to index
        %get3A_292 = tpu.vector_load %arg17[%get3A_291] {strides = array<i32>} : memref<1024xf32, #tpu.memory_space<vmem>>, vector<16xf32>,
        %get3A_293 = arith.index_cast %squeeze3A_288 : i32 to index
        %get3A_294 = tpu.vector_load %arg18[%get3A_293] {strides = array<i32>} : memref<1024xf32, #tpu.memory_space<vmem>>, vector<16xf32>,
        %add3A_295 = arith.constant 1 : i32
        %add3A_296 = vector.broadcast %add3A_295 : i32 to vector<16xi32>
        %add3A_297 = arith.addi %broadcast_in_dim3A_271, %add3A_296 : vector<16xi32>
        %mul3A_298 = vector.broadcast %squeeze3A_290 : f32 to vector<16xf32>
        %mul3A_299 = arith.mulf %mul3A_298, %get3A_294 : vector<16xf32>
        %add3A_300 = arith.addf %get3A_292, %mul3A_299 : vector<16xf32>
        %max3A_301 = arith.constant 0.000000e+00 : f32
        %max3A_302 = vector.broadcast %max3A_301 : f32 to vector<16xf32>
        %max3A_303 = arith.maximumf %add3A_300, %max3A_302 : vector<16xf32>
        tpu.vector_store_idx %arg20[%shift_right_logical3A_45, %broadcast_in_dim3A_266, %and3A_47, %add3A_297], %max3A_303 : memref<2x4x8x128xf32, #tpu.memory_space<vmem>>[vector<16xi32>, vector<16xi32>, vector<16xi32>, vector<16xi32>], vector<16xf32>,
        %slice3A_304 = vector.extract_strided_slice %mul3A_263 {offsets = [2], sizes = [1], strides = [1]} : vector<16xi32> to vector<1xi32>
        %squeeze3A_305 = vector.extract %slice3A_304[0] : i32 from vector<1xi32>
        %slice3A_306 = vector.extract_strided_slice %mul3A_260 {offsets = [2], sizes = [1], strides = [1]} : vector<16xf32> to vector<1xf32>
        %squeeze3A_307 = vector.extract %slice3A_306[0] : f32 from vector<1xf32>
        %get3A_308 = arith.index_cast %squeeze3A_305 : i32 to index
        %get3A_309 = tpu.vector_load %arg17[%get3A_308] {strides = array<i32>} : memref<1024xf32, #tpu.memory_space<vmem>>, vector<16xf32>,
        %get3A_310 = arith.index_cast %squeeze3A_305 : i32 to index
        %get3A_311 = tpu.vector_load %arg18[%get3A_310] {strides = array<i32>} : memref<1024xf32, #tpu.memory_space<vmem>>, vector<16xf32>,
        %add3A_312 = arith.constant 2 : i32
        %add3A_313 = vector.broadcast %add3A_312 : i32 to vector<16xi32>
        %add3A_314 = arith.addi %broadcast_in_dim3A_271, %add3A_313 : vector<16xi32>
        %mul3A_315 = vector.broadcast %squeeze3A_307 : f32 to vector<16xf32>
        %mul3A_316 = arith.mulf %mul3A_315, %get3A_311 : vector<16xf32>
        %add3A_317 = arith.addf %get3A_309, %mul3A_316 : vector<16xf32>
        %max3A_318 = arith.constant 0.000000e+00 : f32
        %max3A_319 = vector.broadcast %max3A_318 : f32 to vector<16xf32>
        %max3A_320 = arith.maximumf %add3A_317, %max3A_319 : vector<16xf32>
        tpu.vector_store_idx %arg20[%shift_right_logical3A_45, %broadcast_in_dim3A_266, %and3A_47, %add3A_314], %max3A_320 : memref<2x4x8x128xf32, #tpu.memory_space<vmem>>[vector<16xi32>, vector<16xi32>, vector<16xi32>, vector<16xi32>], vector<16xf32>,
        %slice3A_321 = vector.extract_strided_slice %mul3A_263 {offsets = [3], sizes = [1], strides = [1]} : vector<16xi32> to vector<1xi32>
        %squeeze3A_322 = vector.extract %slice3A_321[0] : i32 from vector<1xi32>
        %slice3A_323 = vector.extract_strided_slice %mul3A_260 {offsets = [3], sizes = [1], strides = [1]} : vector<16xf32> to vector<1xf32>
        %squeeze3A_324 = vector.extract %slice3A_323[0] : f32 from vector<1xf32>
        %get3A_325 = arith.index_cast %squeeze3A_322 : i32 to index
        %get3A_326 = tpu.vector_load %arg17[%get3A_325] {strides = array<i32>} : memref<1024xf32, #tpu.memory_space<vmem>>, vector<16xf32>,
        %get3A_327 = arith.index_cast %squeeze3A_322 : i32 to index
        %get3A_328 = tpu.vector_load %arg18[%get3A_327] {strides = array<i32>} : memref<1024xf32, #tpu.memory_space<vmem>>, vector<16xf32>,
        %add3A_329 = arith.constant 3 : i32
        %add3A_330 = vector.broadcast %add3A_329 : i32 to vector<16xi32>
        %add3A_331 = arith.addi %broadcast_in_dim3A_271, %add3A_330 : vector<16xi32>
        %mul3A_332 = vector.broadcast %squeeze3A_324 : f32 to vector<16xf32>
        %mul3A_333 = arith.mulf %mul3A_332, %get3A_328 : vector<16xf32>
        %add3A_334 = arith.addf %get3A_326, %mul3A_333 : vector<16xf32>
        %max3A_335 = arith.constant 0.000000e+00 : f32
        %max3A_336 = vector.broadcast %max3A_335 : f32 to vector<16xf32>
        %max3A_337 = arith.maximumf %add3A_334, %max3A_336 : vector<16xf32>
        tpu.vector_store_idx %arg20[%shift_right_logical3A_45, %broadcast_in_dim3A_266, %and3A_47, %add3A_331], %max3A_337 : memref<2x4x8x128xf32, #tpu.memory_space<vmem>>[vector<16xi32>, vector<16xi32>, vector<16xi32>, vector<16xi32>], vector<16xf32>,
        %slice3A_338 = vector.extract_strided_slice %mul3A_263 {offsets = [4], sizes = [1], strides = [1]} : vector<16xi32> to vector<1xi32>
        %squeeze3A_339 = vector.extract %slice3A_338[0] : i32 from vector<1xi32>
        %slice3A_340 = vector.extract_strided_slice %mul3A_260 {offsets = [4], sizes = [1], strides = [1]} : vector<16xf32> to vector<1xf32>
        %squeeze3A_341 = vector.extract %slice3A_340[0] : f32 from vector<1xf32>
        %get3A_342 = arith.index_cast %squeeze3A_339 : i32 to index
        %get3A_343 = tpu.vector_load %arg17[%get3A_342] {strides = array<i32>} : memref<1024xf32, #tpu.memory_space<vmem>>, vector<16xf32>,
        %get3A_344 = arith.index_cast %squeeze3A_339 : i32 to index
        %get3A_345 = tpu.vector_load %arg18[%get3A_344] {strides = array<i32>} : memref<1024xf32, #tpu.memory_space<vmem>>, vector<16xf32>,
        %add3A_346 = arith.constant 4 : i32
        %add3A_347 = vector.broadcast %add3A_346 : i32 to vector<16xi32>
        %add3A_348 = arith.addi %broadcast_in_dim3A_271, %add3A_347 : vector<16xi32>
        %mul3A_349 = vector.broadcast %squeeze3A_341 : f32 to vector<16xf32>
        %mul3A_350 = arith.mulf %mul3A_349, %get3A_345 : vector<16xf32>
        %add3A_351 = arith.addf %get3A_343, %mul3A_350 : vector<16xf32>
        %max3A_352 = arith.constant 0.000000e+00 : f32
        %max3A_353 = vector.broadcast %max3A_352 : f32 to vector<16xf32>
        %max3A_354 = arith.maximumf %add3A_351, %max3A_353 : vector<16xf32>
        tpu.vector_store_idx %arg20[%shift_right_logical3A_45, %broadcast_in_dim3A_266, %and3A_47, %add3A_348], %max3A_354 : memref<2x4x8x128xf32, #tpu.memory_space<vmem>>[vector<16xi32>, vector<16xi32>, vector<16xi32>, vector<16xi32>], vector<16xf32>,
        %slice3A_355 = vector.extract_strided_slice %mul3A_263 {offsets = [5], sizes = [1], strides = [1]} : vector<16xi32> to vector<1xi32>
        %squeeze3A_356 = vector.extract %slice3A_355[0] : i32 from vector<1xi32>
        %slice3A_357 = vector.extract_strided_slice %mul3A_260 {offsets = [5], sizes = [1], strides = [1]} : vector<16xf32> to vector<1xf32>
        %squeeze3A_358 = vector.extract %slice3A_357[0] : f32 from vector<1xf32>
        %get3A_359 = arith.index_cast %squeeze3A_356 : i32 to index
        %get3A_360 = tpu.vector_load %arg17[%get3A_359] {strides = array<i32>} : memref<1024xf32, #tpu.memory_space<vmem>>, vector<16xf32>,
        %get3A_361 = arith.index_cast %squeeze3A_356 : i32 to index
        %get3A_362 = tpu.vector_load %arg18[%get3A_361] {strides = array<i32>} : memref<1024xf32, #tpu.memory_space<vmem>>, vector<16xf32>,
        %add3A_363 = arith.constant 5 : i32
        %add3A_364 = vector.broadcast %add3A_363 : i32 to vector<16xi32>
        %add3A_365 = arith.addi %broadcast_in_dim3A_271, %add3A_364 : vector<16xi32>
        %mul3A_366 = vector.broadcast %squeeze3A_358 : f32 to vector<16xf32>
        %mul3A_367 = arith.mulf %mul3A_366, %get3A_362 : vector<16xf32>
        %add3A_368 = arith.addf %get3A_360, %mul3A_367 : vector<16xf32>
        %max3A_369 = arith.constant 0.000000e+00 : f32
        %max3A_370 = vector.broadcast %max3A_369 : f32 to vector<16xf32>
        %max3A_371 = arith.maximumf %add3A_368, %max3A_370 : vector<16xf32>
        tpu.vector_store_idx %arg20[%shift_right_logical3A_45, %broadcast_in_dim3A_266, %and3A_47, %add3A_365], %max3A_371 : memref<2x4x8x128xf32, #tpu.memory_space<vmem>>[vector<16xi32>, vector<16xi32>, vector<16xi32>, vector<16xi32>], vector<16xf32>,
        %slice3A_372 = vector.extract_strided_slice %mul3A_263 {offsets = [6], sizes = [1], strides = [1]} : vector<16xi32> to vector<1xi32>
        %squeeze3A_373 = vector.extract %slice3A_372[0] : i32 from vector<1xi32>
        %slice3A_374 = vector.extract_strided_slice %mul3A_260 {offsets = [6], sizes = [1], strides = [1]} : vector<16xf32> to vector<1xf32>
        %squeeze3A_375 = vector.extract %slice3A_374[0] : f32 from vector<1xf32>
        %get3A_376 = arith.index_cast %squeeze3A_373 : i32 to index
        %get3A_377 = tpu.vector_load %arg17[%get3A_376] {strides = array<i32>} : memref<1024xf32, #tpu.memory_space<vmem>>, vector<16xf32>,
        %get3A_378 = arith.index_cast %squeeze3A_373 : i32 to index
        %get3A_379 = tpu.vector_load %arg18[%get3A_378] {strides = array<i32>} : memref<1024xf32, #tpu.memory_space<vmem>>, vector<16xf32>,
        %add3A_380 = arith.constant 6 : i32
        %add3A_381 = vector.broadcast %add3A_380 : i32 to vector<16xi32>
        %add3A_382 = arith.addi %broadcast_in_dim3A_271, %add3A_381 : vector<16xi32>
        %mul3A_383 = vector.broadcast %squeeze3A_375 : f32 to vector<16xf32>
        %mul3A_384 = arith.mulf %mul3A_383, %get3A_379 : vector<16xf32>
        %add3A_385 = arith.addf %get3A_377, %mul3A_384 : vector<16xf32>
        %max3A_386 = arith.constant 0.000000e+00 : f32
        %max3A_387 = vector.broadcast %max3A_386 : f32 to vector<16xf32>
        %max3A_388 = arith.maximumf %add3A_385, %max3A_387 : vector<16xf32>
        tpu.vector_store_idx %arg20[%shift_right_logical3A_45, %broadcast_in_dim3A_266, %and3A_47, %add3A_382], %max3A_388 : memref<2x4x8x128xf32, #tpu.memory_space<vmem>>[vector<16xi32>, vector<16xi32>, vector<16xi32>, vector<16xi32>], vector<16xf32>,
        %slice3A_389 = vector.extract_strided_slice %mul3A_263 {offsets = [7], sizes = [1], strides = [1]} : vector<16xi32> to vector<1xi32>
        %squeeze3A_390 = vector.extract %slice3A_389[0] : i32 from vector<1xi32>
        %slice3A_391 = vector.extract_strided_slice %mul3A_260 {offsets = [7], sizes = [1], strides = [1]} : vector<16xf32> to vector<1xf32>
        %squeeze3A_392 = vector.extract %slice3A_391[0] : f32 from vector<1xf32>
        %get3A_393 = arith.index_cast %squeeze3A_390 : i32 to index
        %get3A_394 = tpu.vector_load %arg17[%get3A_393] {strides = array<i32>} : memref<1024xf32, #tpu.memory_space<vmem>>, vector<16xf32>,
        %get3A_395 = arith.index_cast %squeeze3A_390 : i32 to index
        %get3A_396 = tpu.vector_load %arg18[%get3A_395] {strides = array<i32>} : memref<1024xf32, #tpu.memory_space<vmem>>, vector<16xf32>,
        %add3A_397 = arith.constant 7 : i32
        %add3A_398 = vector.broadcast %add3A_397 : i32 to vector<16xi32>
        %add3A_399 = arith.addi %broadcast_in_dim3A_271, %add3A_398 : vector<16xi32>
        %mul3A_400 = vector.broadcast %squeeze3A_392 : f32 to vector<16xf32>
        %mul3A_401 = arith.mulf %mul3A_400, %get3A_396 : vector<16xf32>
        %add3A_402 = arith.addf %get3A_394, %mul3A_401 : vector<16xf32>
        %max3A_403 = arith.constant 0.000000e+00 : f32
        %max3A_404 = vector.broadcast %max3A_403 : f32 to vector<16xf32>
        %max3A_405 = arith.maximumf %add3A_402, %max3A_404 : vector<16xf32>
        tpu.vector_store_idx %arg20[%shift_right_logical3A_45, %broadcast_in_dim3A_266, %and3A_47, %add3A_399], %max3A_405 : memref<2x4x8x128xf32, #tpu.memory_space<vmem>>[vector<16xi32>, vector<16xi32>, vector<16xi32>, vector<16xi32>], vector<16xf32>,
        %slice3A_406 = vector.extract_strided_slice %mul3A_263 {offsets = [8], sizes = [1], strides = [1]} : vector<16xi32> to vector<1xi32>
        %squeeze3A_407 = vector.extract %slice3A_406[0] : i32 from vector<1xi32>
        %slice3A_408 = vector.extract_strided_slice %mul3A_260 {offsets = [8], sizes = [1], strides = [1]} : vector<16xf32> to vector<1xf32>
        %squeeze3A_409 = vector.extract %slice3A_408[0] : f32 from vector<1xf32>
        %get3A_410 = arith.index_cast %squeeze3A_407 : i32 to index
        %get3A_411 = tpu.vector_load %arg17[%get3A_410] {strides = array<i32>} : memref<1024xf32, #tpu.memory_space<vmem>>, vector<16xf32>,
        %get3A_412 = arith.index_cast %squeeze3A_407 : i32 to index
        %get3A_413 = tpu.vector_load %arg18[%get3A_412] {strides = array<i32>} : memref<1024xf32, #tpu.memory_space<vmem>>, vector<16xf32>,
        %add3A_414 = arith.constant 8 : i32
        %add3A_415 = vector.broadcast %add3A_414 : i32 to vector<16xi32>
        %add3A_416 = arith.addi %broadcast_in_dim3A_271, %add3A_415 : vector<16xi32>
        %mul3A_417 = vector.broadcast %squeeze3A_409 : f32 to vector<16xf32>
        %mul3A_418 = arith.mulf %mul3A_417, %get3A_413 : vector<16xf32>
        %add3A_419 = arith.addf %get3A_411, %mul3A_418 : vector<16xf32>
        %max3A_420 = arith.constant 0.000000e+00 : f32
        %max3A_421 = vector.broadcast %max3A_420 : f32 to vector<16xf32>
        %max3A_422 = arith.maximumf %add3A_419, %max3A_421 : vector<16xf32>
        tpu.vector_store_idx %arg20[%shift_right_logical3A_45, %broadcast_in_dim3A_266, %and3A_47, %add3A_416], %max3A_422 : memref<2x4x8x128xf32, #tpu.memory_space<vmem>>[vector<16xi32>, vector<16xi32>, vector<16xi32>, vector<16xi32>], vector<16xf32>,
        %slice3A_423 = vector.extract_strided_slice %mul3A_263 {offsets = [9], sizes = [1], strides = [1]} : vector<16xi32> to vector<1xi32>
        %squeeze3A_424 = vector.extract %slice3A_423[0] : i32 from vector<1xi32>
        %slice3A_425 = vector.extract_strided_slice %mul3A_260 {offsets = [9], sizes = [1], strides = [1]} : vector<16xf32> to vector<1xf32>
        %squeeze3A_426 = vector.extract %slice3A_425[0] : f32 from vector<1xf32>
        %get3A_427 = arith.index_cast %squeeze3A_424 : i32 to index
        %get3A_428 = tpu.vector_load %arg17[%get3A_427] {strides = array<i32>} : memref<1024xf32, #tpu.memory_space<vmem>>, vector<16xf32>,
        %get3A_429 = arith.index_cast %squeeze3A_424 : i32 to index
        %get3A_430 = tpu.vector_load %arg18[%get3A_429] {strides = array<i32>} : memref<1024xf32, #tpu.memory_space<vmem>>, vector<16xf32>,
        %add3A_431 = arith.constant 9 : i32
        %add3A_432 = vector.broadcast %add3A_431 : i32 to vector<16xi32>
        %add3A_433 = arith.addi %broadcast_in_dim3A_271, %add3A_432 : vector<16xi32>
        %mul3A_434 = vector.broadcast %squeeze3A_426 : f32 to vector<16xf32>
        %mul3A_435 = arith.mulf %mul3A_434, %get3A_430 : vector<16xf32>
        %add3A_436 = arith.addf %get3A_428, %mul3A_435 : vector<16xf32>
        %max3A_437 = arith.constant 0.000000e+00 : f32
        %max3A_438 = vector.broadcast %max3A_437 : f32 to vector<16xf32>
        %max3A_439 = arith.maximumf %add3A_436, %max3A_438 : vector<16xf32>
        tpu.vector_store_idx %arg20[%shift_right_logical3A_45, %broadcast_in_dim3A_266, %and3A_47, %add3A_433], %max3A_439 : memref<2x4x8x128xf32, #tpu.memory_space<vmem>>[vector<16xi32>, vector<16xi32>, vector<16xi32>, vector<16xi32>], vector<16xf32>,
        %slice3A_440 = vector.extract_strided_slice %mul3A_263 {offsets = [10], sizes = [1], strides = [1]} : vector<16xi32> to vector<1xi32>
        %squeeze3A_441 = vector.extract %slice3A_440[0] : i32 from vector<1xi32>
        %slice3A_442 = vector.extract_strided_slice %mul3A_260 {offsets = [10], sizes = [1], strides = [1]} : vector<16xf32> to vector<1xf32>
        %squeeze3A_443 = vector.extract %slice3A_442[0] : f32 from vector<1xf32>
        %get3A_444 = arith.index_cast %squeeze3A_441 : i32 to index
        %get3A_445 = tpu.vector_load %arg17[%get3A_444] {strides = array<i32>} : memref<1024xf32, #tpu.memory_space<vmem>>, vector<16xf32>,
        %get3A_446 = arith.index_cast %squeeze3A_441 : i32 to index
        %get3A_447 = tpu.vector_load %arg18[%get3A_446] {strides = array<i32>} : memref<1024xf32, #tpu.memory_space<vmem>>, vector<16xf32>,
        %add3A_448 = arith.constant 10 : i32
        %add3A_449 = vector.broadcast %add3A_448 : i32 to vector<16xi32>
        %add3A_450 = arith.addi %broadcast_in_dim3A_271, %add3A_449 : vector<16xi32>
        %mul3A_451 = vector.broadcast %squeeze3A_443 : f32 to vector<16xf32>
        %mul3A_452 = arith.mulf %mul3A_451, %get3A_447 : vector<16xf32>
        %add3A_453 = arith.addf %get3A_445, %mul3A_452 : vector<16xf32>
        %max3A_454 = arith.constant 0.000000e+00 : f32
        %max3A_455 = vector.broadcast %max3A_454 : f32 to vector<16xf32>
        %max3A_456 = arith.maximumf %add3A_453, %max3A_455 : vector<16xf32>
        tpu.vector_store_idx %arg20[%shift_right_logical3A_45, %broadcast_in_dim3A_266, %and3A_47, %add3A_450], %max3A_456 : memref<2x4x8x128xf32, #tpu.memory_space<vmem>>[vector<16xi32>, vector<16xi32>, vector<16xi32>, vector<16xi32>], vector<16xf32>,
        %slice3A_457 = vector.extract_strided_slice %mul3A_263 {offsets = [11], sizes = [1], strides = [1]} : vector<16xi32> to vector<1xi32>
        %squeeze3A_458 = vector.extract %slice3A_457[0] : i32 from vector<1xi32>
        %slice3A_459 = vector.extract_strided_slice %mul3A_260 {offsets = [11], sizes = [1], strides = [1]} : vector<16xf32> to vector<1xf32>
        %squeeze3A_460 = vector.extract %slice3A_459[0] : f32 from vector<1xf32>
        %get3A_461 = arith.index_cast %squeeze3A_458 : i32 to index
        %get3A_462 = tpu.vector_load %arg17[%get3A_461] {strides = array<i32>} : memref<1024xf32, #tpu.memory_space<vmem>>, vector<16xf32>,
        %get3A_463 = arith.index_cast %squeeze3A_458 : i32 to index
        %get3A_464 = tpu.vector_load %arg18[%get3A_463] {strides = array<i32>} : memref<1024xf32, #tpu.memory_space<vmem>>, vector<16xf32>,
        %add3A_465 = arith.constant 11 : i32
        %add3A_466 = vector.broadcast %add3A_465 : i32 to vector<16xi32>
        %add3A_467 = arith.addi %broadcast_in_dim3A_271, %add3A_466 : vector<16xi32>
        %mul3A_468 = vector.broadcast %squeeze3A_460 : f32 to vector<16xf32>
        %mul3A_469 = arith.mulf %mul3A_468, %get3A_464 : vector<16xf32>
        %add3A_470 = arith.addf %get3A_462, %mul3A_469 : vector<16xf32>
        %max3A_471 = arith.constant 0.000000e+00 : f32
        %max3A_472 = vector.broadcast %max3A_471 : f32 to vector<16xf32>
        %max3A_473 = arith.maximumf %add3A_470, %max3A_472 : vector<16xf32>
        tpu.vector_store_idx %arg20[%shift_right_logical3A_45, %broadcast_in_dim3A_266, %and3A_47, %add3A_467], %max3A_473 : memref<2x4x8x128xf32, #tpu.memory_space<vmem>>[vector<16xi32>, vector<16xi32>, vector<16xi32>, vector<16xi32>], vector<16xf32>,
        %slice3A_474 = vector.extract_strided_slice %mul3A_263 {offsets = [12], sizes = [1], strides = [1]} : vector<16xi32> to vector<1xi32>
        %squeeze3A_475 = vector.extract %slice3A_474[0] : i32 from vector<1xi32>
        %slice3A_476 = vector.extract_strided_slice %mul3A_260 {offsets = [12], sizes = [1], strides = [1]} : vector<16xf32> to vector<1xf32>
        %squeeze3A_477 = vector.extract %slice3A_476[0] : f32 from vector<1xf32>
        %get3A_478 = arith.index_cast %squeeze3A_475 : i32 to index
        %get3A_479 = tpu.vector_load %arg17[%get3A_478] {strides = array<i32>} : memref<1024xf32, #tpu.memory_space<vmem>>, vector<16xf32>,
        %get3A_480 = arith.index_cast %squeeze3A_475 : i32 to index
        %get3A_481 = tpu.vector_load %arg18[%get3A_480] {strides = array<i32>} : memref<1024xf32, #tpu.memory_space<vmem>>, vector<16xf32>,
        %add3A_482 = arith.constant 12 : i32
        %add3A_483 = vector.broadcast %add3A_482 : i32 to vector<16xi32>
        %add3A_484 = arith.addi %broadcast_in_dim3A_271, %add3A_483 : vector<16xi32>
        %mul3A_485 = vector.broadcast %squeeze3A_477 : f32 to vector<16xf32>
        %mul3A_486 = arith.mulf %mul3A_485, %get3A_481 : vector<16xf32>
        %add3A_487 = arith.addf %get3A_479, %mul3A_486 : vector<16xf32>
        %max3A_488 = arith.constant 0.000000e+00 : f32
        %max3A_489 = vector.broadcast %max3A_488 : f32 to vector<16xf32>
        %max3A_490 = arith.maximumf %add3A_487, %max3A_489 : vector<16xf32>
        tpu.vector_store_idx %arg20[%shift_right_logical3A_45, %broadcast_in_dim3A_266, %and3A_47, %add3A_484], %max3A_490 : memref<2x4x8x128xf32, #tpu.memory_space<vmem>>[vector<16xi32>, vector<16xi32>, vector<16xi32>, vector<16xi32>], vector<16xf32>,
        %slice3A_491 = vector.extract_strided_slice %mul3A_263 {offsets = [13], sizes = [1], strides = [1]} : vector<16xi32> to vector<1xi32>
        %squeeze3A_492 = vector.extract %slice3A_491[0] : i32 from vector<1xi32>
        %slice3A_493 = vector.extract_strided_slice %mul3A_260 {offsets = [13], sizes = [1], strides = [1]} : vector<16xf32> to vector<1xf32>
        %squeeze3A_494 = vector.extract %slice3A_493[0] : f32 from vector<1xf32>
        %get3A_495 = arith.index_cast %squeeze3A_492 : i32 to index
        %get3A_496 = tpu.vector_load %arg17[%get3A_495] {strides = array<i32>} : memref<1024xf32, #tpu.memory_space<vmem>>, vector<16xf32>,
        %get3A_497 = arith.index_cast %squeeze3A_492 : i32 to index
        %get3A_498 = tpu.vector_load %arg18[%get3A_497] {strides = array<i32>} : memref<1024xf32, #tpu.memory_space<vmem>>, vector<16xf32>,
        %add3A_499 = arith.constant 13 : i32
        %add3A_500 = vector.broadcast %add3A_499 : i32 to vector<16xi32>
        %add3A_501 = arith.addi %broadcast_in_dim3A_271, %add3A_500 : vector<16xi32>
        %mul3A_502 = vector.broadcast %squeeze3A_494 : f32 to vector<16xf32>
        %mul3A_503 = arith.mulf %mul3A_502, %get3A_498 : vector<16xf32>
        %add3A_504 = arith.addf %get3A_496, %mul3A_503 : vector<16xf32>
        %max3A_505 = arith.constant 0.000000e+00 : f32
        %max3A_506 = vector.broadcast %max3A_505 : f32 to vector<16xf32>
        %max3A_507 = arith.maximumf %add3A_504, %max3A_506 : vector<16xf32>
        tpu.vector_store_idx %arg20[%shift_right_logical3A_45, %broadcast_in_dim3A_266, %and3A_47, %add3A_501], %max3A_507 : memref<2x4x8x128xf32, #tpu.memory_space<vmem>>[vector<16xi32>, vector<16xi32>, vector<16xi32>, vector<16xi32>], vector<16xf32>,
        %slice3A_508 = vector.extract_strided_slice %mul3A_263 {offsets = [14], sizes = [1], strides = [1]} : vector<16xi32> to vector<1xi32>
        %squeeze3A_509 = vector.extract %slice3A_508[0] : i32 from vector<1xi32>
        %slice3A_510 = vector.extract_strided_slice %mul3A_260 {offsets = [14], sizes = [1], strides = [1]} : vector<16xf32> to vector<1xf32>
        %squeeze3A_511 = vector.extract %slice3A_510[0] : f32 from vector<1xf32>
        %get3A_512 = arith.index_cast %squeeze3A_509 : i32 to index
        %get3A_513 = tpu.vector_load %arg17[%get3A_512] {strides = array<i32>} : memref<1024xf32, #tpu.memory_space<vmem>>, vector<16xf32>,
        %get3A_514 = arith.index_cast %squeeze3A_509 : i32 to index
        %get3A_515 = tpu.vector_load %arg18[%get3A_514] {strides = array<i32>} : memref<1024xf32, #tpu.memory_space<vmem>>, vector<16xf32>,
        %add3A_516 = arith.constant 14 : i32
        %add3A_517 = vector.broadcast %add3A_516 : i32 to vector<16xi32>
        %add3A_518 = arith.addi %broadcast_in_dim3A_271, %add3A_517 : vector<16xi32>
        %mul3A_519 = vector.broadcast %squeeze3A_511 : f32 to vector<16xf32>
        %mul3A_520 = arith.mulf %mul3A_519, %get3A_515 : vector<16xf32>
        %add3A_521 = arith.addf %get3A_513, %mul3A_520 : vector<16xf32>
        %max3A_522 = arith.constant 0.000000e+00 : f32
        %max3A_523 = vector.broadcast %max3A_522 : f32 to vector<16xf32>
        %max3A_524 = arith.maximumf %add3A_521, %max3A_523 : vector<16xf32>
        tpu.vector_store_idx %arg20[%shift_right_logical3A_45, %broadcast_in_dim3A_266, %and3A_47, %add3A_518], %max3A_524 : memref<2x4x8x128xf32, #tpu.memory_space<vmem>>[vector<16xi32>, vector<16xi32>, vector<16xi32>, vector<16xi32>], vector<16xf32>,
        %slice3A_525 = vector.extract_strided_slice %mul3A_263 {offsets = [15], sizes = [1], strides = [1]} : vector<16xi32> to vector<1xi32>
        %squeeze3A_526 = vector.extract %slice3A_525[0] : i32 from vector<1xi32>
        %slice3A_527 = vector.extract_strided_slice %mul3A_260 {offsets = [15], sizes = [1], strides = [1]} : vector<16xf32> to vector<1xf32>
        %squeeze3A_528 = vector.extract %slice3A_527[0] : f32 from vector<1xf32>
        %get3A_529 = arith.index_cast %squeeze3A_526 : i32 to index
        %get3A_530 = tpu.vector_load %arg17[%get3A_529] {strides = array<i32>} : memref<1024xf32, #tpu.memory_space<vmem>>, vector<16xf32>,
        %get3A_531 = arith.index_cast %squeeze3A_526 : i32 to index
        %get3A_532 = tpu.vector_load %arg18[%get3A_531] {strides = array<i32>} : memref<1024xf32, #tpu.memory_space<vmem>>, vector<16xf32>,
        %add3A_533 = arith.constant 15 : i32
        %add3A_534 = vector.broadcast %add3A_533 : i32 to vector<16xi32>
        %add3A_535 = arith.addi %broadcast_in_dim3A_271, %add3A_534 : vector<16xi32>
        %mul3A_536 = vector.broadcast %squeeze3A_528 : f32 to vector<16xf32>
        %mul3A_537 = arith.mulf %mul3A_536, %get3A_532 : vector<16xf32>
        %add3A_538 = arith.addf %get3A_530, %mul3A_537 : vector<16xf32>
        %max3A_539 = arith.constant 0.000000e+00 : f32
        %max3A_540 = vector.broadcast %max3A_539 : f32 to vector<16xf32>
        %max3A_541 = arith.maximumf %add3A_538, %max3A_540 : vector<16xf32>
        tpu.vector_store_idx %arg20[%shift_right_logical3A_45, %broadcast_in_dim3A_266, %and3A_47, %add3A_535], %max3A_541 : memref<2x4x8x128xf32, #tpu.memory_space<vmem>>[vector<16xi32>, vector<16xi32>, vector<16xi32>, vector<16xi32>], vector<16xf32>,
        %scan3A_542 = arith.constant 1 : i32
        %scan3A_543 = arith.addi %scan3A_230, %scan3A_542 : i32
        %mul3A_544 = arith.constant 1600 : i32
        %mul3A_545 = arith.muli %scan3A_543, %mul3A_544 : i32
        %add3A_546 = vector.broadcast %mul3A_545 : i32 to vector<16xi32>
        %add3A_547 = arith.addi %add3A_546, %add3A_213 : vector<16xi32>
        %gather3A_548 = tpu.vector_load_idx %arg8[%add3A_547] : memref<51200xf32, #tpu.memory_space<vmem>>[vector<16xi32>], vector<16xf32>,
        %jit3A_549 = arith.constant -2.200000e+00 : f32
        %jit3A_550 = arith.constant 2.200000e+00 : f32
        %max3A_551 = vector.broadcast %jit3A_549 : f32 to vector<16xf32>
        %max3A_552 = arith.maximumf %max3A_551, %gather3A_548 : vector<16xf32>
        %min3A_553 = vector.broadcast %jit3A_550 : f32 to vector<16xf32>
        %min3A_554 = arith.minimumf %min3A_553, %max3A_552 : vector<16xf32>
        %sub3A_555 = arith.constant -2.200000e+00 : f32
        %sub3A_556 = vector.broadcast %sub3A_555 : f32 to vector<16xf32>
        %sub3A_557 = arith.subf %min3A_554, %sub3A_556 : vector<16xf32>
        %mul3A_558 = arith.constant 58.1818161 : f32
        %mul3A_559 = vector.broadcast %mul3A_558 : f32 to vector<16xf32>
        %mul3A_560 = arith.mulf %sub3A_557, %mul3A_559 : vector<16xf32>
        %convert_element_type3A_561 = arith.fptosi %mul3A_560 : vector<16xf32> to vector<16xi32>
        %min3A_562 = arith.constant 255 : i32
        %min3A_563 = vector.broadcast %min3A_562 : i32 to vector<16xi32>
        %min3A_564 = arith.minsi %convert_element_type3A_561, %min3A_563 : vector<16xi32>
        %gather3A_565 = tpu.vector_load_idx %arg16[%min3A_564] : memref<256xi32, #tpu.memory_space<vmem>>[vector<16xi32>], vector<16xi32>,
        %gather3A_566 = tpu.vector_load_idx %arg13[%gather3A_565] : memref<64xf32, #tpu.memory_space<vmem>>[vector<16xi32>], vector<16xf32>,
        %lt3A_567 = arith.cmpf olt, %gather3A_566, %gather3A_548 : vector<16xf32>
        %jit3A_568 = arith.constant 1 : i32
        %jit3A_569 = arith.constant 0 : i32
        %broadcast_in_dim3A_570 = vector.broadcast %jit3A_568 : i32 to vector<16xi32>
        %broadcast_in_dim3A_571 = vector.broadcast %jit3A_569 : i32 to vector<16xi32>
        %select_n3A_572 = arith.select %lt3A_567, %broadcast_in_dim3A_570, %broadcast_in_dim3A_571 : vector<16xi1>, vector<16xi32>
        %add3A_573 = arith.addi %gather3A_565, %select_n3A_572 : vector<16xi32>
        %min3A_574 = arith.constant 63 : i32
        %min3A_575 = vector.broadcast %min3A_574 : i32 to vector<16xi32>
        %min3A_576 = arith.minsi %add3A_573, %min3A_575 : vector<16xi32>
        %gather3A_577 = tpu.vector_load_idx %arg14[%min3A_576] : memref<64xf32, #tpu.memory_space<vmem>>[vector<16xi32>], vector<16xf32>,
        %sub3A_578 = arith.subf %gather3A_548, %gather3A_577 : vector<16xf32>
        %gather3A_579 = tpu.vector_load_idx %arg15[%min3A_576] : memref<64xf32, #tpu.memory_space<vmem>>[vector<16xi32>], vector<16xf32>,
        %mul3A_580 = arith.mulf %sub3A_578, %gather3A_579 : vector<16xf32>
        %mul3A_581 = arith.constant 16 : i32
        %mul3A_582 = vector.broadcast %mul3A_581 : i32 to vector<16xi32>
        %mul3A_583 = arith.muli %min3A_576, %mul3A_582 : vector<16xi32>
        %shift_right_logical3A_584 = arith.constant 3 : i32
        %shift_right_logical3A_585 = arith.shrui %scan3A_543, %shift_right_logical3A_584 : i32
        %broadcast_in_dim3A_586 = vector.broadcast %shift_right_logical3A_585 : i32 to vector<16xi32>
        %and3A_587 = arith.constant 7 : i32
        %and3A_588 = arith.andi %scan3A_543, %and3A_587 : i32
        %mul3A_589 = arith.constant 16 : i32
        %mul3A_590 = arith.muli %and3A_588, %mul3A_589 : i32
        %broadcast_in_dim3A_591 = vector.broadcast %mul3A_590 : i32 to vector<16xi32>
        %slice3A_592 = vector.extract_strided_slice %mul3A_583 {offsets = [0], sizes = [1], strides = [1]} : vector<16xi32> to vector<1xi32>
        %squeeze3A_593 = vector.extract %slice3A_592[0] : i32 from vector<1xi32>
        %slice3A_594 = vector.extract_strided_slice %mul3A_580 {offsets = [0], sizes = [1], strides = [1]} : vector<16xf32> to vector<1xf32>
        %squeeze3A_595 = vector.extract %slice3A_594[0] : f32 from vector<1xf32>
        %get3A_596 = arith.index_cast %squeeze3A_593 : i32 to index
        %get3A_597 = tpu.vector_load %arg17[%get3A_596] {strides = array<i32>} : memref<1024xf32, #tpu.memory_space<vmem>>, vector<16xf32>,
        %get3A_598 = arith.index_cast %squeeze3A_593 : i32 to index
        %get3A_599 = tpu.vector_load %arg18[%get3A_598] {strides = array<i32>} : memref<1024xf32, #tpu.memory_space<vmem>>, vector<16xf32>,
        %add3A_600 = arith.constant 0 : i32
        %add3A_601 = vector.broadcast %add3A_600 : i32 to vector<16xi32>
        %add3A_602 = arith.addi %broadcast_in_dim3A_591, %add3A_601 : vector<16xi32>
        %mul3A_603 = vector.broadcast %squeeze3A_595 : f32 to vector<16xf32>
        %mul3A_604 = arith.mulf %mul3A_603, %get3A_599 : vector<16xf32>
        %add3A_605 = arith.addf %get3A_597, %mul3A_604 : vector<16xf32>
        %max3A_606 = arith.constant 0.000000e+00 : f32
        %max3A_607 = vector.broadcast %max3A_606 : f32 to vector<16xf32>
        %max3A_608 = arith.maximumf %add3A_605, %max3A_607 : vector<16xf32>
        tpu.vector_store_idx %arg20[%shift_right_logical3A_45, %broadcast_in_dim3A_586, %and3A_47, %add3A_602], %max3A_608 : memref<2x4x8x128xf32, #tpu.memory_space<vmem>>[vector<16xi32>, vector<16xi32>, vector<16xi32>, vector<16xi32>], vector<16xf32>,
        %slice3A_609 = vector.extract_strided_slice %mul3A_583 {offsets = [1], sizes = [1], strides = [1]} : vector<16xi32> to vector<1xi32>
        %squeeze3A_610 = vector.extract %slice3A_609[0] : i32 from vector<1xi32>
        %slice3A_611 = vector.extract_strided_slice %mul3A_580 {offsets = [1], sizes = [1], strides = [1]} : vector<16xf32> to vector<1xf32>
        %squeeze3A_612 = vector.extract %slice3A_611[0] : f32 from vector<1xf32>
        %get3A_613 = arith.index_cast %squeeze3A_610 : i32 to index
        %get3A_614 = tpu.vector_load %arg17[%get3A_613] {strides = array<i32>} : memref<1024xf32, #tpu.memory_space<vmem>>, vector<16xf32>,
        %get3A_615 = arith.index_cast %squeeze3A_610 : i32 to index
        %get3A_616 = tpu.vector_load %arg18[%get3A_615] {strides = array<i32>} : memref<1024xf32, #tpu.memory_space<vmem>>, vector<16xf32>,
        %add3A_617 = arith.constant 1 : i32
        %add3A_618 = vector.broadcast %add3A_617 : i32 to vector<16xi32>
        %add3A_619 = arith.addi %broadcast_in_dim3A_591, %add3A_618 : vector<16xi32>
        %mul3A_620 = vector.broadcast %squeeze3A_612 : f32 to vector<16xf32>
        %mul3A_621 = arith.mulf %mul3A_620, %get3A_616 : vector<16xf32>
        %add3A_622 = arith.addf %get3A_614, %mul3A_621 : vector<16xf32>
        %max3A_623 = arith.constant 0.000000e+00 : f32
        %max3A_624 = vector.broadcast %max3A_623 : f32 to vector<16xf32>
        %max3A_625 = arith.maximumf %add3A_622, %max3A_624 : vector<16xf32>
        tpu.vector_store_idx %arg20[%shift_right_logical3A_45, %broadcast_in_dim3A_586, %and3A_47, %add3A_619], %max3A_625 : memref<2x4x8x128xf32, #tpu.memory_space<vmem>>[vector<16xi32>, vector<16xi32>, vector<16xi32>, vector<16xi32>], vector<16xf32>,
        %slice3A_626 = vector.extract_strided_slice %mul3A_583 {offsets = [2], sizes = [1], strides = [1]} : vector<16xi32> to vector<1xi32>
        %squeeze3A_627 = vector.extract %slice3A_626[0] : i32 from vector<1xi32>
        %slice3A_628 = vector.extract_strided_slice %mul3A_580 {offsets = [2], sizes = [1], strides = [1]} : vector<16xf32> to vector<1xf32>
        %squeeze3A_629 = vector.extract %slice3A_628[0] : f32 from vector<1xf32>
        %get3A_630 = arith.index_cast %squeeze3A_627 : i32 to index
        %get3A_631 = tpu.vector_load %arg17[%get3A_630] {strides = array<i32>} : memref<1024xf32, #tpu.memory_space<vmem>>, vector<16xf32>,
        %get3A_632 = arith.index_cast %squeeze3A_627 : i32 to index
        %get3A_633 = tpu.vector_load %arg18[%get3A_632] {strides = array<i32>} : memref<1024xf32, #tpu.memory_space<vmem>>, vector<16xf32>,
        %add3A_634 = arith.constant 2 : i32
        %add3A_635 = vector.broadcast %add3A_634 : i32 to vector<16xi32>
        %add3A_636 = arith.addi %broadcast_in_dim3A_591, %add3A_635 : vector<16xi32>
        %mul3A_637 = vector.broadcast %squeeze3A_629 : f32 to vector<16xf32>
        %mul3A_638 = arith.mulf %mul3A_637, %get3A_633 : vector<16xf32>
        %add3A_639 = arith.addf %get3A_631, %mul3A_638 : vector<16xf32>
        %max3A_640 = arith.constant 0.000000e+00 : f32
        %max3A_641 = vector.broadcast %max3A_640 : f32 to vector<16xf32>
        %max3A_642 = arith.maximumf %add3A_639, %max3A_641 : vector<16xf32>
        tpu.vector_store_idx %arg20[%shift_right_logical3A_45, %broadcast_in_dim3A_586, %and3A_47, %add3A_636], %max3A_642 : memref<2x4x8x128xf32, #tpu.memory_space<vmem>>[vector<16xi32>, vector<16xi32>, vector<16xi32>, vector<16xi32>], vector<16xf32>,
        %slice3A_643 = vector.extract_strided_slice %mul3A_583 {offsets = [3], sizes = [1], strides = [1]} : vector<16xi32> to vector<1xi32>
        %squeeze3A_644 = vector.extract %slice3A_643[0] : i32 from vector<1xi32>
        %slice3A_645 = vector.extract_strided_slice %mul3A_580 {offsets = [3], sizes = [1], strides = [1]} : vector<16xf32> to vector<1xf32>
        %squeeze3A_646 = vector.extract %slice3A_645[0] : f32 from vector<1xf32>
        %get3A_647 = arith.index_cast %squeeze3A_644 : i32 to index
        %get3A_648 = tpu.vector_load %arg17[%get3A_647] {strides = array<i32>} : memref<1024xf32, #tpu.memory_space<vmem>>, vector<16xf32>,
        %get3A_649 = arith.index_cast %squeeze3A_644 : i32 to index
        %get3A_650 = tpu.vector_load %arg18[%get3A_649] {strides = array<i32>} : memref<1024xf32, #tpu.memory_space<vmem>>, vector<16xf32>,
        %add3A_651 = arith.constant 3 : i32
        %add3A_652 = vector.broadcast %add3A_651 : i32 to vector<16xi32>
        %add3A_653 = arith.addi %broadcast_in_dim3A_591, %add3A_652 : vector<16xi32>
        %mul3A_654 = vector.broadcast %squeeze3A_646 : f32 to vector<16xf32>
        %mul3A_655 = arith.mulf %mul3A_654, %get3A_650 : vector<16xf32>
        %add3A_656 = arith.addf %get3A_648, %mul3A_655 : vector<16xf32>
        %max3A_657 = arith.constant 0.000000e+00 : f32
        %max3A_658 = vector.broadcast %max3A_657 : f32 to vector<16xf32>
        %max3A_659 = arith.maximumf %add3A_656, %max3A_658 : vector<16xf32>
        tpu.vector_store_idx %arg20[%shift_right_logical3A_45, %broadcast_in_dim3A_586, %and3A_47, %add3A_653], %max3A_659 : memref<2x4x8x128xf32, #tpu.memory_space<vmem>>[vector<16xi32>, vector<16xi32>, vector<16xi32>, vector<16xi32>], vector<16xf32>,
        %slice3A_660 = vector.extract_strided_slice %mul3A_583 {offsets = [4], sizes = [1], strides = [1]} : vector<16xi32> to vector<1xi32>
        %squeeze3A_661 = vector.extract %slice3A_660[0] : i32 from vector<1xi32>
        %slice3A_662 = vector.extract_strided_slice %mul3A_580 {offsets = [4], sizes = [1], strides = [1]} : vector<16xf32> to vector<1xf32>
        %squeeze3A_663 = vector.extract %slice3A_662[0] : f32 from vector<1xf32>
        %get3A_664 = arith.index_cast %squeeze3A_661 : i32 to index
        %get3A_665 = tpu.vector_load %arg17[%get3A_664] {strides = array<i32>} : memref<1024xf32, #tpu.memory_space<vmem>>, vector<16xf32>,
        %get3A_666 = arith.index_cast %squeeze3A_661 : i32 to index
        %get3A_667 = tpu.vector_load %arg18[%get3A_666] {strides = array<i32>} : memref<1024xf32, #tpu.memory_space<vmem>>, vector<16xf32>,
        %add3A_668 = arith.constant 4 : i32
        %add3A_669 = vector.broadcast %add3A_668 : i32 to vector<16xi32>
        %add3A_670 = arith.addi %broadcast_in_dim3A_591, %add3A_669 : vector<16xi32>
        %mul3A_671 = vector.broadcast %squeeze3A_663 : f32 to vector<16xf32>
        %mul3A_672 = arith.mulf %mul3A_671, %get3A_667 : vector<16xf32>
        %add3A_673 = arith.addf %get3A_665, %mul3A_672 : vector<16xf32>
        %max3A_674 = arith.constant 0.000000e+00 : f32
        %max3A_675 = vector.broadcast %max3A_674 : f32 to vector<16xf32>
        %max3A_676 = arith.maximumf %add3A_673, %max3A_675 : vector<16xf32>
        tpu.vector_store_idx %arg20[%shift_right_logical3A_45, %broadcast_in_dim3A_586, %and3A_47, %add3A_670], %max3A_676 : memref<2x4x8x128xf32, #tpu.memory_space<vmem>>[vector<16xi32>, vector<16xi32>, vector<16xi32>, vector<16xi32>], vector<16xf32>,
        %slice3A_677 = vector.extract_strided_slice %mul3A_583 {offsets = [5], sizes = [1], strides = [1]} : vector<16xi32> to vector<1xi32>
        %squeeze3A_678 = vector.extract %slice3A_677[0] : i32 from vector<1xi32>
        %slice3A_679 = vector.extract_strided_slice %mul3A_580 {offsets = [5], sizes = [1], strides = [1]} : vector<16xf32> to vector<1xf32>
        %squeeze3A_680 = vector.extract %slice3A_679[0] : f32 from vector<1xf32>
        %get3A_681 = arith.index_cast %squeeze3A_678 : i32 to index
        %get3A_682 = tpu.vector_load %arg17[%get3A_681] {strides = array<i32>} : memref<1024xf32, #tpu.memory_space<vmem>>, vector<16xf32>,
        %get3A_683 = arith.index_cast %squeeze3A_678 : i32 to index
        %get3A_684 = tpu.vector_load %arg18[%get3A_683] {strides = array<i32>} : memref<1024xf32, #tpu.memory_space<vmem>>, vector<16xf32>,
        %add3A_685 = arith.constant 5 : i32
        %add3A_686 = vector.broadcast %add3A_685 : i32 to vector<16xi32>
        %add3A_687 = arith.addi %broadcast_in_dim3A_591, %add3A_686 : vector<16xi32>
        %mul3A_688 = vector.broadcast %squeeze3A_680 : f32 to vector<16xf32>
        %mul3A_689 = arith.mulf %mul3A_688, %get3A_684 : vector<16xf32>
        %add3A_690 = arith.addf %get3A_682, %mul3A_689 : vector<16xf32>
        %max3A_691 = arith.constant 0.000000e+00 : f32
        %max3A_692 = vector.broadcast %max3A_691 : f32 to vector<16xf32>
        %max3A_693 = arith.maximumf %add3A_690, %max3A_692 : vector<16xf32>
        tpu.vector_store_idx %arg20[%shift_right_logical3A_45, %broadcast_in_dim3A_586, %and3A_47, %add3A_687], %max3A_693 : memref<2x4x8x128xf32, #tpu.memory_space<vmem>>[vector<16xi32>, vector<16xi32>, vector<16xi32>, vector<16xi32>], vector<16xf32>,
        %slice3A_694 = vector.extract_strided_slice %mul3A_583 {offsets = [6], sizes = [1], strides = [1]} : vector<16xi32> to vector<1xi32>
        %squeeze3A_695 = vector.extract %slice3A_694[0] : i32 from vector<1xi32>
        %slice3A_696 = vector.extract_strided_slice %mul3A_580 {offsets = [6], sizes = [1], strides = [1]} : vector<16xf32> to vector<1xf32>
        %squeeze3A_697 = vector.extract %slice3A_696[0] : f32 from vector<1xf32>
        %get3A_698 = arith.index_cast %squeeze3A_695 : i32 to index
        %get3A_699 = tpu.vector_load %arg17[%get3A_698] {strides = array<i32>} : memref<1024xf32, #tpu.memory_space<vmem>>, vector<16xf32>,
        %get3A_700 = arith.index_cast %squeeze3A_695 : i32 to index
        %get3A_701 = tpu.vector_load %arg18[%get3A_700] {strides = array<i32>} : memref<1024xf32, #tpu.memory_space<vmem>>, vector<16xf32>,
        %add3A_702 = arith.constant 6 : i32
        %add3A_703 = vector.broadcast %add3A_702 : i32 to vector<16xi32>
        %add3A_704 = arith.addi %broadcast_in_dim3A_591, %add3A_703 : vector<16xi32>
        %mul3A_705 = vector.broadcast %squeeze3A_697 : f32 to vector<16xf32>
        %mul3A_706 = arith.mulf %mul3A_705, %get3A_701 : vector<16xf32>
        %add3A_707 = arith.addf %get3A_699, %mul3A_706 : vector<16xf32>
        %max3A_708 = arith.constant 0.000000e+00 : f32
        %max3A_709 = vector.broadcast %max3A_708 : f32 to vector<16xf32>
        %max3A_710 = arith.maximumf %add3A_707, %max3A_709 : vector<16xf32>
        tpu.vector_store_idx %arg20[%shift_right_logical3A_45, %broadcast_in_dim3A_586, %and3A_47, %add3A_704], %max3A_710 : memref<2x4x8x128xf32, #tpu.memory_space<vmem>>[vector<16xi32>, vector<16xi32>, vector<16xi32>, vector<16xi32>], vector<16xf32>,
        %slice3A_711 = vector.extract_strided_slice %mul3A_583 {offsets = [7], sizes = [1], strides = [1]} : vector<16xi32> to vector<1xi32>
        %squeeze3A_712 = vector.extract %slice3A_711[0] : i32 from vector<1xi32>
        %slice3A_713 = vector.extract_strided_slice %mul3A_580 {offsets = [7], sizes = [1], strides = [1]} : vector<16xf32> to vector<1xf32>
        %squeeze3A_714 = vector.extract %slice3A_713[0] : f32 from vector<1xf32>
        %get3A_715 = arith.index_cast %squeeze3A_712 : i32 to index
        %get3A_716 = tpu.vector_load %arg17[%get3A_715] {strides = array<i32>} : memref<1024xf32, #tpu.memory_space<vmem>>, vector<16xf32>,
        %get3A_717 = arith.index_cast %squeeze3A_712 : i32 to index
        %get3A_718 = tpu.vector_load %arg18[%get3A_717] {strides = array<i32>} : memref<1024xf32, #tpu.memory_space<vmem>>, vector<16xf32>,
        %add3A_719 = arith.constant 7 : i32
        %add3A_720 = vector.broadcast %add3A_719 : i32 to vector<16xi32>
        %add3A_721 = arith.addi %broadcast_in_dim3A_591, %add3A_720 : vector<16xi32>
        %mul3A_722 = vector.broadcast %squeeze3A_714 : f32 to vector<16xf32>
        %mul3A_723 = arith.mulf %mul3A_722, %get3A_718 : vector<16xf32>
        %add3A_724 = arith.addf %get3A_716, %mul3A_723 : vector<16xf32>
        %max3A_725 = arith.constant 0.000000e+00 : f32
        %max3A_726 = vector.broadcast %max3A_725 : f32 to vector<16xf32>
        %max3A_727 = arith.maximumf %add3A_724, %max3A_726 : vector<16xf32>
        tpu.vector_store_idx %arg20[%shift_right_logical3A_45, %broadcast_in_dim3A_586, %and3A_47, %add3A_721], %max3A_727 : memref<2x4x8x128xf32, #tpu.memory_space<vmem>>[vector<16xi32>, vector<16xi32>, vector<16xi32>, vector<16xi32>], vector<16xf32>,
        %slice3A_728 = vector.extract_strided_slice %mul3A_583 {offsets = [8], sizes = [1], strides = [1]} : vector<16xi32> to vector<1xi32>
        %squeeze3A_729 = vector.extract %slice3A_728[0] : i32 from vector<1xi32>
        %slice3A_730 = vector.extract_strided_slice %mul3A_580 {offsets = [8], sizes = [1], strides = [1]} : vector<16xf32> to vector<1xf32>
        %squeeze3A_731 = vector.extract %slice3A_730[0] : f32 from vector<1xf32>
        %get3A_732 = arith.index_cast %squeeze3A_729 : i32 to index
        %get3A_733 = tpu.vector_load %arg17[%get3A_732] {strides = array<i32>} : memref<1024xf32, #tpu.memory_space<vmem>>, vector<16xf32>,
        %get3A_734 = arith.index_cast %squeeze3A_729 : i32 to index
        %get3A_735 = tpu.vector_load %arg18[%get3A_734] {strides = array<i32>} : memref<1024xf32, #tpu.memory_space<vmem>>, vector<16xf32>,
        %add3A_736 = arith.constant 8 : i32
        %add3A_737 = vector.broadcast %add3A_736 : i32 to vector<16xi32>
        %add3A_738 = arith.addi %broadcast_in_dim3A_591, %add3A_737 : vector<16xi32>
        %mul3A_739 = vector.broadcast %squeeze3A_731 : f32 to vector<16xf32>
        %mul3A_740 = arith.mulf %mul3A_739, %get3A_735 : vector<16xf32>
        %add3A_741 = arith.addf %get3A_733, %mul3A_740 : vector<16xf32>
        %max3A_742 = arith.constant 0.000000e+00 : f32
        %max3A_743 = vector.broadcast %max3A_742 : f32 to vector<16xf32>
        %max3A_744 = arith.maximumf %add3A_741, %max3A_743 : vector<16xf32>
        tpu.vector_store_idx %arg20[%shift_right_logical3A_45, %broadcast_in_dim3A_586, %and3A_47, %add3A_738], %max3A_744 : memref<2x4x8x128xf32, #tpu.memory_space<vmem>>[vector<16xi32>, vector<16xi32>, vector<16xi32>, vector<16xi32>], vector<16xf32>,
        %slice3A_745 = vector.extract_strided_slice %mul3A_583 {offsets = [9], sizes = [1], strides = [1]} : vector<16xi32> to vector<1xi32>
        %squeeze3A_746 = vector.extract %slice3A_745[0] : i32 from vector<1xi32>
        %slice3A_747 = vector.extract_strided_slice %mul3A_580 {offsets = [9], sizes = [1], strides = [1]} : vector<16xf32> to vector<1xf32>
        %squeeze3A_748 = vector.extract %slice3A_747[0] : f32 from vector<1xf32>
        %get3A_749 = arith.index_cast %squeeze3A_746 : i32 to index
        %get3A_750 = tpu.vector_load %arg17[%get3A_749] {strides = array<i32>} : memref<1024xf32, #tpu.memory_space<vmem>>, vector<16xf32>,
        %get3A_751 = arith.index_cast %squeeze3A_746 : i32 to index
        %get3A_752 = tpu.vector_load %arg18[%get3A_751] {strides = array<i32>} : memref<1024xf32, #tpu.memory_space<vmem>>, vector<16xf32>,
        %add3A_753 = arith.constant 9 : i32
        %add3A_754 = vector.broadcast %add3A_753 : i32 to vector<16xi32>
        %add3A_755 = arith.addi %broadcast_in_dim3A_591, %add3A_754 : vector<16xi32>
        %mul3A_756 = vector.broadcast %squeeze3A_748 : f32 to vector<16xf32>
        %mul3A_757 = arith.mulf %mul3A_756, %get3A_752 : vector<16xf32>
        %add3A_758 = arith.addf %get3A_750, %mul3A_757 : vector<16xf32>
        %max3A_759 = arith.constant 0.000000e+00 : f32
        %max3A_760 = vector.broadcast %max3A_759 : f32 to vector<16xf32>
        %max3A_761 = arith.maximumf %add3A_758, %max3A_760 : vector<16xf32>
        tpu.vector_store_idx %arg20[%shift_right_logical3A_45, %broadcast_in_dim3A_586, %and3A_47, %add3A_755], %max3A_761 : memref<2x4x8x128xf32, #tpu.memory_space<vmem>>[vector<16xi32>, vector<16xi32>, vector<16xi32>, vector<16xi32>], vector<16xf32>,
        %slice3A_762 = vector.extract_strided_slice %mul3A_583 {offsets = [10], sizes = [1], strides = [1]} : vector<16xi32> to vector<1xi32>
        %squeeze3A_763 = vector.extract %slice3A_762[0] : i32 from vector<1xi32>
        %slice3A_764 = vector.extract_strided_slice %mul3A_580 {offsets = [10], sizes = [1], strides = [1]} : vector<16xf32> to vector<1xf32>
        %squeeze3A_765 = vector.extract %slice3A_764[0] : f32 from vector<1xf32>
        %get3A_766 = arith.index_cast %squeeze3A_763 : i32 to index
        %get3A_767 = tpu.vector_load %arg17[%get3A_766] {strides = array<i32>} : memref<1024xf32, #tpu.memory_space<vmem>>, vector<16xf32>,
        %get3A_768 = arith.index_cast %squeeze3A_763 : i32 to index
        %get3A_769 = tpu.vector_load %arg18[%get3A_768] {strides = array<i32>} : memref<1024xf32, #tpu.memory_space<vmem>>, vector<16xf32>,
        %add3A_770 = arith.constant 10 : i32
        %add3A_771 = vector.broadcast %add3A_770 : i32 to vector<16xi32>
        %add3A_772 = arith.addi %broadcast_in_dim3A_591, %add3A_771 : vector<16xi32>
        %mul3A_773 = vector.broadcast %squeeze3A_765 : f32 to vector<16xf32>
        %mul3A_774 = arith.mulf %mul3A_773, %get3A_769 : vector<16xf32>
        %add3A_775 = arith.addf %get3A_767, %mul3A_774 : vector<16xf32>
        %max3A_776 = arith.constant 0.000000e+00 : f32
        %max3A_777 = vector.broadcast %max3A_776 : f32 to vector<16xf32>
        %max3A_778 = arith.maximumf %add3A_775, %max3A_777 : vector<16xf32>
        tpu.vector_store_idx %arg20[%shift_right_logical3A_45, %broadcast_in_dim3A_586, %and3A_47, %add3A_772], %max3A_778 : memref<2x4x8x128xf32, #tpu.memory_space<vmem>>[vector<16xi32>, vector<16xi32>, vector<16xi32>, vector<16xi32>], vector<16xf32>,
        %slice3A_779 = vector.extract_strided_slice %mul3A_583 {offsets = [11], sizes = [1], strides = [1]} : vector<16xi32> to vector<1xi32>
        %squeeze3A_780 = vector.extract %slice3A_779[0] : i32 from vector<1xi32>
        %slice3A_781 = vector.extract_strided_slice %mul3A_580 {offsets = [11], sizes = [1], strides = [1]} : vector<16xf32> to vector<1xf32>
        %squeeze3A_782 = vector.extract %slice3A_781[0] : f32 from vector<1xf32>
        %get3A_783 = arith.index_cast %squeeze3A_780 : i32 to index
        %get3A_784 = tpu.vector_load %arg17[%get3A_783] {strides = array<i32>} : memref<1024xf32, #tpu.memory_space<vmem>>, vector<16xf32>,
        %get3A_785 = arith.index_cast %squeeze3A_780 : i32 to index
        %get3A_786 = tpu.vector_load %arg18[%get3A_785] {strides = array<i32>} : memref<1024xf32, #tpu.memory_space<vmem>>, vector<16xf32>,
        %add3A_787 = arith.constant 11 : i32
        %add3A_788 = vector.broadcast %add3A_787 : i32 to vector<16xi32>
        %add3A_789 = arith.addi %broadcast_in_dim3A_591, %add3A_788 : vector<16xi32>
        %mul3A_790 = vector.broadcast %squeeze3A_782 : f32 to vector<16xf32>
        %mul3A_791 = arith.mulf %mul3A_790, %get3A_786 : vector<16xf32>
        %add3A_792 = arith.addf %get3A_784, %mul3A_791 : vector<16xf32>
        %max3A_793 = arith.constant 0.000000e+00 : f32
        %max3A_794 = vector.broadcast %max3A_793 : f32 to vector<16xf32>
        %max3A_795 = arith.maximumf %add3A_792, %max3A_794 : vector<16xf32>
        tpu.vector_store_idx %arg20[%shift_right_logical3A_45, %broadcast_in_dim3A_586, %and3A_47, %add3A_789], %max3A_795 : memref<2x4x8x128xf32, #tpu.memory_space<vmem>>[vector<16xi32>, vector<16xi32>, vector<16xi32>, vector<16xi32>], vector<16xf32>,
        %slice3A_796 = vector.extract_strided_slice %mul3A_583 {offsets = [12], sizes = [1], strides = [1]} : vector<16xi32> to vector<1xi32>
        %squeeze3A_797 = vector.extract %slice3A_796[0] : i32 from vector<1xi32>
        %slice3A_798 = vector.extract_strided_slice %mul3A_580 {offsets = [12], sizes = [1], strides = [1]} : vector<16xf32> to vector<1xf32>
        %squeeze3A_799 = vector.extract %slice3A_798[0] : f32 from vector<1xf32>
        %get3A_800 = arith.index_cast %squeeze3A_797 : i32 to index
        %get3A_801 = tpu.vector_load %arg17[%get3A_800] {strides = array<i32>} : memref<1024xf32, #tpu.memory_space<vmem>>, vector<16xf32>,
        %get3A_802 = arith.index_cast %squeeze3A_797 : i32 to index
        %get3A_803 = tpu.vector_load %arg18[%get3A_802] {strides = array<i32>} : memref<1024xf32, #tpu.memory_space<vmem>>, vector<16xf32>,
        %add3A_804 = arith.constant 12 : i32
        %add3A_805 = vector.broadcast %add3A_804 : i32 to vector<16xi32>
        %add3A_806 = arith.addi %broadcast_in_dim3A_591, %add3A_805 : vector<16xi32>
        %mul3A_807 = vector.broadcast %squeeze3A_799 : f32 to vector<16xf32>
        %mul3A_808 = arith.mulf %mul3A_807, %get3A_803 : vector<16xf32>
        %add3A_809 = arith.addf %get3A_801, %mul3A_808 : vector<16xf32>
        %max3A_810 = arith.constant 0.000000e+00 : f32
        %max3A_811 = vector.broadcast %max3A_810 : f32 to vector<16xf32>
        %max3A_812 = arith.maximumf %add3A_809, %max3A_811 : vector<16xf32>
        tpu.vector_store_idx %arg20[%shift_right_logical3A_45, %broadcast_in_dim3A_586, %and3A_47, %add3A_806], %max3A_812 : memref<2x4x8x128xf32, #tpu.memory_space<vmem>>[vector<16xi32>, vector<16xi32>, vector<16xi32>, vector<16xi32>], vector<16xf32>,
        %slice3A_813 = vector.extract_strided_slice %mul3A_583 {offsets = [13], sizes = [1], strides = [1]} : vector<16xi32> to vector<1xi32>
        %squeeze3A_814 = vector.extract %slice3A_813[0] : i32 from vector<1xi32>
        %slice3A_815 = vector.extract_strided_slice %mul3A_580 {offsets = [13], sizes = [1], strides = [1]} : vector<16xf32> to vector<1xf32>
        %squeeze3A_816 = vector.extract %slice3A_815[0] : f32 from vector<1xf32>
        %get3A_817 = arith.index_cast %squeeze3A_814 : i32 to index
        %get3A_818 = tpu.vector_load %arg17[%get3A_817] {strides = array<i32>} : memref<1024xf32, #tpu.memory_space<vmem>>, vector<16xf32>,
        %get3A_819 = arith.index_cast %squeeze3A_814 : i32 to index
        %get3A_820 = tpu.vector_load %arg18[%get3A_819] {strides = array<i32>} : memref<1024xf32, #tpu.memory_space<vmem>>, vector<16xf32>,
        %add3A_821 = arith.constant 13 : i32
        %add3A_822 = vector.broadcast %add3A_821 : i32 to vector<16xi32>
        %add3A_823 = arith.addi %broadcast_in_dim3A_591, %add3A_822 : vector<16xi32>
        %mul3A_824 = vector.broadcast %squeeze3A_816 : f32 to vector<16xf32>
        %mul3A_825 = arith.mulf %mul3A_824, %get3A_820 : vector<16xf32>
        %add3A_826 = arith.addf %get3A_818, %mul3A_825 : vector<16xf32>
        %max3A_827 = arith.constant 0.000000e+00 : f32
        %max3A_828 = vector.broadcast %max3A_827 : f32 to vector<16xf32>
        %max3A_829 = arith.maximumf %add3A_826, %max3A_828 : vector<16xf32>
        tpu.vector_store_idx %arg20[%shift_right_logical3A_45, %broadcast_in_dim3A_586, %and3A_47, %add3A_823], %max3A_829 : memref<2x4x8x128xf32, #tpu.memory_space<vmem>>[vector<16xi32>, vector<16xi32>, vector<16xi32>, vector<16xi32>], vector<16xf32>,
        %slice3A_830 = vector.extract_strided_slice %mul3A_583 {offsets = [14], sizes = [1], strides = [1]} : vector<16xi32> to vector<1xi32>
        %squeeze3A_831 = vector.extract %slice3A_830[0] : i32 from vector<1xi32>
        %slice3A_832 = vector.extract_strided_slice %mul3A_580 {offsets = [14], sizes = [1], strides = [1]} : vector<16xf32> to vector<1xf32>
        %squeeze3A_833 = vector.extract %slice3A_832[0] : f32 from vector<1xf32>
        %get3A_834 = arith.index_cast %squeeze3A_831 : i32 to index
        %get3A_835 = tpu.vector_load %arg17[%get3A_834] {strides = array<i32>} : memref<1024xf32, #tpu.memory_space<vmem>>, vector<16xf32>,
        %get3A_836 = arith.index_cast %squeeze3A_831 : i32 to index
        %get3A_837 = tpu.vector_load %arg18[%get3A_836] {strides = array<i32>} : memref<1024xf32, #tpu.memory_space<vmem>>, vector<16xf32>,
        %add3A_838 = arith.constant 14 : i32
        %add3A_839 = vector.broadcast %add3A_838 : i32 to vector<16xi32>
        %add3A_840 = arith.addi %broadcast_in_dim3A_591, %add3A_839 : vector<16xi32>
        %mul3A_841 = vector.broadcast %squeeze3A_833 : f32 to vector<16xf32>
        %mul3A_842 = arith.mulf %mul3A_841, %get3A_837 : vector<16xf32>
        %add3A_843 = arith.addf %get3A_835, %mul3A_842 : vector<16xf32>
        %max3A_844 = arith.constant 0.000000e+00 : f32
        %max3A_845 = vector.broadcast %max3A_844 : f32 to vector<16xf32>
        %max3A_846 = arith.maximumf %add3A_843, %max3A_845 : vector<16xf32>
        tpu.vector_store_idx %arg20[%shift_right_logical3A_45, %broadcast_in_dim3A_586, %and3A_47, %add3A_840], %max3A_846 : memref<2x4x8x128xf32, #tpu.memory_space<vmem>>[vector<16xi32>, vector<16xi32>, vector<16xi32>, vector<16xi32>], vector<16xf32>,
        %slice3A_847 = vector.extract_strided_slice %mul3A_583 {offsets = [15], sizes = [1], strides = [1]} : vector<16xi32> to vector<1xi32>
        %squeeze3A_848 = vector.extract %slice3A_847[0] : i32 from vector<1xi32>
        %slice3A_849 = vector.extract_strided_slice %mul3A_580 {offsets = [15], sizes = [1], strides = [1]} : vector<16xf32> to vector<1xf32>
        %squeeze3A_850 = vector.extract %slice3A_849[0] : f32 from vector<1xf32>
        %get3A_851 = arith.index_cast %squeeze3A_848 : i32 to index
        %get3A_852 = tpu.vector_load %arg17[%get3A_851] {strides = array<i32>} : memref<1024xf32, #tpu.memory_space<vmem>>, vector<16xf32>,
        %get3A_853 = arith.index_cast %squeeze3A_848 : i32 to index
        %get3A_854 = tpu.vector_load %arg18[%get3A_853] {strides = array<i32>} : memref<1024xf32, #tpu.memory_space<vmem>>, vector<16xf32>,
        %add3A_855 = arith.constant 15 : i32
        %add3A_856 = vector.broadcast %add3A_855 : i32 to vector<16xi32>
        %add3A_857 = arith.addi %broadcast_in_dim3A_591, %add3A_856 : vector<16xi32>
        %mul3A_858 = vector.broadcast %squeeze3A_850 : f32 to vector<16xf32>
        %mul3A_859 = arith.mulf %mul3A_858, %get3A_854 : vector<16xf32>
        %add3A_860 = arith.addf %get3A_852, %mul3A_859 : vector<16xf32>
        %max3A_861 = arith.constant 0.000000e+00 : f32
        %max3A_862 = vector.broadcast %max3A_861 : f32 to vector<16xf32>
        %max3A_863 = arith.maximumf %add3A_860, %max3A_862 : vector<16xf32>
        tpu.vector_store_idx %arg20[%shift_right_logical3A_45, %broadcast_in_dim3A_586, %and3A_47, %add3A_857], %max3A_863 : memref<2x4x8x128xf32, #tpu.memory_space<vmem>>[vector<16xi32>, vector<16xi32>, vector<16xi32>, vector<16xi32>], vector<16xf32>,
      }
      %scan3A_219 = arith.constant 32 : i32
      %dma_start3A_220 = arith.constant 0 : i32
      %dma_start3A_221 = arith.constant 0 : i32
      %dma_start3A_222 = arith.constant 0 : i32
      %dma_start3A_223 = tpu.memref_slice %arg7[%add3A_168, %dma_start3A_220, %mul3A_4, %dma_start3A_221, %dma_start3A_222] : memref<100x2x128x8x128xf32, #tpu.memory_space<hbm>> -> memref<1x2x4x8x128xf32, #tpu.memory_space<hbm>>
      %dma_start3A_224 = tpu.memref_squeeze %dma_start3A_223 : memref<1x2x4x8x128xf32, #tpu.memory_space<hbm>> -> memref<2x4x8x128xf32, #tpu.memory_space<hbm>>
      %dma_start3A_225 = arith.constant 0 : i32
      %dma_start3A_226 = arith.constant 0 : i32
      %dma_start3A_227 = arith.constant 0 : i32
      %dma_start3A_228 = tpu.memref_slice %arg7[%add3A_168, %dma_start3A_225, %mul3A_4, %dma_start3A_226, %dma_start3A_227] : memref<100x2x128x8x128xf32, #tpu.memory_space<hbm>> -> memref<1x2x4x8x128xf32, #tpu.memory_space<hbm>>
      %dma_start3A_229 = tpu.memref_squeeze %dma_start3A_228 : memref<1x2x4x8x128xf32, #tpu.memory_space<hbm>> -> memref<2x4x8x128xf32, #tpu.memory_space<hbm>>
      tpu.enqueue_dma source(%arg20 : memref<2x4x8x128xf32, #tpu.memory_space<vmem>>) target(%dma_start3A_229 : memref<2x4x8x128xf32, #tpu.memory_space<hbm>>) target_semaphore(%arg25 : memref<!tpu.dma_semaphore, #tpu.memory_space<semaphore_mem>>)
    }
    %scan3A_55 = arith.constant 50 : i32
    %dma_wait3A_56 = arith.constant 0 : i32
    %dma_wait3A_57 = arith.constant 0 : i32
    %dma_wait3A_58 = arith.constant 0 : i32
    %dma_wait3A_59 = arith.constant 0 : i32
    %dma_wait3A_60 = tpu.memref_slice %arg7[%dma_wait3A_56, %dma_wait3A_57, %mul3A_4, %dma_wait3A_58, %dma_wait3A_59] : memref<100x2x128x8x128xf32, #tpu.memory_space<hbm>> -> memref<1x2x4x8x128xf32, #tpu.memory_space<hbm>>
    %dma_wait3A_61 = tpu.memref_squeeze %dma_wait3A_60 : memref<1x2x4x8x128xf32, #tpu.memory_space<hbm>> -> memref<2x4x8x128xf32, #tpu.memory_space<hbm>>
    %dma_wait3A_62 = arith.constant 0 : i32
    %dma_wait3A_63 = arith.constant 0 : i32
    %dma_wait3A_64 = arith.constant 0 : i32
    %dma_wait3A_65 = tpu.memref_slice %arg7[%dma_wait3A_56, %dma_wait3A_62, %mul3A_4, %dma_wait3A_63, %dma_wait3A_64] : memref<100x2x128x8x128xf32, #tpu.memory_space<hbm>> -> memref<1x2x4x8x128xf32, #tpu.memory_space<hbm>>
    %dma_wait3A_66 = tpu.memref_squeeze %dma_wait3A_65 : memref<1x2x4x8x128xf32, #tpu.memory_space<hbm>> -> memref<2x4x8x128xf32, #tpu.memory_space<hbm>>
    tpu.wait_dma2 semaphore(%arg24 : memref<!tpu.dma_semaphore, #tpu.memory_space<semaphore_mem>>) src(%arg19 : memref<2x4x8x128xf32, #tpu.memory_space<vmem>>) dst(%dma_wait3A_66 : memref<2x4x8x128xf32, #tpu.memory_space<hbm>>)
    %dma_wait3A_67 = arith.constant 0 : i32
    %dma_wait3A_68 = arith.constant 0 : i32
    %dma_wait3A_69 = arith.constant 0 : i32
    %dma_wait3A_70 = arith.constant 0 : i32
    %dma_wait3A_71 = tpu.memref_slice %arg7[%dma_wait3A_67, %dma_wait3A_68, %mul3A_4, %dma_wait3A_69, %dma_wait3A_70] : memref<100x2x128x8x128xf32, #tpu.memory_space<hbm>> -> memref<1x2x4x8x128xf32, #tpu.memory_space<hbm>>
    %dma_wait3A_72 = tpu.memref_squeeze %dma_wait3A_71 : memref<1x2x4x8x128xf32, #tpu.memory_space<hbm>> -> memref<2x4x8x128xf32, #tpu.memory_space<hbm>>
    %dma_wait3A_73 = arith.constant 0 : i32
    %dma_wait3A_74 = arith.constant 0 : i32
    %dma_wait3A_75 = arith.constant 0 : i32
    %dma_wait3A_76 = tpu.memref_slice %arg7[%dma_wait3A_67, %dma_wait3A_73, %mul3A_4, %dma_wait3A_74, %dma_wait3A_75] : memref<100x2x128x8x128xf32, #tpu.memory_space<hbm>> -> memref<1x2x4x8x128xf32, #tpu.memory_space<hbm>>
    %dma_wait3A_77 = tpu.memref_squeeze %dma_wait3A_76 : memref<1x2x4x8x128xf32, #tpu.memory_space<hbm>> -> memref<2x4x8x128xf32, #tpu.memory_space<hbm>>
    tpu.wait_dma2 semaphore(%arg25 : memref<!tpu.dma_semaphore, #tpu.memory_space<semaphore_mem>>) src(%arg20 : memref<2x4x8x128xf32, #tpu.memory_space<vmem>>) dst(%dma_wait3A_77 : memref<2x4x8x128xf32, #tpu.memory_space<hbm>>)
    %dma_wait3A_78 = arith.constant 0 : i32
    %dma_wait3A_79 = arith.constant 0 : i32
    %dma_wait3A_80 = tpu.memref_slice %arg3[%dma_wait3A_78, %dma_wait3A_79] : memref<100x1024xf32, #tpu.memory_space<hbm>> -> memref<1x1024xf32, #tpu.memory_space<hbm>>
    %dma_wait3A_81 = tpu.memref_squeeze %dma_wait3A_80 : memref<1x1024xf32, #tpu.memory_space<hbm>> -> memref<1024xf32, #tpu.memory_space<hbm>>
    %dma_wait3A_82 = arith.constant 0 : i32
    %dma_wait3A_83 = tpu.memref_slice %arg3[%dma_wait3A_78, %dma_wait3A_82] : memref<100x1024xf32, #tpu.memory_space<hbm>> -> memref<1x1024xf32, #tpu.memory_space<hbm>>
    %dma_wait3A_84 = tpu.memref_squeeze %dma_wait3A_83 : memref<1x1024xf32, #tpu.memory_space<hbm>> -> memref<1024xf32, #tpu.memory_space<hbm>>
    tpu.wait_dma2 semaphore(%arg22 : memref<!tpu.dma_semaphore, #tpu.memory_space<semaphore_mem>>) src(%dma_wait3A_84 : memref<1024xf32, #tpu.memory_space<hbm>>) dst(%arg9 : memref<1024xf32, #tpu.memory_space<vmem>>)
    %dma_wait3A_85 = arith.constant 0 : i32
    %dma_wait3A_86 = arith.constant 0 : i32
    %dma_wait3A_87 = tpu.memref_slice %arg4[%dma_wait3A_85, %dma_wait3A_86] : memref<100x16xf32, #tpu.memory_space<hbm>> -> memref<1x16xf32, #tpu.memory_space<hbm>>
    %dma_wait3A_88 = tpu.memref_squeeze %dma_wait3A_87 : memref<1x16xf32, #tpu.memory_space<hbm>> -> memref<16xf32, #tpu.memory_space<hbm>>
    %dma_wait3A_89 = arith.constant 0 : i32
    %dma_wait3A_90 = tpu.memref_slice %arg4[%dma_wait3A_85, %dma_wait3A_89] : memref<100x16xf32, #tpu.memory_space<hbm>> -> memref<1x16xf32, #tpu.memory_space<hbm>>
    %dma_wait3A_91 = tpu.memref_squeeze %dma_wait3A_90 : memref<1x16xf32, #tpu.memory_space<hbm>> -> memref<16xf32, #tpu.memory_space<hbm>>
    tpu.wait_dma2 semaphore(%arg22 : memref<!tpu.dma_semaphore, #tpu.memory_space<semaphore_mem>>) src(%dma_wait3A_91 : memref<16xf32, #tpu.memory_space<hbm>>) dst(%arg11 : memref<16xf32, #tpu.memory_space<vmem>>)
    %dma_wait3A_92 = arith.constant 0 : i32
    %dma_wait3A_93 = arith.constant 0 : i32
    %dma_wait3A_94 = tpu.memref_slice %arg3[%dma_wait3A_92, %dma_wait3A_93] : memref<100x1024xf32, #tpu.memory_space<hbm>> -> memref<1x1024xf32, #tpu.memory_space<hbm>>
    %dma_wait3A_95 = tpu.memref_squeeze %dma_wait3A_94 : memref<1x1024xf32, #tpu.memory_space<hbm>> -> memref<1024xf32, #tpu.memory_space<hbm>>
    %dma_wait3A_96 = arith.constant 0 : i32
    %dma_wait3A_97 = tpu.memref_slice %arg3[%dma_wait3A_92, %dma_wait3A_96] : memref<100x1024xf32, #tpu.memory_space<hbm>> -> memref<1x1024xf32, #tpu.memory_space<hbm>>
    %dma_wait3A_98 = tpu.memref_squeeze %dma_wait3A_97 : memref<1x1024xf32, #tpu.memory_space<hbm>> -> memref<1024xf32, #tpu.memory_space<hbm>>
    tpu.wait_dma2 semaphore(%arg23 : memref<!tpu.dma_semaphore, #tpu.memory_space<semaphore_mem>>) src(%dma_wait3A_98 : memref<1024xf32, #tpu.memory_space<hbm>>) dst(%arg10 : memref<1024xf32, #tpu.memory_space<vmem>>)
    %dma_wait3A_99 = arith.constant 0 : i32
    %dma_wait3A_100 = arith.constant 0 : i32
    %dma_wait3A_101 = tpu.memref_slice %arg4[%dma_wait3A_99, %dma_wait3A_100] : memref<100x16xf32, #tpu.memory_space<hbm>> -> memref<1x16xf32, #tpu.memory_space<hbm>>
    %dma_wait3A_102 = tpu.memref_squeeze %dma_wait3A_101 : memref<1x16xf32, #tpu.memory_space<hbm>> -> memref<16xf32, #tpu.memory_space<hbm>>
    %dma_wait3A_103 = arith.constant 0 : i32
    %dma_wait3A_104 = tpu.memref_slice %arg4[%dma_wait3A_99, %dma_wait3A_103] : memref<100x16xf32, #tpu.memory_space<hbm>> -> memref<1x16xf32, #tpu.memory_space<hbm>>
    %dma_wait3A_105 = tpu.memref_squeeze %dma_wait3A_104 : memref<1x16xf32, #tpu.memory_space<hbm>> -> memref<16xf32, #tpu.memory_space<hbm>>
    tpu.wait_dma2 semaphore(%arg23 : memref<!tpu.dma_semaphore, #tpu.memory_space<semaphore_mem>>) src(%dma_wait3A_105 : memref<16xf32, #tpu.memory_space<hbm>>) dst(%arg12 : memref<16xf32, #tpu.memory_space<vmem>>)
    return
  }
}

</mosaic_0001>

<sc_bundles>
// kernel: kernel.3.cloned.1.call-start
scs
__scs_entry_jumppad:
0x0: {  	(pc) =	sbr.rel $0x88, $3  }
0x1: {  	(tag) =	ssettag $0x0;
	lr =	simm.s32 $0x1  }
0x2: {  	[smem:$0x3F9E] =	sst lr;
	_ =	strace $0xD0000000  }
0x3: {  	_ = 	snop  }
0x4: {  	_ = 	snop  }
0x5: {  	_ = 	snop  }
0x6: {  	_ = 	snop  }
0x7: {  	_ = 	snop  }
__scs_overlays_trampoline_lowered:
0x8: {  	[smem:$0x3FAD] =	sst s0  }
0x9: {  	[smem:$0x3FAE] =	sst s1  }
0xa: {  	[smem:$0x3FAF] =	sst s2  }
0xb: {  	[smem:$0x3FB0] =	sst s3  }
0xc: {  	[smem:$0x3FB1] =	sst s4  }
0xd: {  	[smem:$0x3FB2] =	sst s5  }
0xe: {  	[smem:$0x3FB3] =	sst s6  }
0xf: {  	[smem:$0x3FB4] =	sst s7  }
0x10: {  	[smem:$0x3FB5] =	sst s8  }
0x11: {  	[smem:$0x3FB6] =	sst s9;
	s0 =	simm.s32 @!p0 $0x0  }
0x12: {  	s1 =	sld [smem:$0x3F9C];
	s0 =	simm.s32 @p0 $0x1  }
0x13: {  	[smem:$0x3FB7] =	sst s0;
	s0 =	simm.s32 @!p1 $0x0  }
0x14: {  	s2 =	sld [smem:$0x3F9B];
	s0 =	simm.s32 @p1 $0x1  }
0x15: {  	[smem:$0x3FB8] =	sst s0;
	s0 =	simm.s32 @!p2 $0x0  }
0x16: {  	s3 =	sld [smem:$0x3FDB];
	s0 =	simm.s32 @p2 $0x1  }
0x17: {  	s4 =	simm.s32 $0x1BF5;
	[smem:$0x3FBA] =	sst s0  }
0x18: {  	s0 =	sld [smem:$0x3F9D];
	_ =	swait.ge [sflag:s4], $0x0  }
0x19: {  	s7 =	sld [smem:$0x3F9E]  }
0x1a: {  	s8 =	sadd.s32 $0xFFFFE003, lr  }
0x1b: {  	s9 =	sadd.s32 $0xFFFFFEF7, lr;
	s5 =	simm.s32 $0xFFFFFFFF;
	p2 =	slt.u32 s8, $0xFFFFF086  }
0x1c: {  	p1 =	slt.u32 s9, $0xF7A;
	s5 =	simm.s32 @!p2 $0x0  }
0x1d: {  	s5 =	simm.s32 @p1 $0x1;
	p0 =	seq.s32 s7, s2  }
0x1e: {  	s7 =	smul.u32 @!p0 $0xF7A, s2;
	p2 =	seq.s32 @!p0 s5, $0x0  }
0x1f: {  	s9 =	smul.u32 $0xF7A, s1;
	s8 =	simm.s32 @!p0 $0x1BF5;
	p2 =	por !p2, p0  }
0x20: {  	[sflag:s8] =	ssyncset.s32 @!p0 $0xFFFFF086;
	s6 =	sadd.s32 @!p0 s3, s7;
	s7 =	simm.s32 @!p0 $0x108  }
0x21: {  	s3 =	sadd.s32 s3, s9;
	s6 =	sadd.s32 @!p0 $0x88, s6;
	s7 =	simm.s32 @p2 $0x1082  }
0x22: {  	[simem:s7], [sflag:s8] =	dma.local @!p0 [hbm:s6], $0xF7A  }
0x23: {  	s9 =	sor.u32 $0xD0000000, s2;
	s6 =	simm.s32 $0x108;
	_ =	swait.ge @!p0 [sflag:s8], $0x0  }
0x24: {  	s3 =	sadd.s32 $0x88, s3;
	s6 =	simm.s32 @!p1 $0x1082;
	[sflag:s4] =	ssyncset.s32 $0xFFFFF086  }
0x25: {  	[simem:s6], [sflag:s4] =	dma.local [hbm:s3], $0xF7A  }
0x26: {  	[smem:$0x3F9E] =	sst s1;
	(tag) =	ssettag s2;
	_ =	strace s9  }
0x27: {  	s1 =	sld [smem:$0x3FAE]  }
0x28: {  	s2 =	sld [smem:$0x3FAF]  }
0x29: {  	s4 =	sld [smem:$0x3FB1]  }
0x2a: {  	p0 =	seq.s32 s5, $0x0;
	s5 =	sld [smem:$0x3FB2]  }
0x2b: {  	s6 =	sld [smem:$0x3FB3]  }
0x2c: {  	s7 =	sld [smem:$0x3FB4]  }
0x2d: {  	s3 =	simm.s32 $0x108;
	s8 =	sld [smem:$0x3FB5]  }
0x2e: {  	s3 =	simm.s32 @!p0 $0x1082;
	s9 =	sld [smem:$0x3FB6]  }
0x2f: {  	lr =	sadd.s32 s0, s3;
	s0 =	sld [smem:$0x3FAD]  }
0x30: {  	s3 =	sld [smem:$0x3FB0]  }
0x31: {  	[smem:$0x3FB9] =	sst s10  }
0x32: {  	s10 =	sld [smem:$0x3FB7];
	_ =	sdelay $0x3  }
0x33: {  	p0 =	seq.s32 s10, $0x1;
	s10 =	sld [smem:$0x3FB9];
	_ =	sdelay $0x3  }
0x34: {  	[smem:$0x3FB9] =	sst s10  }
0x35: {  	s10 =	sld [smem:$0x3FB8];
	_ =	sdelay $0x3  }
0x36: {  	p1 =	seq.s32 s10, $0x1;
	s10 =	sld [smem:$0x3FB9];
	_ =	sdelay $0x3  }
0x37: {  	[smem:$0x3FB9] =	sst s10  }
0x38: {  	s10 =	sld [smem:$0x3FBA]  }
0x39: {  	_ = 	snop;
	(pc) =	sbr.ind lr, $3  }
0x3a: {  	_ = 	snop  }
0x3b: {  	_ = 	snop  }
0x3c: {  	p2 =	seq.s32 s10, $0x1;
	s10 =	sld [smem:$0x3FB9]  }
0x3d: {  	_ =	shalt  }
0x3e: {  	_ =	shalt  }
0x3f: {  	_ =	shalt  }
0x40: {  	_ =	shalt  }
0x41: {  	_ =	shalt  }
0x42: {  	_ =	shalt  }
0x43: {  	_ =	shalt  }
0x44: {  	_ =	shalt  }
0x45: {  	_ =	shalt  }
0x46: {  	_ =	shalt  }
0x47: {  	_ =	shalt  }
0x48: {  	_ =	shalt  }
0x49: {  	_ =	shalt  }
0x4a: {  	_ =	shalt  }
0x4b: {  	_ =	shalt  }
0x4c: {  	_ =	shalt  }
0x4d: {  	_ =	shalt  }
0x4e: {  	_ =	shalt  }
0x4f: {  	_ =	shalt  }
0x50: {  	_ =	shalt  }
0x51: {  	_ =	shalt  }
0x52: {  	_ =	shalt  }
0x53: {  	_ =	shalt  }
0x54: {  	_ =	shalt  }
0x55: {  	_ =	shalt  }
0x56: {  	_ =	shalt  }
0x57: {  	_ =	shalt  }
0x58: {  	_ =	shalt  }
0x59: {  	_ =	shalt  }
0x5a: {  	_ =	shalt  }
0x5b: {  	_ =	shalt  }
0x5c: {  	_ =	shalt  }
0x5d: {  	_ =	shalt  }
0x5e: {  	_ =	shalt  }
0x5f: {  	_ =	shalt  }
0x60: {  	_ =	shalt  }
0x61: {  	_ =	shalt  }
0x62: {  	_ =	shalt  }
0x63: {  	_ =	shalt  }
0x64: {  	_ =	shalt  }
0x65: {  	_ =	shalt  }
0x66: {  	_ =	shalt  }
0x67: {  	_ =	shalt  }
0x68: {  	_ =	shalt  }
0x69: {  	_ =	shalt  }
0x6a: {  	_ =	shalt  }
0x6b: {  	_ =	shalt  }
0x6c: {  	_ =	shalt  }
0x6d: {  	_ =	shalt  }
0x6e: {  	_ =	shalt  }
0x6f: {  	_ =	shalt  }
0x70: {  	_ =	shalt  }
0x71: {  	_ =	shalt  }
0x72: {  	_ =	shalt  }
0x73: {  	_ =	shalt  }
0x74: {  	_ =	shalt  }
0x75: {  	_ =	shalt  }
0x76: {  	_ =	shalt  }
0x77: {  	_ =	shalt  }
0x78: {  	_ =	shalt  }
0x79: {  	_ =	shalt  }
0x7a: {  	_ =	shalt  }
0x7b: {  	_ =	shalt  }
0x7c: {  	_ =	shalt  }
0x7d: {  	_ =	shalt  }
0x7e: {  	_ =	shalt  }
0x7f: {  	_ =	shalt  }
0x80: {  	_ =	shalt  }
0x81: {  	_ =	shalt  }
0x82: {  	_ =	shalt  }
0x83: {  	_ =	shalt  }
0x84: {  	_ =	shalt  }
0x85: {  	_ =	shalt  }
0x86: {  	_ =	shalt  }
0x87: {  	_ =	shalt  }
.Lfunc_end0:
.L_simem_size_0:
called_computation_lowered:
.L_overlay_start_0:
0x88: {  	s2 =	sld [smem:$0x3FD9]  }
0x89: {  	s3 =	sld [smem:$0x3FFE];
	_ =	sdelay $0x1  }
0x8a: {  	s1 =	srdreg.scid  }
0x8b: {  	s0 =	sand.u32 $0x1, s1  }
0x8c: {  	s17 =	sshll.u32 s0, $0xA;
	s2 =	sadd.s32 s3, s2  }
0x8d: {  	s2 =	sadd.s32 s2, s17  }
0x8e: {  	[smem:$0x3FC5] =	sst s2  }
0x8f: {  	_ = 	snop  }
0x90: {  	s2 =	sld [smem:$0x3FD0];
	(tm) =	ssettm $0x1  }
0x91: {  	s18 =	sld [smem:$0x3FFB];
	_ =	sdelay $0x3  }
0x92: {  	_ =	strace s18  }
0x93: {  	s3 =	sld [smem:$0x3FFC];
	_ =	sdelay $0x3  }
0x94: {  	_ =	strace s3  }
0x95: {  	s3 =	sld [smem:$0x3FFD];
	_ =	sdelay $0x3  }
0x96: {  	_ =	strace s3  }
0x97: {  	_ =	strace $0x8FFFFFFF  }
0x98: {  	s19 =	sld [smem:$0x3FDB];
	_ =	sdelay $0x1  }
0x99: {  	s4 =	simm.s32 $_scs_section_size  }
0x9a: {  	s5 =	simm.s32 $_size__tile_overlayer_lowered;
	s6 =	simm.s32 $_tile_overlayer_lowered  }
0x9b: {  	s22 =	simm.s32 $0x1BFF;
	s21 =	sshll.u32 s6, $0x1;
	s3 =	sadd.s32 s4, s19  }
0x9c: {  	s7 =	simm.s32 $0x0;
	s20 =	sshll.u32 s5, $0x1;
	s5 =	sadd.s32 s21, s3  }
0x9d: {  	[timem:s7], [sflag:s22] =	dma.local [hbm:s5], s20  }
0x9e: {  	_ =	swait.ge [sflag:s22], s20  }
0x9f: {  	s4 =	ssub.s32 $0x0, s20;
	[sflag:s22] =	ssyncset.done $0x0  }
0xa0: {  	[sflag:s22] =	ssyncadd.s32 s4;
	_ =	sdelay $0x1  }
0xa1: {  	s23 =	simm.s32 $0x1B8B  }
0xa2: {  	_ =	swait.ge [sflag:s23], $0x1  }
0xa3: {  	[sflag:s23] =	ssyncset.done $0x0  }
0xa4: {  	s25 =	simm.s32 $0x1B8E;
	s24 =	sld [smem:$0x3FFE];
	[sflag:s23] =	ssyncadd.s32 $0xFFFFFFFF  }
0xa5: {  	s26 =	simm.s32 $execute0_lowered;
	[smem:$0x3FD2] =	sst s25  }
0xa6: {  	s5 =	sshll.u32 s26, $0x1;
	_ =	strace $0x80000046;
	[dreg:$0x1] =	wrdreg $0xFFFFFFFF  }
0xa7: {  	s28 =	simm.s32 $_size_execute0_lowered;
	s3 =	sadd.s32 s3, s5;
	[dreg:$0x0] =	wrdreg $0x0  }
0xa8: {  	s5 =	sshll.u32 s28, $0x1;
	[dreg:$0x2] =	wrdreg s3  }
0xa9: {  	[dreg:$0x3] =	wrdreg s5  }
0xaa: {  	[dreg:$0x4] =	wrdreg $0xC0  }
0xab: {  	_ =	task [dreg:s7], $0x5FFFF  }
0xac: {  	[dreg:$0x1] =	wrdreg $0xFFFFFFFF  }
0xad: {  	[dreg:$0x0] =	wrdreg $0x60  }
0xae: {  	[dreg:$0x2] =	wrdreg s24  }
0xaf: {  	[dreg:$0x3] =	wrdreg s2  }
0xb0: {  	[dreg:$0x4] =	wrdreg $0x9  }
0xb1: {  	_ =	task.clear_ibuf [dreg:s7], $0x5FFFF;
	_ =	strace $0x90000046  }
0xb2: {  	s29 =	simm.s32 $0x9;
	_ =	strace $0x80000048  }
0xb3: {  	_ =	swait.ge [sflag:s29], $0x1  }
0xb4: {  	[sflag:s29] =	ssyncadd.s32 $0xFFFFFFFF  }
0xb5: {  	_ =	strace $0x90000048  }
0xb6: {  	_ =	sfence  }
0xb7: {  	s30 =	sld [smem:$0x0];
	_ =	sdelay $0x2  }
0xb8: {  	s31 =	sshll.u32 s1, $0xD;
	s1 =	sshrl.u32 s1, $0x2  }
0xb9: {  	s3 =	sand.u32 $0x4000, s31;
	s1 =	sadd.s32 s1, s30  }
0xba: {  	s0 =	sor.u32 s3, s0;
	s1 =	sshll.u32 s1, $0x11  }
0xbb: {  	s0 =	sor.u32 s1, s0  }
0xbc: {  	s0 =	sadd.s32 $0x8F2B, s0  }
0xbd: {  	[sflag:s0] =	ssyncadd.remote.s32 $0x1  }
0xbe: {  	_ =	sfence.sel $0xFFFF  }
0xbf: {  	[dreg:$0x0] =	wrdreg $0xFFFFFFFF;
	(pc) =	sbr.abs _section_cstart, $3  }
0xc0: {  	[dreg:$0x1] =	wrdreg $0xFFFFFFFF  }
0xc1: {  	_ =	task.clear_ibuf [dreg:s7], $0x2FFFF;
	_ =	strace $0x9FFFFFFF  }
0xc2: {  	(tm) =	ssettm $0x7FFFFFFF  }
0xc3: {  	_ =	shalt  }
tec
execute0_lowered:
.L_overlay_start_1:
0x0: {  	(tag) =	ssettag $0x1  }
0x1: {  	s0 =	srdreg.scid;
	s1 =	rddreg [dreg:$0x0]  }
0x2: {  	v0 =	vlaneseq.u32;
	s2 =	rddreg [dreg:$0x1];
	s5 =	stileid.u32;
	v3 =	vimm.s32 $0x1380;
	vm0 =	vcmask $0x300  }
0x3: {  	v4 =	vimm.s32 $0x1388;
	s3 =	simm.s32 $0x0;
	vm1 =	vcmask $0x704;
	vm15 =	vcmask $0xB08;
	s15 =	simm.s32 $0xD020;
	s16 =	simm.s32 $0x6  }
0x4: {  	vm4 =	vcmask $0xF0C;
	s17 =	simm.s32 $0xD060;
	s18 =	simm.s32 $0xD0A0;
	s19 =	simm.s32 $0xD0E0;
	v3 =	vsel vm0, $0x0, v3;
	v4 =	vsel vm0, $0x8, v4  }
0x5: {  	vm5 =	vcmask $0x1310;
	s20 =	simm.s32 $0xC800;
	s21 =	simm.s32 $0xD000;
	s22 =	simm.s32 $0xCC00;
	v3 =	vsel vm1, $0x80, v3;
	v4 =	vsel vm1, $0x88, v4  }
0x6: {  	vm6 =	vcmask $0x1714;
	s28 =	simm.s32 $0xD1E0;
	s29 =	simm.s32 $0xD9E0;
	s30 =	simm.s32 $0x1000;
	v3 =	vsel vm15, $0x100, v3;
	v4 =	vsel vm15, $0x108, v4  }
0x7: {  	vm7 =	vcmask $0x1B18;
	s31 =	simm.s32 $0x20000;
	[smem:$0x7FF] =	sst s3;
	s8 =	sadd.s32 $0x600, s1;
	v3 =	vsel vm4, $0x180, v3;
	v4 =	vsel vm4, $0x188, v4  }
0x8: {  	vm8 =	vcmask $0x1F1C;
	s9 =	sadd.s32 $0x35C00, s1;
	_ =	strace $0x80000047;
	[dreg:$0x3] =	wrdreg s8;
	v3 =	vsel vm5, $0x200, v3;
	v4 =	vsel vm5, $0x208, v4  }
0x9: {  	vm9 =	vcmask $0x2320;
	s0 =	sand.u32 $0x1, s0;
	s24 =	sadd.s32 $0x608, s1;
	[dreg:$0x4] =	wrdreg s9;
	v3 =	vsel vm6, $0x280, v3;
	v4 =	vsel vm6, $0x288, v4  }
0xa: {  	vm10 =	vcmask $0x2724;
	s25 =	sadd.s32 $0x610, s1;
	s26 =	sadd.s32 $0xA80, s1;
	[dreg:$0x6] =	wrdreg s24;
	v3 =	vsel vm7, $0x300, v3;
	v4 =	vsel vm7, $0x308, v4  }
0xb: {  	vm11 =	vcmask $0x2B28;
	s4 =	sshll.u32 s0, $0x4;
	s0 =	ssub.s32 $0x2, s0;
	[dreg:$0x7] =	wrdreg s25;
	v3 =	vsel vm8, $0x380, v3;
	v4 =	vsel vm8, $0x388, v4  }
0xc: {  	vm12 =	vcmask $0x2F2C;
	[dreg:$0x8] =	wrdreg s26;
	s25 =	simm.s32 $0x2;
	s6 =	sor.u32 s5, s4;
	v3 =	vsel vm9, $0x1000, v3;
	v4 =	vsel vm9, $0x1008, v4  }
0xd: {  	vm13 =	vcmask $0x3330;
	s26 =	simm.s32 $0xD5E0;
	s23 =	sshrl.u32 s0, $0x1;
	s4 =	smul.u32 $0x1900, s6;
	v3 =	vsel vm10, $0x1080, v3;
	v4 =	vsel vm10, $0x1088, v4  }
0xe: {  	vm14 =	vcmask $0x3734;
	s8 =	simm.s32 $0x0;
	s5 =	sadd.s32 $0x800, s1;
	s0 =	ssub.s32 s0, s23;
	v3 =	vsel vm11, $0x1100, v3;
	v4 =	vsel vm11, $0x1108, v4  }
0xf: {  	v1 =	vmul.u32 $0x40, v0;
	s13 =	sshll.u32 s6, $0xC;
	s0 =	smax.u32 s0, $0x1;
	s7 =	sadd.s32 s4, s1;
	v3 =	vsel vm12, $0x1180, v3;
	v4 =	vsel vm12, $0x1188, v4  }
0x10: {  	v2 =	vmul.u32 $0x64, v0;
	s4 =	sadd.s32 $0xA00, s1;
	s1 =	sadd.s32 $0x802, s1;
	[dreg:$0xa] =	wrdreg s0;
	v3 =	vsel vm13, $0x1200, v3;
	v4 =	vsel vm13, $0x1208, v4  }
0x11: {  	vm15 =	vcmask $0x3B38;
	s23 =	simm.s32 $0xD010;
	s7 =	sadd.s32 $0x3C00, s7;
	[dreg:$0x9] =	wrdreg s1;
	v5 =	vsel vm14, $0x1280, v3;
	v6 =	vsel vm14, $0x1288, v4  }
0x12: {  	s0 =	simm.s32 $0xF9E0;
	s1 =	simm.s32 $0x3;
	[dreg:$0x5] =	wrdreg s7;
	v3 =	vimm.s32 $0x0;
	v4 =	vsel vm15, $0x1300, v5;
	v5 =	vsel vm15, $0x1308, v6  }
.LBB2_1:
0x13: {  	s6 =	rddreg [dreg:$0x5]  }
0x14: {  	[tilespmem:s3], [sflag:$0x1] =	stream.linear.gather [hbm4b:s6+s3], $0xC800, $0x38;
	[tilespmem:$0x119E0] =	vst v63  }
0x15: {  	s7 =	rddreg [dreg:$0x3]  }
0x16: {  	[tilespmem:s15], [sflag:$0x6] =	stream.linear.gather [hbm4b:s7+s3], $0x40, $0x38;
	[tilespmem:$0x119E0] =	vst v63  }
0x17: {  	_ =	swait.ge [sflag:s16], $0x40  }
0x18: {  	[sflag:s16] =	ssyncset.done $0x0  }
0x19: {  	s9 =	rddreg [dreg:$0x6];
	[sflag:s16] =	ssyncadd.s32 $0xFFFFFFC0  }
0x1a: {  	[tilespmem:s17], [sflag:$0x6] =	stream.linear.gather [hbm4b:s9+s3], $0x40, $0x38;
	[tilespmem:$0x119E0] =	vst v63  }
0x1b: {  	_ =	swait.ge [sflag:s16], $0x40  }
0x1c: {  	[sflag:s16] =	ssyncset.done $0x0  }
0x1d: {  	s10 =	rddreg [dreg:$0x7];
	[sflag:s16] =	ssyncadd.s32 $0xFFFFFFC0  }
0x1e: {  	[tilespmem:s18], [sflag:$0x6] =	stream.linear.gather [hbm4b:s10+s3], $0x40, $0x38;
	[tilespmem:$0x119E0] =	vst v63  }
0x1f: {  	_ =	swait.ge [sflag:s16], $0x40  }
0x20: {  	[sflag:s16] =	ssyncset.done $0x0  }
0x21: {  	s11 =	rddreg [dreg:$0x4];
	[sflag:s16] =	ssyncadd.s32 $0xFFFFFFC0  }
0x22: {  	[tilespmem:s19], [sflag:$0x6] =	stream.linear.gather [hbm4b:s11+s3], $0x100, $0x38;
	[tilespmem:$0x119E0] =	vst v63  }
0x23: {  	_ =	swait.ge [sflag:s16], $0x100  }
0x24: {  	[sflag:s16] =	ssyncset.done $0x0  }
0x25: {  	[sflag:s16] =	ssyncadd.s32 $0xFFFFFF00  }
0x26: {  	[tilespmem:s20], [sflag:$0x2] =	stream.linear.gather [hbm4b:s4+s3], $0x400, $0x38;
	[tilespmem:$0x119E0] =	vst v63  }
0x27: {  	_ = 	snop  }
0x28: {  	[tilespmem:s21], [sflag:$0x2] =	stream.linear.gather [hbm4b:s5+s3], $0x10, $0x38;
	[tilespmem:$0x119E0] =	vst v63  }
0x29: {  	s12 =	rddreg [dreg:$0x8]  }
0x2a: {  	[tilespmem:s22], [sflag:$0x3] =	stream.linear.gather [hbm4b:s12+s3], $0x400, $0x38;
	[tilespmem:$0x119E0] =	vst v63  }
0x2b: {  	s24 =	simm.s32 $0x1;
	s14 =	rddreg [dreg:$0x9]  }
0x2c: {  	[tilespmem:s23], [sflag:$0x3] =	stream.linear.gather [hbm4b:s14+s3], $0x10, $0x38;
	[tilespmem:$0x119E0] =	vst v63  }
0x2d: {  	_ =	swait.ge [sflag:s24], $0xC800  }
0x2e: {  	[sflag:s24] =	ssyncset.done $0x0  }
0x2f: {  	s9 =	simm.s32 $0x0;
	[sflag:s24] =	ssyncadd.s32 $0xFFFF3800  }
.LBB2_2:
0x30: {  	_ =	swait.ge [sflag:s25], $0x400  }
0x31: {  	[sflag:s25] =	ssyncset.done $0x0  }
0x32: {  	s6 =	simm.s32 $0x0;
	[sflag:s25] =	ssyncadd.s32 $0xFFFFFC00  }
0x33: {  	v7 =	vor.u32 s6, v1;
	_ =	swait.ge [sflag:s25], $0x10  }
0x34: {  	[sflag:s25] =	ssyncset.done $0x0  }
0x35: {  	[sflag:s25] =	ssyncadd.s32 $0xFFFFFFF0  }
0x36: {  	v6 =	vld [tilespmem:$0xD000];
	_ =	sdelay $0x1  }
0x37: {  	v8 =	vor.u32 s6, v0;
	v7 =	vld.idx.msk [tilespmem:v7+s20+$0x0], $0xffff  }
0x38: {  	s10 =	simm.s32 $0x1  }
0x39: {  	v9 =	vor.u32 s10, v1  }
0x3a: {  	s10 =	simm.s32 $0x2;
	v10 =	vmov v6  }
.LBB2_3:
0x3b: {  	p0 =	sne.s32 s10, $0x3F  }
0x3c: {  	v6 =	vadd.f32 v7, v6;
	[tilespmem:v8+s26+$0x0] =	vst.idx.msk $0xffff, v7  }
0x3d: {  	[tilespmem:v8+s28+$0x0] =	vst.idx.msk $0xffff, v10  }
.Ltmp0:
0x3e: {  	s6 =	sadd.s32 $0x10, s6;
	v10 =	vmov v6;
	v7 =	vld.idx.msk [tilespmem:v9+s20+$0x0], $0xffff;
	(pc) =	sbr.rel @p0 .LBB2_3-.Ltmp0, $3  }
0x3f: {  	v8 =	vor.u32 s6, v0;
	_ =	sdelay $0x1  }
0x40: {  	v9 =	vor.u32 s10, v1  }
0x41: {  	s10 =	sadd.s32 $0x1, s10  }
0x42: {  	_ =	sdelay $0x3  }
0x43: {  	[tilespmem:v8+s26+$0x0] =	vst.idx.msk $0xffff, v7  }
0x44: {  	s6 =	sadd.s32 $0x10, s6;
	[tilespmem:v8+s28+$0x0] =	vst.idx.msk $0xffff, v10  }
0x45: {  	v63 =	vor.u32 s6, v0;
	v8 =	vld.idx.msk [tilespmem:v9+s20+$0x0], $0xffff;
	_ =	sdelay $0x1  }
0x46: {  	s10 =	sshll.u32 s9, $0x1  }
0x47: {  	s24 =	smin.u32 s10, $0x61  }
0x48: {  	v6 =	vadd.f32 v7, v6;
	s6 =	sadd.s32 $0x2, s24  }
0x49: {  	s11 =	sshll.u32 s6, $0x7;
	[tilespmem:v63+s26+$0x0] =	vst.idx.msk $0xffff, v8  }
0x4a: {  	s6 =	sshll.u32 s6, $0x1;
	s11 =	sadd.s32 s4, s11;
	[tilespmem:v63+s28+$0x0] =	vst.idx.msk $0xffff, v6  }
0x4b: {  	[tilespmem:s20], [sflag:$0x2] =	stream.linear.gather [hbm4b:s11+s3], $0x400, $0x38;
	[tilespmem:$0x119E0] =	vst v63  }
0x4c: {  	p0 =	seq.s32 s9, $0x0;
	s6 =	sadd.s32 s5, s6  }
0x4d: {  	[tilespmem:s21], [sflag:$0x2] =	stream.linear.gather [hbm4b:s6+s3], $0x10, $0x38;
	[tilespmem:$0x119E0] =	vst v63  }
0x4e: {  	s6 =	simm.s32 @!p0 $0x4  }
0x4f: {  	_ =	swait.ge @!p0 [sflag:s6], $0x2000  }
0x50: {  	s12 =	simm.s32 $0x10;
	v6 =	vadd.s32 s10, v2;
	[sflag:s6] =	ssyncset.done @!p0 $0x0  }
0x51: {  	s14 =	simm.s32 $0x640;
	v7 =	vand.u32 $0x6, v6;
	s11 =	simm.s32 $0xFFFFFFFE;
	[sflag:s6] =	ssyncadd.s32 @!p0 $0xFFFFE000  }
.LBB2_5:
0x52: {  	s6 =	sadd.s32 $0xFFFFF9C0, s14  }
0x53: {  	v8 =	vadd.s32 s6, v6  }
0x54: {  	v8 =	vand.u32 $0x1FFF8, v8  }
0x55: {  	v8 =	vor.u32 v7, v8;
	_ =	sdelay $0x4  }
0x56: {  	v8 =	vld.idx.msk [tilespmem:v8+s3+$0x0], $0xffff;
	_ =	sdelay $0x4  }
0x57: {  	v9 =	vmax.f32 v8, $-2.200000050e+00  }
0x58: {  	v9 =	vmin.f32 v9, $2.200000050e+00  }
0x59: {  	v9 =	vadd.f32 $2.200000050e+00, v9;
	_ =	sdelay $0x1  }
0x5a: {  	v9 =	vmul.f32 $5.818181610e+01, v9;
	_ =	sdelay $0x1  }
0x5b: {  	v9 =	vtrunc.f32 v9  }
0x5c: {  	v9 =	vcvt.f32.s32 v9;
	_ =	sdelay $0x1  }
0x5d: {  	vm0 =	vlt.s32 v9, $0xFF  }
0x5e: {  	v9 =	vnsel vm0, $0xFF, v9;
	_ =	sdelay $0x4  }
0x5f: {  	v9 =	vld.idx.msk [tilespmem:v9+s19+$0x0], $0xffff;
	_ =	sdelay $0x7  }
0x60: {  	v10 =	vld.idx.msk [tilespmem:v9+s15+$0x0], $0xffff;
	_ =	sdelay $0x4  }
0x61: {  	vm11 =	vlt.f32 v10, v8  }
0x62: {  	v10 =	vsel vm11, $0x1, v3  }
0x63: {  	v9 =	vadd.s32 v10, v9  }
0x64: {  	vm12 =	vlt.s32 v9, $0x3F  }
0x65: {  	v9 =	vnsel vm12, $0x3F, v9  }
0x66: {  	v11 =	vshll.u32 v9, $0x4  }
0x67: {  	(v2sf) =	vpush v11, $0x0;
	_ =	sdelay $0x9  }
0x68: {  	v20 =	vld.idx.msk [tilespmem:v9+s17+$0x0], $0xffff  }
0x69: {  	(v2sf) =	vpush v11, $0x1  }
0x6a: {  	v9 =	vld.idx.msk [tilespmem:v9+s18+$0x0], $0xffff;
	_ =	sdelay $0x2  }
0x6b: {  	v8 =	vsub.f32 v8, v20;
	s24 =	spop (v2sf)  }
0x6c: {  	v12 =	vld [tilespmem:s24+$0xD5E0]  }
0x6d: {  	s11 =	sadd.s32 $0x2, s11;
	v10 =	vmul.f32 v9, v8  }
0x6e: {  	s7 =	sshll.u32 s11, $0x7;
	v21 =	vld [tilespmem:s24+$0xD1E0]  }
0x6f: {  	s6 =	sand.u32 $0xFFFFFC00, s7;
	v13 =	vbroadcast v10, $0x0;
	s24 =	sadd.s32 $0xFFFFFFF0, s12  }
0x70: {  	v8 =	vor.u32 s6, v4;
	s24 =	sand.u32 $0x60, s24  }
0x71: {  	v22 =	vor.u32 s24, v8;
	v12 =	vmul.f32 v12, v13  }
0x72: {  	(v2sf) =	vpush v11, $0x2  }
0x73: {  	v9 =	vadd.f32 v12, v21;
	_ =	sdelay $0x1  }
0x74: {  	v9 =	vmax.f32 v9, $0.0e+00  }
0x75: {  	s7 =	spop (v2sf);
	[tilespmem:v22+s29+$0x0] =	vst.idx.msk $0xffff, v9  }
0x76: {  	v9 =	vld [tilespmem:s7+$0xD5E0];
	_ =	sdelay $0x1  }
0x77: {  	v23 =	vld [tilespmem:s7+$0xD1E0]  }
0x78: {  	v14 =	vbroadcast v10, $0x1;
	_ =	sdelay $0x1  }
0x79: {  	v24 =	vor.u32 $0x1, v22;
	v9 =	vmul.f32 v9, v14  }
0x7a: {  	(v2sf) =	vpush v11, $0x3  }
0x7b: {  	v9 =	vadd.f32 v9, v23;
	_ =	sdelay $0x1  }
0x7c: {  	v9 =	vmax.f32 v9, $0.0e+00  }
0x7d: {  	s7 =	spop (v2sf);
	[tilespmem:v24+s29+$0x0] =	vst.idx.msk $0xffff, v9  }
0x7e: {  	v9 =	vld [tilespmem:s7+$0xD5E0];
	_ =	sdelay $0x1  }
0x7f: {  	v25 =	vld [tilespmem:s7+$0xD1E0]  }
0x80: {  	v26 =	vbroadcast v10, $0x2;
	_ =	sdelay $0x1  }
0x81: {  	v27 =	vor.u32 $0x2, v22;
	v9 =	vmul.f32 v9, v26  }
0x82: {  	(v2sf) =	vpush v11, $0x4  }
0x83: {  	v9 =	vadd.f32 v9, v25;
	_ =	sdelay $0x1  }
0x84: {  	v9 =	vmax.f32 v9, $0.0e+00  }
0x85: {  	s7 =	spop (v2sf);
	[tilespmem:v27+s29+$0x0] =	vst.idx.msk $0xffff, v9  }
0x86: {  	v9 =	vld [tilespmem:s7+$0xD5E0];
	_ =	sdelay $0x1  }
0x87: {  	v28 =	vld [tilespmem:s7+$0xD1E0]  }
0x88: {  	v29 =	vbroadcast v10, $0x3;
	_ =	sdelay $0x1  }
0x89: {  	v30 =	vor.u32 $0x3, v22;
	v9 =	vmul.f32 v9, v29  }
0x8a: {  	(v2sf) =	vpush v11, $0x5  }
0x8b: {  	v9 =	vadd.f32 v9, v28;
	_ =	sdelay $0x1  }
0x8c: {  	v9 =	vmax.f32 v9, $0.0e+00  }
0x8d: {  	s7 =	spop (v2sf);
	[tilespmem:v30+s29+$0x0] =	vst.idx.msk $0xffff, v9  }
0x8e: {  	v9 =	vld [tilespmem:s7+$0xD5E0];
	_ =	sdelay $0x1  }
0x8f: {  	v31 =	vld [tilespmem:s7+$0xD1E0]  }
0x90: {  	v32 =	vbroadcast v10, $0x4;
	_ =	sdelay $0x1  }
0x91: {  	v33 =	vor.u32 $0x4, v22;
	v9 =	vmul.f32 v9, v32  }
0x92: {  	(v2sf) =	vpush v11, $0x6  }
0x93: {  	v9 =	vadd.f32 v9, v31;
	_ =	sdelay $0x1  }
0x94: {  	v9 =	vmax.f32 v9, $0.0e+00  }
0x95: {  	s7 =	spop (v2sf);
	[tilespmem:v33+s29+$0x0] =	vst.idx.msk $0xffff, v9  }
0x96: {  	v9 =	vld [tilespmem:s7+$0xD5E0];
	_ =	sdelay $0x1  }
0x97: {  	v34 =	vld [tilespmem:s7+$0xD1E0]  }
0x98: {  	v35 =	vbroadcast v10, $0x5;
	_ =	sdelay $0x1  }
0x99: {  	v36 =	vor.u32 $0x5, v22;
	v9 =	vmul.f32 v9, v35  }
0x9a: {  	(v2sf) =	vpush v11, $0x7  }
0x9b: {  	v9 =	vadd.f32 v9, v34;
	_ =	sdelay $0x1  }
0x9c: {  	v9 =	vmax.f32 v9, $0.0e+00  }
0x9d: {  	s7 =	spop (v2sf);
	[tilespmem:v36+s29+$0x0] =	vst.idx.msk $0xffff, v9  }
0x9e: {  	v9 =	vld [tilespmem:s7+$0xD5E0];
	_ =	sdelay $0x1  }
0x9f: {  	v37 =	vld [tilespmem:s7+$0xD1E0]  }
0xa0: {  	v38 =	vbroadcast v10, $0x6;
	_ =	sdelay $0x1  }
0xa1: {  	v39 =	vor.u32 $0x6, v22;
	v9 =	vmul.f32 v9, v38  }
0xa2: {  	(v2sf) =	vpush v11, $0x8  }
0xa3: {  	v9 =	vadd.f32 v9, v37;
	_ =	sdelay $0x1  }
0xa4: {  	v9 =	vmax.f32 v9, $0.0e+00  }
0xa5: {  	s7 =	spop (v2sf);
	[tilespmem:v39+s29+$0x0] =	vst.idx.msk $0xffff, v9  }
0xa6: {  	v9 =	vld [tilespmem:s7+$0xD5E0];
	_ =	sdelay $0x1  }
0xa7: {  	v40 =	vld [tilespmem:s7+$0xD1E0]  }
0xa8: {  	v41 =	vbroadcast v10, $0x7;
	_ =	sdelay $0x1  }
0xa9: {  	v13 =	vor.u32 $0x7, v22;
	v9 =	vmul.f32 v9, v41  }
0xaa: {  	(v2sf) =	vpush v11, $0x9  }
0xab: {  	v9 =	vadd.f32 v9, v40;
	_ =	sdelay $0x1  }
0xac: {  	v9 =	vmax.f32 v9, $0.0e+00  }
0xad: {  	s7 =	spop (v2sf);
	[tilespmem:v13+s29+$0x0] =	vst.idx.msk $0xffff, v9  }
0xae: {  	v42 =	vld [tilespmem:s7+$0xD5E0];
	_ =	sdelay $0x1  }
0xaf: {  	v13 =	vld [tilespmem:s7+$0xD1E0]  }
0xb0: {  	v43 =	vbroadcast v10, $0x8  }
0xb1: {  	v9 =	vor.u32 s6, v5  }
0xb2: {  	v44 =	vor.u32 s24, v9;
	v12 =	vmul.f32 v42, v43  }
0xb3: {  	(v2sf) =	vpush v11, $0xA  }
0xb4: {  	v12 =	vadd.f32 v12, v13;
	_ =	sdelay $0x1  }
0xb5: {  	v12 =	vmax.f32 v12, $0.0e+00  }
0xb6: {  	s24 =	spop (v2sf);
	[tilespmem:v44+s29+$0x0] =	vst.idx.msk $0xffff, v12  }
0xb7: {  	v12 =	vld [tilespmem:s24+$0xD5E0];
	_ =	sdelay $0x1  }
0xb8: {  	v45 =	vld [tilespmem:s24+$0xD1E0]  }
0xb9: {  	v15 =	vbroadcast v10, $0x9;
	_ =	sdelay $0x1  }
0xba: {  	v46 =	vor.u32 $0x1, v44;
	v12 =	vmul.f32 v12, v15  }
0xbb: {  	(v2sf) =	vpush v11, $0xB  }
0xbc: {  	v12 =	vadd.f32 v12, v45;
	_ =	sdelay $0x1  }
0xbd: {  	v12 =	vmax.f32 v12, $0.0e+00  }
0xbe: {  	s7 =	spop (v2sf);
	[tilespmem:v46+s29+$0x0] =	vst.idx.msk $0xffff, v12  }
0xbf: {  	v12 =	vld [tilespmem:s7+$0xD5E0];
	_ =	sdelay $0x1  }
0xc0: {  	v47 =	vld [tilespmem:s7+$0xD1E0]  }
0xc1: {  	v48 =	vbroadcast v10, $0xA;
	_ =	sdelay $0x1  }
0xc2: {  	v49 =	vor.u32 $0x2, v44;
	v12 =	vmul.f32 v12, v48  }
0xc3: {  	(v2sf) =	vpush v11, $0xC  }
0xc4: {  	v12 =	vadd.f32 v12, v47;
	_ =	sdelay $0x1  }
0xc5: {  	v12 =	vmax.f32 v12, $0.0e+00  }
0xc6: {  	s24 =	spop (v2sf);
	[tilespmem:v49+s29+$0x0] =	vst.idx.msk $0xffff, v12  }
0xc7: {  	v12 =	vld [tilespmem:s24+$0xD5E0];
	_ =	sdelay $0x1  }
0xc8: {  	v50 =	vld [tilespmem:s24+$0xD1E0]  }
0xc9: {  	v51 =	vbroadcast v10, $0xB;
	_ =	sdelay $0x1  }
0xca: {  	v52 =	vor.u32 $0x3, v44;
	v12 =	vmul.f32 v12, v51  }
0xcb: {  	(v2sf) =	vpush v11, $0xD  }
0xcc: {  	v12 =	vadd.f32 v12, v50;
	_ =	sdelay $0x1  }
0xcd: {  	v12 =	vmax.f32 v12, $0.0e+00  }
0xce: {  	s7 =	spop (v2sf);
	[tilespmem:v52+s29+$0x0] =	vst.idx.msk $0xffff, v12  }
0xcf: {  	v12 =	vld [tilespmem:s7+$0xD5E0];
	_ =	sdelay $0x1  }
0xd0: {  	v53 =	vld [tilespmem:s7+$0xD1E0]  }
0xd1: {  	v54 =	vbroadcast v10, $0xC;
	_ =	sdelay $0x1  }
0xd2: {  	v55 =	vor.u32 $0x4, v44;
	v12 =	vmul.f32 v12, v54  }
0xd3: {  	(v2sf) =	vpush v11, $0xE  }
0xd4: {  	v12 =	vadd.f32 v12, v53;
	_ =	sdelay $0x1  }
0xd5: {  	v12 =	vmax.f32 v12, $0.0e+00  }
0xd6: {  	s24 =	spop (v2sf);
	[tilespmem:v55+s29+$0x0] =	vst.idx.msk $0xffff, v12  }
0xd7: {  	v12 =	vld [tilespmem:s24+$0xD5E0];
	_ =	sdelay $0x1  }
0xd8: {  	v56 =	vld [tilespmem:s24+$0xD1E0]  }
0xd9: {  	v57 =	vbroadcast v10, $0xD;
	_ =	sdelay $0x1  }
0xda: {  	v58 =	vor.u32 $0x5, v44;
	v12 =	vmul.f32 v12, v57  }
0xdb: {  	(v2sf) =	vpush v11, $0xF  }
0xdc: {  	v59 =	vadd.f32 v12, v56;
	_ =	sdelay $0x1  }
0xdd: {  	v11 =	vmax.f32 v59, $0.0e+00  }
0xde: {  	s7 =	spop (v2sf);
	[tilespmem:v58+s29+$0x0] =	vst.idx.msk $0xffff, v11  }
0xdf: {  	v11 =	vld [tilespmem:s7+$0xD5E0];
	_ =	sdelay $0x1  }
0xe0: {  	v60 =	vld [tilespmem:s7+$0xD1E0]  }
0xe1: {  	v61 =	vbroadcast v10, $0xE;
	_ =	sdelay $0x1  }
0xe2: {  	v62 =	vor.u32 $0x6, v44;
	v11 =	vmul.f32 v11, v61;
	_ =	sdelay $0x1  }
0xe3: {  	v11 =	vadd.f32 v11, v60;
	_ =	sdelay $0x1  }
0xe4: {  	v11 =	vmax.f32 v11, $0.0e+00  }
0xe5: {  	s24 =	spop (v2sf);
	[tilespmem:v62+s29+$0x0] =	vst.idx.msk $0xffff, v11  }
0xe6: {  	v11 =	vld [tilespmem:s24+$0xD5E0];
	_ =	sdelay $0x1  }
0xe7: {  	v63 =	vld [tilespmem:s24+$0xD1E0]  }
0xe8: {  	v10 =	vbroadcast v10, $0xF  }
0xe9: {  	v16 =	vadd.s32 s14, v6  }
0xea: {  	v17 =	vor.u32 $0x7, v44;
	v13 =	vand.u32 $0x1FFF8, v16;
	v10 =	vmul.f32 v11, v10  }
0xeb: {  	v13 =	vor.u32 v7, v13  }
0xec: {  	v10 =	vadd.f32 v10, v63;
	_ =	sdelay $0x1  }
0xed: {  	v10 =	vmax.f32 v10, $0.0e+00  }
0xee: {  	[tilespmem:v17+s29+$0x0] =	vst.idx.msk $0xffff, v10  }
0xef: {  	v10 =	vld.idx.msk [tilespmem:v13+s3+$0x0], $0xffff;
	_ =	sdelay $0x4  }
0xf0: {  	v18 =	vmax.f32 v10, $-2.200000050e+00  }
0xf1: {  	v11 =	vmin.f32 v18, $2.200000050e+00  }
0xf2: {  	v11 =	vadd.f32 $2.200000050e+00, v11;
	_ =	sdelay $0x1  }
0xf3: {  	v11 =	vmul.f32 $5.818181610e+01, v11;
	_ =	sdelay $0x1  }
0xf4: {  	v11 =	vtrunc.f32 v11  }
0xf5: {  	v11 =	vcvt.f32.s32 v11;
	_ =	sdelay $0x1  }
0xf6: {  	vm13 =	vlt.s32 v11, $0xFF  }
0xf7: {  	v11 =	vnsel vm13, $0xFF, v11;
	_ =	sdelay $0x4  }
0xf8: {  	v11 =	vld.idx.msk [tilespmem:v11+s19+$0x0], $0xffff;
	_ =	sdelay $0x7  }
0xf9: {  	v19 =	vld.idx.msk [tilespmem:v11+s15+$0x0], $0xffff;
	_ =	sdelay $0x4  }
0xfa: {  	vm14 =	vlt.f32 v19, v10  }
0xfb: {  	v12 =	vsel vm14, $0x1, v3  }
0xfc: {  	v11 =	vadd.s32 v12, v11  }
0xfd: {  	vm15 =	vlt.s32 v11, $0x3F  }
0xfe: {  	v12 =	vnsel vm15, $0x3F, v11  }
0xff: {  	v11 =	vshll.u32 v12, $0x4  }
0x100: {  	(v2sf) =	vpush v11, $0x0;
	_ =	sdelay $0x9  }
0x101: {  	v20 =	vld.idx.msk [tilespmem:v12+s17+$0x0], $0xffff  }
0x102: {  	(v2sf) =	vpush v11, $0x1  }
0x103: {  	v12 =	vld.idx.msk [tilespmem:v12+s18+$0x0], $0xffff;
	_ =	sdelay $0x2  }
0x104: {  	v10 =	vsub.f32 v10, v20;
	s7 =	spop (v2sf)  }
0x105: {  	v21 =	vld [tilespmem:s7+$0xD5E0]  }
0x106: {  	v10 =	vmul.f32 v12, v10  }
0x107: {  	v22 =	vld [tilespmem:s7+$0xD1E0]  }
0x108: {  	v23 =	vbroadcast v10, $0x0  }
0x109: {  	s6 =	sand.u32 $0x70, s12  }
0x10a: {  	v8 =	vor.u32 s6, v8;
	v13 =	vmul.f32 v21, v23  }
0x10b: {  	(v2sf) =	vpush v11, $0x2  }
0x10c: {  	v12 =	vadd.f32 v13, v22;
	_ =	sdelay $0x1  }
0x10d: {  	v12 =	vmax.f32 v12, $0.0e+00  }
0x10e: {  	s24 =	spop (v2sf);
	[tilespmem:v8+s29+$0x0] =	vst.idx.msk $0xffff, v12  }
0x10f: {  	v12 =	vld [tilespmem:s24+$0xD5E0];
	_ =	sdelay $0x1  }
0x110: {  	v24 =	vld [tilespmem:s24+$0xD1E0]  }
0x111: {  	v25 =	vbroadcast v10, $0x1;
	_ =	sdelay $0x1  }
0x112: {  	v26 =	vor.u32 $0x1, v8;
	v12 =	vmul.f32 v12, v25  }
0x113: {  	(v2sf) =	vpush v11, $0x3  }
0x114: {  	v12 =	vadd.f32 v12, v24;
	_ =	sdelay $0x1  }
0x115: {  	v12 =	vmax.f32 v12, $0.0e+00  }
0x116: {  	s24 =	spop (v2sf);
	[tilespmem:v26+s29+$0x0] =	vst.idx.msk $0xffff, v12  }
0x117: {  	v12 =	vld [tilespmem:s24+$0xD5E0];
	_ =	sdelay $0x1  }
0x118: {  	v27 =	vld [tilespmem:s24+$0xD1E0]  }
0x119: {  	v28 =	vbroadcast v10, $0x2;
	_ =	sdelay $0x1  }
0x11a: {  	v29 =	vor.u32 $0x2, v8;
	v12 =	vmul.f32 v12, v28  }
0x11b: {  	(v2sf) =	vpush v11, $0x4  }
0x11c: {  	v12 =	vadd.f32 v12, v27;
	_ =	sdelay $0x1  }
0x11d: {  	v12 =	vmax.f32 v12, $0.0e+00  }
0x11e: {  	s24 =	spop (v2sf);
	[tilespmem:v29+s29+$0x0] =	vst.idx.msk $0xffff, v12  }
0x11f: {  	v12 =	vld [tilespmem:s24+$0xD5E0];
	_ =	sdelay $0x1  }
0x120: {  	v30 =	vld [tilespmem:s24+$0xD1E0]  }
0x121: {  	v31 =	vbroadcast v10, $0x3;
	_ =	sdelay $0x1  }
0x122: {  	v32 =	vor.u32 $0x3, v8;
	v12 =	vmul.f32 v12, v31  }
0x123: {  	(v2sf) =	vpush v11, $0x5  }
0x124: {  	v12 =	vadd.f32 v12, v30;
	_ =	sdelay $0x1  }
0x125: {  	v12 =	vmax.f32 v12, $0.0e+00  }
0x126: {  	s24 =	spop (v2sf);
	[tilespmem:v32+s29+$0x0] =	vst.idx.msk $0xffff, v12  }
0x127: {  	v12 =	vld [tilespmem:s24+$0xD5E0];
	_ =	sdelay $0x1  }
0x128: {  	v33 =	vld [tilespmem:s24+$0xD1E0]  }
0x129: {  	v34 =	vbroadcast v10, $0x4;
	_ =	sdelay $0x1  }
0x12a: {  	v35 =	vor.u32 $0x4, v8;
	v12 =	vmul.f32 v12, v34  }
0x12b: {  	(v2sf) =	vpush v11, $0x6  }
0x12c: {  	v12 =	vadd.f32 v12, v33;
	_ =	sdelay $0x1  }
0x12d: {  	v12 =	vmax.f32 v12, $0.0e+00  }
0x12e: {  	s24 =	spop (v2sf);
	[tilespmem:v35+s29+$0x0] =	vst.idx.msk $0xffff, v12  }
0x12f: {  	v12 =	vld [tilespmem:s24+$0xD5E0];
	_ =	sdelay $0x1  }
0x130: {  	v36 =	vld [tilespmem:s24+$0xD1E0]  }
0x131: {  	v37 =	vbroadcast v10, $0x5;
	_ =	sdelay $0x1  }
0x132: {  	v38 =	vor.u32 $0x5, v8;
	v12 =	vmul.f32 v12, v37  }
0x133: {  	(v2sf) =	vpush v11, $0x7  }
0x134: {  	v12 =	vadd.f32 v12, v36;
	_ =	sdelay $0x1  }
0x135: {  	v12 =	vmax.f32 v12, $0.0e+00  }
0x136: {  	s24 =	spop (v2sf);
	[tilespmem:v38+s29+$0x0] =	vst.idx.msk $0xffff, v12  }
0x137: {  	v12 =	vld [tilespmem:s24+$0xD5E0];
	_ =	sdelay $0x1  }
0x138: {  	v39 =	vld [tilespmem:s24+$0xD1E0]  }
0x139: {  	v40 =	vbroadcast v10, $0x6;
	_ =	sdelay $0x1  }
0x13a: {  	v41 =	vor.u32 $0x6, v8;
	v12 =	vmul.f32 v12, v40  }
0x13b: {  	(v2sf) =	vpush v11, $0x8  }
0x13c: {  	v12 =	vadd.f32 v12, v39;
	_ =	sdelay $0x1  }
0x13d: {  	v12 =	vmax.f32 v12, $0.0e+00  }
0x13e: {  	s24 =	spop (v2sf);
	[tilespmem:v41+s29+$0x0] =	vst.idx.msk $0xffff, v12  }
0x13f: {  	v12 =	vld [tilespmem:s24+$0xD5E0];
	_ =	sdelay $0x1  }
0x140: {  	v42 =	vld [tilespmem:s24+$0xD1E0]  }
0x141: {  	v43 =	vbroadcast v10, $0x7;
	_ =	sdelay $0x1  }
0x142: {  	v8 =	vor.u32 $0x7, v8;
	v12 =	vmul.f32 v12, v43  }
0x143: {  	(v2sf) =	vpush v11, $0x9  }
0x144: {  	v12 =	vadd.f32 v12, v42;
	_ =	sdelay $0x1  }
0x145: {  	v12 =	vmax.f32 v12, $0.0e+00  }
0x146: {  	s24 =	spop (v2sf);
	[tilespmem:v8+s29+$0x0] =	vst.idx.msk $0xffff, v12  }
0x147: {  	v8 =	vld [tilespmem:s24+$0xD5E0];
	_ =	sdelay $0x1  }
0x148: {  	v12 =	vld [tilespmem:s24+$0xD1E0]  }
0x149: {  	v44 =	vbroadcast v10, $0x8;
	_ =	sdelay $0x1  }
0x14a: {  	v9 =	vor.u32 s6, v9;
	v8 =	vmul.f32 v8, v44  }
0x14b: {  	(v2sf) =	vpush v11, $0xA  }
0x14c: {  	v8 =	vadd.f32 v8, v12;
	_ =	sdelay $0x1  }
0x14d: {  	v8 =	vmax.f32 v8, $0.0e+00  }
0x14e: {  	s24 =	spop (v2sf);
	[tilespmem:v9+s29+$0x0] =	vst.idx.msk $0xffff, v8  }
0x14f: {  	v8 =	vld [tilespmem:s24+$0xD5E0];
	_ =	sdelay $0x1  }
0x150: {  	v45 =	vld [tilespmem:s24+$0xD1E0]  }
0x151: {  	v46 =	vbroadcast v10, $0x9;
	_ =	sdelay $0x1  }
0x152: {  	v47 =	vor.u32 $0x1, v9;
	v8 =	vmul.f32 v8, v46  }
0x153: {  	(v2sf) =	vpush v11, $0xB  }
0x154: {  	v8 =	vadd.f32 v8, v45;
	_ =	sdelay $0x1  }
0x155: {  	v8 =	vmax.f32 v8, $0.0e+00  }
0x156: {  	s7 =	spop (v2sf);
	[tilespmem:v47+s29+$0x0] =	vst.idx.msk $0xffff, v8  }
0x157: {  	v8 =	vld [tilespmem:s7+$0xD5E0];
	_ =	sdelay $0x1  }
0x158: {  	v48 =	vld [tilespmem:s7+$0xD1E0]  }
0x159: {  	v49 =	vbroadcast v10, $0xA;
	_ =	sdelay $0x1  }
0x15a: {  	v50 =	vor.u32 $0x2, v9;
	v8 =	vmul.f32 v8, v49  }
0x15b: {  	(v2sf) =	vpush v11, $0xC  }
0x15c: {  	v8 =	vadd.f32 v8, v48;
	_ =	sdelay $0x1  }
0x15d: {  	v8 =	vmax.f32 v8, $0.0e+00  }
0x15e: {  	s24 =	spop (v2sf);
	[tilespmem:v50+s29+$0x0] =	vst.idx.msk $0xffff, v8  }
0x15f: {  	v8 =	vld [tilespmem:s24+$0xD5E0];
	_ =	sdelay $0x1  }
0x160: {  	v51 =	vld [tilespmem:s24+$0xD1E0]  }
0x161: {  	v52 =	vbroadcast v10, $0xB;
	_ =	sdelay $0x1  }
0x162: {  	v53 =	vor.u32 $0x3, v9;
	v8 =	vmul.f32 v8, v52  }
0x163: {  	(v2sf) =	vpush v11, $0xD  }
0x164: {  	v8 =	vadd.f32 v8, v51;
	_ =	sdelay $0x1  }
0x165: {  	v8 =	vmax.f32 v8, $0.0e+00  }
0x166: {  	s7 =	spop (v2sf);
	[tilespmem:v53+s29+$0x0] =	vst.idx.msk $0xffff, v8  }
0x167: {  	v8 =	vld [tilespmem:s7+$0xD5E0];
	_ =	sdelay $0x1  }
0x168: {  	v54 =	vld [tilespmem:s7+$0xD1E0]  }
0x169: {  	v55 =	vbroadcast v10, $0xC;
	_ =	sdelay $0x1  }
0x16a: {  	v56 =	vor.u32 $0x4, v9;
	v8 =	vmul.f32 v8, v55  }
0x16b: {  	(v2sf) =	vpush v11, $0xE  }
0x16c: {  	v8 =	vadd.f32 v8, v54;
	_ =	sdelay $0x1  }
0x16d: {  	v8 =	vmax.f32 v8, $0.0e+00  }
0x16e: {  	s24 =	spop (v2sf);
	[tilespmem:v56+s29+$0x0] =	vst.idx.msk $0xffff, v8  }
0x16f: {  	v8 =	vld [tilespmem:s24+$0xD5E0];
	_ =	sdelay $0x1  }
0x170: {  	v57 =	vld [tilespmem:s24+$0xD1E0]  }
0x171: {  	v58 =	vbroadcast v10, $0xD;
	_ =	sdelay $0x1  }
0x172: {  	v59 =	vor.u32 $0x5, v9;
	v8 =	vmul.f32 v8, v58  }
0x173: {  	(v2sf) =	vpush v11, $0xF  }
0x174: {  	v8 =	vadd.f32 v8, v57;
	_ =	sdelay $0x1  }
0x175: {  	v8 =	vmax.f32 v8, $0.0e+00  }
0x176: {  	s7 =	spop (v2sf);
	[tilespmem:v59+s29+$0x0] =	vst.idx.msk $0xffff, v8  }
0x177: {  	v8 =	vld [tilespmem:s7+$0xD5E0];
	_ =	sdelay $0x1  }
0x178: {  	v60 =	vld [tilespmem:s7+$0xD1E0]  }
0x179: {  	v61 =	vbroadcast v10, $0xE;
	_ =	sdelay $0x1  }
0x17a: {  	v62 =	vor.u32 $0x6, v9;
	v8 =	vmul.f32 v8, v61;
	_ =	sdelay $0x1  }
0x17b: {  	v8 =	vadd.f32 v8, v60;
	_ =	sdelay $0x1  }
0x17c: {  	v8 =	vmax.f32 v8, $0.0e+00  }
0x17d: {  	s24 =	spop (v2sf);
	[tilespmem:v62+s29+$0x0] =	vst.idx.msk $0xffff, v8  }
0x17e: {  	v8 =	vld [tilespmem:s24+$0xD5E0];
	_ =	sdelay $0x1  }
0x17f: {  	v63 =	vld [tilespmem:s24+$0xD1E0]  }
0x180: {  	v10 =	vbroadcast v10, $0xF;
	_ =	sdelay $0x1  }
0x181: {  	p1 =	slt.u32 s11, $0x1E;
	v9 =	vor.u32 $0x7, v9;
	v8 =	vmul.f32 v8, v10  }
.Ltmp1:
0x182: {  	_ = 	snop;
	(pc) =	sbr.rel @p1 .LBB2_5-.Ltmp1, $3  }
0x183: {  	v8 =	vadd.f32 v8, v63;
	_ =	sdelay $0x1  }
0x184: {  	v8 =	vmax.f32 v8, $0.0e+00  }
0x185: {  	s14 =	sadd.s32 $0xC80, s14;
	s12 =	sadd.s32 $0x20, s12;
	[tilespmem:v9+s29+$0x0] =	vst.idx.msk $0xffff, v8  }
0x186: {  	s6 =	sshll.u32 s9, $0x13  }
0x187: {  	s6 =	sor.u32 s13, s6  }
0x188: {  	s6 =	sshrl.u32 s6, $0x3  }
0x189: {  	s6 =	sadd.s32 s2, s6  }
0x18a: {  	[hbm4b:s6+s30] =	stream.strided.scatter [tilespmem:s29], [sflag:$0x4], $0x2000, s31, s30, $0x38;
	[tilespmem:$0x119E0] =	vst v63  }
0x18b: {  	_ =	swait.ge [sflag:s1], $0x400  }
0x18c: {  	[sflag:s1] =	ssyncset.done $0x0  }
0x18d: {  	s6 =	simm.s32 $0x0;
	[sflag:s1] =	ssyncadd.s32 $0xFFFFFC00  }
0x18e: {  	v7 =	vor.u32 s6, v1;
	_ =	swait.ge [sflag:s1], $0x10  }
0x18f: {  	[sflag:s1] =	ssyncset.done $0x0  }
0x190: {  	[sflag:s1] =	ssyncadd.s32 $0xFFFFFFF0  }
0x191: {  	v6 =	vld [tilespmem:$0xD010];
	_ =	sdelay $0x1  }
0x192: {  	v8 =	vor.u32 s6, v0;
	v7 =	vld.idx.msk [tilespmem:v7+s22+$0x0], $0xffff  }
0x193: {  	s7 =	simm.s32 $0x1  }
0x194: {  	v9 =	vor.u32 s7, v1  }
0x195: {  	s11 =	simm.s32 $0x2;
	v10 =	vmov v6  }
.LBB2_7:
0x196: {  	p1 =	sne.s32 s11, $0x3F  }
0x197: {  	v6 =	vadd.f32 v7, v6;
	[tilespmem:v8+s26+$0x0] =	vst.idx.msk $0xffff, v7  }
0x198: {  	[tilespmem:v8+s28+$0x0] =	vst.idx.msk $0xffff, v10  }
.Ltmp2:
0x199: {  	s6 =	sadd.s32 $0x10, s6;
	v10 =	vmov v6;
	v7 =	vld.idx.msk [tilespmem:v9+s22+$0x0], $0xffff;
	(pc) =	sbr.rel @p1 .LBB2_7-.Ltmp2, $3  }
0x19a: {  	v8 =	vor.u32 s6, v0;
	_ =	sdelay $0x1  }
0x19b: {  	v9 =	vor.u32 s11, v1  }
0x19c: {  	s11 =	sadd.s32 $0x1, s11  }
0x19d: {  	_ =	sdelay $0x3  }
0x19e: {  	[tilespmem:v8+s26+$0x0] =	vst.idx.msk $0xffff, v7  }
0x19f: {  	s6 =	sadd.s32 $0x10, s6;
	[tilespmem:v8+s28+$0x0] =	vst.idx.msk $0xffff, v10  }
0x1a0: {  	v63 =	vor.u32 s6, v0;
	v8 =	vld.idx.msk [tilespmem:v9+s22+$0x0], $0xffff;
	_ =	sdelay $0x2  }
0x1a1: {  	s24 =	smin.u32 s10, $0x60  }
0x1a2: {  	v6 =	vadd.f32 v7, v6;
	s6 =	sadd.s32 $0x3, s24  }
0x1a3: {  	s7 =	sshll.u32 s6, $0x7;
	[tilespmem:v63+s26+$0x0] =	vst.idx.msk $0xffff, v8  }
0x1a4: {  	s6 =	sshll.u32 s6, $0x1;
	s7 =	sadd.s32 s4, s7;
	[tilespmem:v63+s28+$0x0] =	vst.idx.msk $0xffff, v6  }
0x1a5: {  	[tilespmem:s22], [sflag:$0x3] =	stream.linear.gather [hbm4b:s7+s3], $0x400, $0x38;
	[tilespmem:$0x119E0] =	vst v63  }
0x1a6: {  	s6 =	sadd.s32 s5, s6  }
0x1a7: {  	[tilespmem:s23], [sflag:$0x3] =	stream.linear.gather [hbm4b:s6+s3], $0x10, $0x38;
	[tilespmem:$0x119E0] =	vst v63  }
0x1a8: {  	s6 =	simm.s32 @!p0 $0x5  }
0x1a9: {  	_ =	swait.ge @!p0 [sflag:s6], $0x2000  }
0x1aa: {  	s10 =	sor.u32 $0x1, s10;
	s11 =	simm.s32 $0xFFFFFFFE;
	[sflag:s6] =	ssyncset.done @!p0 $0x0  }
0x1ab: {  	s12 =	simm.s32 $0x10;
	s14 =	simm.s32 $0x640;
	v6 =	vadd.s32 s10, v2;
	[sflag:s6] =	ssyncadd.s32 @!p0 $0xFFFFE000  }
.LBB2_9:
0x1ac: {  	s6 =	sadd.s32 $0xFFFFF9C0, s14  }
0x1ad: {  	v7 =	vadd.s32 s6, v6;
	_ =	sdelay $0x4  }
0x1ae: {  	v7 =	vld.idx.msk [tilespmem:v7+s3+$0x0], $0xffff;
	_ =	sdelay $0x4  }
0x1af: {  	v8 =	vmax.f32 v7, $-2.200000050e+00  }
0x1b0: {  	v8 =	vmin.f32 v8, $2.200000050e+00  }
0x1b1: {  	v8 =	vadd.f32 $2.200000050e+00, v8;
	_ =	sdelay $0x1  }
0x1b2: {  	v8 =	vmul.f32 $5.818181610e+01, v8;
	_ =	sdelay $0x1  }
0x1b3: {  	v8 =	vtrunc.f32 v8  }
0x1b4: {  	v8 =	vcvt.f32.s32 v8;
	_ =	sdelay $0x1  }
0x1b5: {  	vm0 =	vlt.s32 v8, $0xFF  }
0x1b6: {  	v8 =	vnsel vm0, $0xFF, v8;
	_ =	sdelay $0x4  }
0x1b7: {  	v8 =	vld.idx.msk [tilespmem:v8+s19+$0x0], $0xffff;
	_ =	sdelay $0x7  }
0x1b8: {  	v9 =	vld.idx.msk [tilespmem:v8+s15+$0x0], $0xffff;
	_ =	sdelay $0x4  }
0x1b9: {  	vm11 =	vlt.f32 v9, v7  }
0x1ba: {  	v9 =	vsel vm11, $0x1, v3  }
0x1bb: {  	v8 =	vadd.s32 v9, v8  }
0x1bc: {  	vm12 =	vlt.s32 v8, $0x3F  }
0x1bd: {  	v8 =	vnsel vm12, $0x3F, v8  }
0x1be: {  	v10 =	vshll.u32 v8, $0x4  }
0x1bf: {  	(v2sf) =	vpush v10, $0x0;
	_ =	sdelay $0x9  }
0x1c0: {  	v21 =	vld.idx.msk [tilespmem:v8+s17+$0x0], $0xffff  }
0x1c1: {  	(v2sf) =	vpush v10, $0x1  }
0x1c2: {  	v8 =	vld.idx.msk [tilespmem:v8+s18+$0x0], $0xffff;
	_ =	sdelay $0x2  }
0x1c3: {  	v7 =	vsub.f32 v7, v21;
	s7 =	spop (v2sf)  }
0x1c4: {  	v11 =	vld [tilespmem:s7+$0xD5E0]  }
0x1c5: {  	s11 =	sadd.s32 $0x2, s11;
	v9 =	vmul.f32 v8, v7  }
0x1c6: {  	s24 =	sshll.u32 s11, $0x7;
	v8 =	vld [tilespmem:s7+$0xD1E0]  }
0x1c7: {  	s6 =	sand.u32 $0xFFFFFC00, s24;
	v12 =	vbroadcast v9, $0x0;
	s7 =	sadd.s32 $0xFFFFFFF0, s12  }
0x1c8: {  	v7 =	vor.u32 s6, v4;
	s24 =	sand.u32 $0x60, s7  }
0x1c9: {  	v22 =	vor.u32 s24, v7;
	v11 =	vmul.f32 v11, v12  }
0x1ca: {  	(v2sf) =	vpush v10, $0x2  }
0x1cb: {  	v8 =	vadd.f32 v11, v8;
	_ =	sdelay $0x1  }
0x1cc: {  	v8 =	vmax.f32 v8, $0.0e+00  }
0x1cd: {  	s7 =	spop (v2sf);
	[tilespmem:v22+s0+$0x0] =	vst.idx.msk $0xffff, v8  }
0x1ce: {  	v8 =	vld [tilespmem:s7+$0xD5E0];
	_ =	sdelay $0x1  }
0x1cf: {  	v23 =	vld [tilespmem:s7+$0xD1E0]  }
0x1d0: {  	v13 =	vbroadcast v9, $0x1;
	_ =	sdelay $0x1  }
0x1d1: {  	v24 =	vor.u32 $0x1, v22;
	v8 =	vmul.f32 v8, v13  }
0x1d2: {  	(v2sf) =	vpush v10, $0x3  }
0x1d3: {  	v8 =	vadd.f32 v8, v23;
	_ =	sdelay $0x1  }
0x1d4: {  	v8 =	vmax.f32 v8, $0.0e+00  }
0x1d5: {  	s7 =	spop (v2sf);
	[tilespmem:v24+s0+$0x0] =	vst.idx.msk $0xffff, v8  }
0x1d6: {  	v8 =	vld [tilespmem:s7+$0xD5E0];
	_ =	sdelay $0x1  }
0x1d7: {  	v25 =	vld [tilespmem:s7+$0xD1E0]  }
0x1d8: {  	v26 =	vbroadcast v9, $0x2;
	_ =	sdelay $0x1  }
0x1d9: {  	v27 =	vor.u32 $0x2, v22;
	v8 =	vmul.f32 v8, v26  }
0x1da: {  	(v2sf) =	vpush v10, $0x4  }
0x1db: {  	v8 =	vadd.f32 v8, v25;
	_ =	sdelay $0x1  }
0x1dc: {  	v8 =	vmax.f32 v8, $0.0e+00  }
0x1dd: {  	s7 =	spop (v2sf);
	[tilespmem:v27+s0+$0x0] =	vst.idx.msk $0xffff, v8  }
0x1de: {  	v8 =	vld [tilespmem:s7+$0xD5E0];
	_ =	sdelay $0x1  }
0x1df: {  	v28 =	vld [tilespmem:s7+$0xD1E0]  }
0x1e0: {  	v29 =	vbroadcast v9, $0x3;
	_ =	sdelay $0x1  }
0x1e1: {  	v30 =	vor.u32 $0x3, v22;
	v8 =	vmul.f32 v8, v29  }
0x1e2: {  	(v2sf) =	vpush v10, $0x5  }
0x1e3: {  	v8 =	vadd.f32 v8, v28;
	_ =	sdelay $0x1  }
0x1e4: {  	v8 =	vmax.f32 v8, $0.0e+00  }
0x1e5: {  	s7 =	spop (v2sf);
	[tilespmem:v30+s0+$0x0] =	vst.idx.msk $0xffff, v8  }
0x1e6: {  	v8 =	vld [tilespmem:s7+$0xD5E0];
	_ =	sdelay $0x1  }
0x1e7: {  	v31 =	vld [tilespmem:s7+$0xD1E0]  }
0x1e8: {  	v32 =	vbroadcast v9, $0x4;
	_ =	sdelay $0x1  }
0x1e9: {  	v33 =	vor.u32 $0x4, v22;
	v8 =	vmul.f32 v8, v32  }
0x1ea: {  	(v2sf) =	vpush v10, $0x6  }
0x1eb: {  	v8 =	vadd.f32 v8, v31;
	_ =	sdelay $0x1  }
0x1ec: {  	v8 =	vmax.f32 v8, $0.0e+00  }
0x1ed: {  	s7 =	spop (v2sf);
	[tilespmem:v33+s0+$0x0] =	vst.idx.msk $0xffff, v8  }
0x1ee: {  	v8 =	vld [tilespmem:s7+$0xD5E0];
	_ =	sdelay $0x1  }
0x1ef: {  	v34 =	vld [tilespmem:s7+$0xD1E0]  }
0x1f0: {  	v35 =	vbroadcast v9, $0x5;
	_ =	sdelay $0x1  }
0x1f1: {  	v36 =	vor.u32 $0x5, v22;
	v8 =	vmul.f32 v8, v35  }
0x1f2: {  	(v2sf) =	vpush v10, $0x7  }
0x1f3: {  	v8 =	vadd.f32 v8, v34;
	_ =	sdelay $0x1  }
0x1f4: {  	v8 =	vmax.f32 v8, $0.0e+00  }
0x1f5: {  	s7 =	spop (v2sf);
	[tilespmem:v36+s0+$0x0] =	vst.idx.msk $0xffff, v8  }
0x1f6: {  	v8 =	vld [tilespmem:s7+$0xD5E0];
	_ =	sdelay $0x1  }
0x1f7: {  	v37 =	vld [tilespmem:s7+$0xD1E0]  }
0x1f8: {  	v38 =	vbroadcast v9, $0x6;
	_ =	sdelay $0x1  }
0x1f9: {  	v39 =	vor.u32 $0x6, v22;
	v8 =	vmul.f32 v8, v38  }
0x1fa: {  	(v2sf) =	vpush v10, $0x8  }
0x1fb: {  	v8 =	vadd.f32 v8, v37;
	_ =	sdelay $0x1  }
0x1fc: {  	v8 =	vmax.f32 v8, $0.0e+00  }
0x1fd: {  	s7 =	spop (v2sf);
	[tilespmem:v39+s0+$0x0] =	vst.idx.msk $0xffff, v8  }
0x1fe: {  	v8 =	vld [tilespmem:s7+$0xD5E0];
	_ =	sdelay $0x1  }
0x1ff: {  	v40 =	vld [tilespmem:s7+$0xD1E0]  }
0x200: {  	v41 =	vbroadcast v9, $0x7;
	_ =	sdelay $0x1  }
0x201: {  	v12 =	vor.u32 $0x7, v22;
	v8 =	vmul.f32 v8, v41  }
0x202: {  	(v2sf) =	vpush v10, $0x9  }
0x203: {  	v8 =	vadd.f32 v8, v40;
	_ =	sdelay $0x1  }
0x204: {  	v8 =	vmax.f32 v8, $0.0e+00  }
0x205: {  	s7 =	spop (v2sf);
	[tilespmem:v12+s0+$0x0] =	vst.idx.msk $0xffff, v8  }
0x206: {  	v42 =	vld [tilespmem:s7+$0xD5E0];
	_ =	sdelay $0x1  }
0x207: {  	v12 =	vld [tilespmem:s7+$0xD1E0]  }
0x208: {  	v43 =	vbroadcast v9, $0x8  }
0x209: {  	v8 =	vor.u32 s6, v5  }
0x20a: {  	v44 =	vor.u32 s24, v8;
	v11 =	vmul.f32 v42, v43  }
0x20b: {  	(v2sf) =	vpush v10, $0xA  }
0x20c: {  	v11 =	vadd.f32 v11, v12;
	_ =	sdelay $0x1  }
0x20d: {  	v11 =	vmax.f32 v11, $0.0e+00  }
0x20e: {  	s24 =	spop (v2sf);
	[tilespmem:v44+s0+$0x0] =	vst.idx.msk $0xffff, v11  }
0x20f: {  	v11 =	vld [tilespmem:s24+$0xD5E0];
	_ =	sdelay $0x1  }
0x210: {  	v45 =	vld [tilespmem:s24+$0xD1E0]  }
0x211: {  	v14 =	vbroadcast v9, $0x9;
	_ =	sdelay $0x1  }
0x212: {  	v46 =	vor.u32 $0x1, v44;
	v11 =	vmul.f32 v11, v14  }
0x213: {  	(v2sf) =	vpush v10, $0xB  }
0x214: {  	v11 =	vadd.f32 v11, v45;
	_ =	sdelay $0x1  }
0x215: {  	v11 =	vmax.f32 v11, $0.0e+00  }
0x216: {  	s7 =	spop (v2sf);
	[tilespmem:v46+s0+$0x0] =	vst.idx.msk $0xffff, v11  }
0x217: {  	v11 =	vld [tilespmem:s7+$0xD5E0];
	_ =	sdelay $0x1  }
0x218: {  	v47 =	vld [tilespmem:s7+$0xD1E0]  }
0x219: {  	v48 =	vbroadcast v9, $0xA;
	_ =	sdelay $0x1  }
0x21a: {  	v49 =	vor.u32 $0x2, v44;
	v11 =	vmul.f32 v11, v48  }
0x21b: {  	(v2sf) =	vpush v10, $0xC  }
0x21c: {  	v11 =	vadd.f32 v11, v47;
	_ =	sdelay $0x1  }
0x21d: {  	v11 =	vmax.f32 v11, $0.0e+00  }
0x21e: {  	s24 =	spop (v2sf);
	[tilespmem:v49+s0+$0x0] =	vst.idx.msk $0xffff, v11  }
0x21f: {  	v11 =	vld [tilespmem:s24+$0xD5E0];
	_ =	sdelay $0x1  }
0x220: {  	v50 =	vld [tilespmem:s24+$0xD1E0]  }
0x221: {  	v51 =	vbroadcast v9, $0xB;
	_ =	sdelay $0x1  }
0x222: {  	v52 =	vor.u32 $0x3, v44;
	v11 =	vmul.f32 v11, v51  }
0x223: {  	(v2sf) =	vpush v10, $0xD  }
0x224: {  	v11 =	vadd.f32 v11, v50;
	_ =	sdelay $0x1  }
0x225: {  	v11 =	vmax.f32 v11, $0.0e+00  }
0x226: {  	s7 =	spop (v2sf);
	[tilespmem:v52+s0+$0x0] =	vst.idx.msk $0xffff, v11  }
0x227: {  	v11 =	vld [tilespmem:s7+$0xD5E0];
	_ =	sdelay $0x1  }
0x228: {  	v53 =	vld [tilespmem:s7+$0xD1E0]  }
0x229: {  	v54 =	vbroadcast v9, $0xC;
	_ =	sdelay $0x1  }
0x22a: {  	v55 =	vor.u32 $0x4, v44;
	v11 =	vmul.f32 v11, v54  }
0x22b: {  	(v2sf) =	vpush v10, $0xE  }
0x22c: {  	v11 =	vadd.f32 v11, v53;
	_ =	sdelay $0x1  }
0x22d: {  	v11 =	vmax.f32 v11, $0.0e+00  }
0x22e: {  	s24 =	spop (v2sf);
	[tilespmem:v55+s0+$0x0] =	vst.idx.msk $0xffff, v11  }
0x22f: {  	v11 =	vld [tilespmem:s24+$0xD5E0];
	_ =	sdelay $0x1  }
0x230: {  	v56 =	vld [tilespmem:s24+$0xD1E0]  }
0x231: {  	v57 =	vbroadcast v9, $0xD;
	_ =	sdelay $0x1  }
0x232: {  	v58 =	vor.u32 $0x5, v44;
	v11 =	vmul.f32 v11, v57  }
0x233: {  	(v2sf) =	vpush v10, $0xF  }
0x234: {  	v59 =	vadd.f32 v11, v56;
	_ =	sdelay $0x1  }
0x235: {  	v10 =	vmax.f32 v59, $0.0e+00  }
0x236: {  	s7 =	spop (v2sf);
	[tilespmem:v58+s0+$0x0] =	vst.idx.msk $0xffff, v10  }
0x237: {  	v10 =	vld [tilespmem:s7+$0xD5E0];
	_ =	sdelay $0x1  }
0x238: {  	v60 =	vld [tilespmem:s7+$0xD1E0]  }
0x239: {  	v61 =	vbroadcast v9, $0xE;
	_ =	sdelay $0x1  }
0x23a: {  	v62 =	vor.u32 $0x6, v44;
	v10 =	vmul.f32 v10, v61;
	_ =	sdelay $0x1  }
0x23b: {  	v10 =	vadd.f32 v10, v60;
	_ =	sdelay $0x1  }
0x23c: {  	v10 =	vmax.f32 v10, $0.0e+00  }
0x23d: {  	s24 =	spop (v2sf);
	[tilespmem:v62+s0+$0x0] =	vst.idx.msk $0xffff, v10  }
0x23e: {  	v10 =	vld [tilespmem:s24+$0xD5E0];
	_ =	sdelay $0x1  }
0x23f: {  	v63 =	vld [tilespmem:s24+$0xD1E0]  }
0x240: {  	v9 =	vbroadcast v9, $0xF;
	_ =	sdelay $0x1  }
0x241: {  	v16 =	vor.u32 $0x7, v44;
	v9 =	vmul.f32 v10, v9  }
0x242: {  	v17 =	vadd.s32 s14, v6  }
0x243: {  	v9 =	vadd.f32 v9, v63;
	_ =	sdelay $0x1  }
0x244: {  	v9 =	vmax.f32 v9, $0.0e+00  }
0x245: {  	[tilespmem:v16+s0+$0x0] =	vst.idx.msk $0xffff, v9  }
0x246: {  	v9 =	vld.idx.msk [tilespmem:v17+s3+$0x0], $0xffff;
	_ =	sdelay $0x4  }
0x247: {  	v18 =	vmax.f32 v9, $-2.200000050e+00  }
0x248: {  	v10 =	vmin.f32 v18, $2.200000050e+00  }
0x249: {  	v10 =	vadd.f32 $2.200000050e+00, v10;
	_ =	sdelay $0x1  }
0x24a: {  	v10 =	vmul.f32 $5.818181610e+01, v10;
	_ =	sdelay $0x1  }
0x24b: {  	v10 =	vtrunc.f32 v10  }
0x24c: {  	v10 =	vcvt.f32.s32 v10;
	_ =	sdelay $0x1  }
0x24d: {  	vm13 =	vlt.s32 v10, $0xFF  }
0x24e: {  	v10 =	vnsel vm13, $0xFF, v10;
	_ =	sdelay $0x4  }
0x24f: {  	v10 =	vld.idx.msk [tilespmem:v10+s19+$0x0], $0xffff;
	_ =	sdelay $0x7  }
0x250: {  	v19 =	vld.idx.msk [tilespmem:v10+s15+$0x0], $0xffff;
	_ =	sdelay $0x4  }
0x251: {  	vm14 =	vlt.f32 v19, v9  }
0x252: {  	v11 =	vsel vm14, $0x1, v3  }
0x253: {  	v10 =	vadd.s32 v11, v10  }
0x254: {  	vm15 =	vlt.s32 v10, $0x3F  }
0x255: {  	v11 =	vnsel vm15, $0x3F, v10  }
0x256: {  	v10 =	vshll.u32 v11, $0x4  }
0x257: {  	(v2sf) =	vpush v10, $0x0;
	_ =	sdelay $0x9  }
0x258: {  	v20 =	vld.idx.msk [tilespmem:v11+s17+$0x0], $0xffff  }
0x259: {  	(v2sf) =	vpush v10, $0x1  }
0x25a: {  	v11 =	vld.idx.msk [tilespmem:v11+s18+$0x0], $0xffff;
	_ =	sdelay $0x2  }
0x25b: {  	v9 =	vsub.f32 v9, v20;
	s7 =	spop (v2sf)  }
0x25c: {  	v21 =	vld [tilespmem:s7+$0xD5E0]  }
0x25d: {  	v9 =	vmul.f32 v11, v9  }
0x25e: {  	v22 =	vld [tilespmem:s7+$0xD1E0]  }
0x25f: {  	v23 =	vbroadcast v9, $0x0  }
0x260: {  	s6 =	sand.u32 $0x70, s12  }
0x261: {  	v7 =	vor.u32 s6, v7;
	v12 =	vmul.f32 v21, v23  }
0x262: {  	(v2sf) =	vpush v10, $0x2  }
0x263: {  	v11 =	vadd.f32 v12, v22;
	_ =	sdelay $0x1  }
0x264: {  	v11 =	vmax.f32 v11, $0.0e+00  }
0x265: {  	s24 =	spop (v2sf);
	[tilespmem:v7+s0+$0x0] =	vst.idx.msk $0xffff, v11  }
0x266: {  	v11 =	vld [tilespmem:s24+$0xD5E0];
	_ =	sdelay $0x1  }
0x267: {  	v24 =	vld [tilespmem:s24+$0xD1E0]  }
0x268: {  	v25 =	vbroadcast v9, $0x1;
	_ =	sdelay $0x1  }
0x269: {  	v26 =	vor.u32 $0x1, v7;
	v11 =	vmul.f32 v11, v25  }
0x26a: {  	(v2sf) =	vpush v10, $0x3  }
0x26b: {  	v11 =	vadd.f32 v11, v24;
	_ =	sdelay $0x1  }
0x26c: {  	v11 =	vmax.f32 v11, $0.0e+00  }
0x26d: {  	s24 =	spop (v2sf);
	[tilespmem:v26+s0+$0x0] =	vst.idx.msk $0xffff, v11  }
0x26e: {  	v11 =	vld [tilespmem:s24+$0xD5E0];
	_ =	sdelay $0x1  }
0x26f: {  	v27 =	vld [tilespmem:s24+$0xD1E0]  }
0x270: {  	v28 =	vbroadcast v9, $0x2;
	_ =	sdelay $0x1  }
0x271: {  	v29 =	vor.u32 $0x2, v7;
	v11 =	vmul.f32 v11, v28  }
0x272: {  	(v2sf) =	vpush v10, $0x4  }
0x273: {  	v11 =	vadd.f32 v11, v27;
	_ =	sdelay $0x1  }
0x274: {  	v11 =	vmax.f32 v11, $0.0e+00  }
0x275: {  	s24 =	spop (v2sf);
	[tilespmem:v29+s0+$0x0] =	vst.idx.msk $0xffff, v11  }
0x276: {  	v11 =	vld [tilespmem:s24+$0xD5E0];
	_ =	sdelay $0x1  }
0x277: {  	v30 =	vld [tilespmem:s24+$0xD1E0]  }
0x278: {  	v31 =	vbroadcast v9, $0x3;
	_ =	sdelay $0x1  }
0x279: {  	v32 =	vor.u32 $0x3, v7;
	v11 =	vmul.f32 v11, v31  }
0x27a: {  	(v2sf) =	vpush v10, $0x5  }
0x27b: {  	v11 =	vadd.f32 v11, v30;
	_ =	sdelay $0x1  }
0x27c: {  	v11 =	vmax.f32 v11, $0.0e+00  }
0x27d: {  	s24 =	spop (v2sf);
	[tilespmem:v32+s0+$0x0] =	vst.idx.msk $0xffff, v11  }
0x27e: {  	v11 =	vld [tilespmem:s24+$0xD5E0];
	_ =	sdelay $0x1  }
0x27f: {  	v33 =	vld [tilespmem:s24+$0xD1E0]  }
0x280: {  	v34 =	vbroadcast v9, $0x4;
	_ =	sdelay $0x1  }
0x281: {  	v35 =	vor.u32 $0x4, v7;
	v11 =	vmul.f32 v11, v34  }
0x282: {  	(v2sf) =	vpush v10, $0x6  }
0x283: {  	v11 =	vadd.f32 v11, v33;
	_ =	sdelay $0x1  }
0x284: {  	v11 =	vmax.f32 v11, $0.0e+00  }
0x285: {  	s24 =	spop (v2sf);
	[tilespmem:v35+s0+$0x0] =	vst.idx.msk $0xffff, v11  }
0x286: {  	v11 =	vld [tilespmem:s24+$0xD5E0];
	_ =	sdelay $0x1  }
0x287: {  	v36 =	vld [tilespmem:s24+$0xD1E0]  }
0x288: {  	v37 =	vbroadcast v9, $0x5;
	_ =	sdelay $0x1  }
0x289: {  	v38 =	vor.u32 $0x5, v7;
	v11 =	vmul.f32 v11, v37  }
0x28a: {  	(v2sf) =	vpush v10, $0x7  }
0x28b: {  	v11 =	vadd.f32 v11, v36;
	_ =	sdelay $0x1  }
0x28c: {  	v11 =	vmax.f32 v11, $0.0e+00  }
0x28d: {  	s24 =	spop (v2sf);
	[tilespmem:v38+s0+$0x0] =	vst.idx.msk $0xffff, v11  }
0x28e: {  	v11 =	vld [tilespmem:s24+$0xD5E0];
	_ =	sdelay $0x1  }
0x28f: {  	v39 =	vld [tilespmem:s24+$0xD1E0]  }
0x290: {  	v40 =	vbroadcast v9, $0x6;
	_ =	sdelay $0x1  }
0x291: {  	v41 =	vor.u32 $0x6, v7;
	v11 =	vmul.f32 v11, v40  }
0x292: {  	(v2sf) =	vpush v10, $0x8  }
0x293: {  	v11 =	vadd.f32 v11, v39;
	_ =	sdelay $0x1  }
0x294: {  	v11 =	vmax.f32 v11, $0.0e+00  }
0x295: {  	s24 =	spop (v2sf);
	[tilespmem:v41+s0+$0x0] =	vst.idx.msk $0xffff, v11  }
0x296: {  	v11 =	vld [tilespmem:s24+$0xD5E0];
	_ =	sdelay $0x1  }
0x297: {  	v42 =	vld [tilespmem:s24+$0xD1E0]  }
0x298: {  	v43 =	vbroadcast v9, $0x7;
	_ =	sdelay $0x1  }
0x299: {  	v7 =	vor.u32 $0x7, v7;
	v11 =	vmul.f32 v11, v43  }
0x29a: {  	(v2sf) =	vpush v10, $0x9  }
0x29b: {  	v11 =	vadd.f32 v11, v42;
	_ =	sdelay $0x1  }
0x29c: {  	v11 =	vmax.f32 v11, $0.0e+00  }
0x29d: {  	s24 =	spop (v2sf);
	[tilespmem:v7+s0+$0x0] =	vst.idx.msk $0xffff, v11  }
0x29e: {  	v7 =	vld [tilespmem:s24+$0xD5E0];
	_ =	sdelay $0x1  }
0x29f: {  	v11 =	vld [tilespmem:s24+$0xD1E0]  }
0x2a0: {  	v44 =	vbroadcast v9, $0x8;
	_ =	sdelay $0x1  }
0x2a1: {  	v8 =	vor.u32 s6, v8;
	v7 =	vmul.f32 v7, v44  }
0x2a2: {  	(v2sf) =	vpush v10, $0xA  }
0x2a3: {  	v7 =	vadd.f32 v7, v11;
	_ =	sdelay $0x1  }
0x2a4: {  	v7 =	vmax.f32 v7, $0.0e+00  }
0x2a5: {  	s24 =	spop (v2sf);
	[tilespmem:v8+s0+$0x0] =	vst.idx.msk $0xffff, v7  }
0x2a6: {  	v7 =	vld [tilespmem:s24+$0xD5E0];
	_ =	sdelay $0x1  }
0x2a7: {  	v45 =	vld [tilespmem:s24+$0xD1E0]  }
0x2a8: {  	v46 =	vbroadcast v9, $0x9;
	_ =	sdelay $0x1  }
0x2a9: {  	v47 =	vor.u32 $0x1, v8;
	v7 =	vmul.f32 v7, v46  }
0x2aa: {  	(v2sf) =	vpush v10, $0xB  }
0x2ab: {  	v7 =	vadd.f32 v7, v45;
	_ =	sdelay $0x1  }
0x2ac: {  	v7 =	vmax.f32 v7, $0.0e+00  }
0x2ad: {  	s7 =	spop (v2sf);
	[tilespmem:v47+s0+$0x0] =	vst.idx.msk $0xffff, v7  }
0x2ae: {  	v7 =	vld [tilespmem:s7+$0xD5E0];
	_ =	sdelay $0x1  }
0x2af: {  	v48 =	vld [tilespmem:s7+$0xD1E0]  }
0x2b0: {  	v49 =	vbroadcast v9, $0xA;
	_ =	sdelay $0x1  }
0x2b1: {  	v50 =	vor.u32 $0x2, v8;
	v7 =	vmul.f32 v7, v49  }
0x2b2: {  	(v2sf) =	vpush v10, $0xC  }
0x2b3: {  	v7 =	vadd.f32 v7, v48;
	_ =	sdelay $0x1  }
0x2b4: {  	v7 =	vmax.f32 v7, $0.0e+00  }
0x2b5: {  	s24 =	spop (v2sf);
	[tilespmem:v50+s0+$0x0] =	vst.idx.msk $0xffff, v7  }
0x2b6: {  	v7 =	vld [tilespmem:s24+$0xD5E0];
	_ =	sdelay $0x1  }
0x2b7: {  	v51 =	vld [tilespmem:s24+$0xD1E0]  }
0x2b8: {  	v52 =	vbroadcast v9, $0xB;
	_ =	sdelay $0x1  }
0x2b9: {  	v53 =	vor.u32 $0x3, v8;
	v7 =	vmul.f32 v7, v52  }
0x2ba: {  	(v2sf) =	vpush v10, $0xD  }
0x2bb: {  	v7 =	vadd.f32 v7, v51;
	_ =	sdelay $0x1  }
0x2bc: {  	v7 =	vmax.f32 v7, $0.0e+00  }
0x2bd: {  	s7 =	spop (v2sf);
	[tilespmem:v53+s0+$0x0] =	vst.idx.msk $0xffff, v7  }
0x2be: {  	v7 =	vld [tilespmem:s7+$0xD5E0];
	_ =	sdelay $0x1  }
0x2bf: {  	v54 =	vld [tilespmem:s7+$0xD1E0]  }
0x2c0: {  	v55 =	vbroadcast v9, $0xC;
	_ =	sdelay $0x1  }
0x2c1: {  	v56 =	vor.u32 $0x4, v8;
	v7 =	vmul.f32 v7, v55  }
0x2c2: {  	(v2sf) =	vpush v10, $0xE  }
0x2c3: {  	v7 =	vadd.f32 v7, v54;
	_ =	sdelay $0x1  }
0x2c4: {  	v7 =	vmax.f32 v7, $0.0e+00  }
0x2c5: {  	s24 =	spop (v2sf);
	[tilespmem:v56+s0+$0x0] =	vst.idx.msk $0xffff, v7  }
0x2c6: {  	v7 =	vld [tilespmem:s24+$0xD5E0];
	_ =	sdelay $0x1  }
0x2c7: {  	v57 =	vld [tilespmem:s24+$0xD1E0]  }
0x2c8: {  	v58 =	vbroadcast v9, $0xD;
	_ =	sdelay $0x1  }
0x2c9: {  	v59 =	vor.u32 $0x5, v8;
	v7 =	vmul.f32 v7, v58  }
0x2ca: {  	(v2sf) =	vpush v10, $0xF  }
0x2cb: {  	v7 =	vadd.f32 v7, v57;
	_ =	sdelay $0x1  }
0x2cc: {  	v7 =	vmax.f32 v7, $0.0e+00  }
0x2cd: {  	s7 =	spop (v2sf);
	[tilespmem:v59+s0+$0x0] =	vst.idx.msk $0xffff, v7  }
0x2ce: {  	v7 =	vld [tilespmem:s7+$0xD5E0];
	_ =	sdelay $0x1  }
0x2cf: {  	v60 =	vld [tilespmem:s7+$0xD1E0]  }
0x2d0: {  	v61 =	vbroadcast v9, $0xE;
	_ =	sdelay $0x1  }
0x2d1: {  	v62 =	vor.u32 $0x6, v8;
	v7 =	vmul.f32 v7, v61;
	_ =	sdelay $0x1  }
0x2d2: {  	v7 =	vadd.f32 v7, v60;
	_ =	sdelay $0x1  }
0x2d3: {  	v7 =	vmax.f32 v7, $0.0e+00  }
0x2d4: {  	s24 =	spop (v2sf);
	[tilespmem:v62+s0+$0x0] =	vst.idx.msk $0xffff, v7  }
0x2d5: {  	v7 =	vld [tilespmem:s24+$0xD5E0];
	_ =	sdelay $0x1  }
0x2d6: {  	v63 =	vld [tilespmem:s24+$0xD1E0]  }
0x2d7: {  	v9 =	vbroadcast v9, $0xF;
	_ =	sdelay $0x1  }
0x2d8: {  	p0 =	slt.u32 s11, $0x1E;
	v8 =	vor.u32 $0x7, v8;
	v7 =	vmul.f32 v7, v9  }
.Ltmp3:
0x2d9: {  	_ = 	snop;
	(pc) =	sbr.rel @p0 .LBB2_9-.Ltmp3, $3  }
0x2da: {  	v7 =	vadd.f32 v7, v63;
	_ =	sdelay $0x1  }
0x2db: {  	v7 =	vmax.f32 v7, $0.0e+00  }
0x2dc: {  	s14 =	sadd.s32 $0xC80, s14;
	s12 =	sadd.s32 $0x20, s12;
	[tilespmem:v8+s0+$0x0] =	vst.idx.msk $0xffff, v7  }
0x2dd: {  	s9 =	sadd.s32 $0x1, s9  }
0x2de: {  	p0 =	sne.s32 s9, $0x32  }
.Ltmp4:
0x2df: {  	s6 =	sshll.u32 s10, $0x12;
	(pc) =	sbr.rel @p0 .LBB2_2-.Ltmp4, $4  }
0x2e0: {  	s6 =	sor.u32 s13, s6  }
0x2e1: {  	s6 =	sshrl.u32 s6, $0x3  }
0x2e2: {  	s6 =	sadd.s32 s2, s6  }
0x2e3: {  	[hbm4b:s6+s30] =	stream.strided.scatter [tilespmem:s0], [sflag:$0x5], $0x2000, s31, s30, $0x38;
	[tilespmem:$0x119E0] =	vst v63  }
0x2e4: {  	s6 =	simm.s32 $0x4  }
0x2e5: {  	_ =	swait.ge [sflag:s6], $0x2000  }
0x2e6: {  	[sflag:s6] =	ssyncset.done $0x0  }
0x2e7: {  	s14 =	simm.s32 $0x5;
	[sflag:s6] =	ssyncadd.s32 $0xFFFFE000  }
0x2e8: {  	_ =	swait.ge [sflag:s14], $0x2000  }
0x2e9: {  	[sflag:s14] =	ssyncset.done $0x0  }
0x2ea: {  	[sflag:s14] =	ssyncadd.s32 $0xFFFFE000  }
0x2eb: {  	_ =	swait.ge [sflag:s25], $0x400  }
0x2ec: {  	[sflag:s25] =	ssyncset.done $0x0  }
0x2ed: {  	[sflag:s25] =	ssyncadd.s32 $0xFFFFFC00  }
0x2ee: {  	_ =	swait.ge [sflag:s25], $0x10  }
0x2ef: {  	[sflag:s25] =	ssyncset.done $0x0  }
0x2f0: {  	[sflag:s25] =	ssyncadd.s32 $0xFFFFFFF0  }
0x2f1: {  	_ =	swait.ge [sflag:s1], $0x400  }
0x2f2: {  	[sflag:s1] =	ssyncset.done $0x0  }
0x2f3: {  	[sflag:s1] =	ssyncadd.s32 $0xFFFFFC00  }
0x2f4: {  	_ =	swait.ge [sflag:s1], $0x10  }
0x2f5: {  	s8 =	sadd.s32 $0x1, s8;
	s24 =	rddreg [dreg:$0xa]  }
0x2f6: {  	p0 =	sne.s32 s8, s24  }
.Ltmp5:
0x2f7: {  	_ = 	snop;
	(pc) =	sbr.rel @p0 .LBB2_1-.Ltmp5, $3  }
0x2f8: {  	_ =	sdelay $0x1  }
0x2f9: {  	[sflag:s1] =	ssyncset.done $0x0  }
0x2fa: {  	[sflag:s1] =	ssyncadd.s32 $0xFFFFFFF0  }
0x2fb: {  	_ =	sfence.sel $0x180000  }
0x2fc: {  	[bflag:$0x0] =	sbarrier.arrive $0xFFFF  }
0x2fd: {  	_ =	strace $0x90000047  }
0x2fe: {  	s0 =	stileid.u32;
	[bflag:$0x2] =	sbarrier.arrive $0xFFFF  }
0x2ff: {  	p0 =	sne.s32 s0, $0x0;
	s0 =	rddreg [dreg:$0x2]  }
0x300: {  	s0 =	sadd.s32 @!p0 $0x100000, s0  }
0x301: {  	[sflag:s0] =	ssyncadd.tile.s32 @!p0 $0x1;
	_ =	shalt  }
.Lfunc_end2:
_tile_overlayer_lowered:
.L_overlay_start_2:
0x302: {  	(tag) =	ssettag $0x2  }
0x303: {  	s0 =	rddreg [dreg:$0x0];
	s2 =	stileid.u32  }
0x304: {  	s1 =	rddreg [dreg:$0x1];
	p0 =	sne.s32 s2, $0x0  }
0x305: {  	s3 =	rddreg [dreg:$0x2];
	[bflag:$0x3] =	sbarrier.arrive $0xFFFF;
	s2 =	simm.s32 @!p0 $0x1C06  }
0x306: {  	[timem:s3], [sflag:s2] =	dma.local @!p0 [hbm:s0], s1  }
0x307: {  	s0 =	simm.s32 @!p0 $0x6  }
0x308: {  	_ =	swait.ge @!p0 [sflag:s0], s1  }
0x309: {  	s1 =	ssub.s32 @!p0 $0x0, s1;
	[sflag:s0] =	ssyncset.done @!p0 $0x0  }
0x30a: {  	[sflag:s0] =	ssyncadd.s32 @!p0 s1  }
0x30b: {  	[bflag:$0x3] =	sbarrier.arrive $0xFFFF  }
0x30c: {  	_ =	shalt  }

</sc_bundles>
